<compile_context>
chip_gen: v7x
topology: tpu7x:2x2x1
jax: 0.10.2.dev20260603
libtpu: 0.0.44.dev20260713+nightly
codegen_flags: <defaults>
</compile_context>

<pallas_src>
import jax
import jax.numpy as jnp
from jax import lax
from jax.experimental import pallas as pl
from jax.experimental.pallas import tpu as pltpu
from jax.experimental.pallas import tpu_sc as plsc

_N = 10000
_E = 320000
_D = 128
_H = 128
_P = 100

_NP = 10240
_EP = 327680
_EROWS = 2560
_CHUNK = 128
_TILES = 16
_RPT = _NP // _TILES
_ECHUNKS = _EROWS // _TILES
_BLK = 1024
_NBLK = _NP // _BLK



def _deg_body(dst_hbm, out_hbm, dst_v, ones_v, buf_v, acc_sh):
    c = lax.axis_index("c")
    s = lax.axis_index("s")
    w = c * _TILES + s
    rows = _EROWS // 32
    r0 = s * _RPT

    def fill_zero(i, carry):
        j = i // 8
        k = i % 8
        buf_v[j, pl.ds(k * 16, 16)] = jnp.zeros((16,), jnp.float32)
        return carry
    lax.fori_loop(0, 160 * 8, fill_zero, 0)

    def fill_one(i, carry):
        j = i // 8
        k = i % 8
        ones_v[j, pl.ds(k * 16, 16)] = jnp.ones((16,), jnp.float32)
        return carry
    lax.fori_loop(0, _CHUNK * 8, fill_one, 0)

    def init(t, carry):
        pltpu.sync_copy(buf_v, acc_sh.at[pl.ds(r0 + t * 160, 160)])
        return carry
    lax.fori_loop(0, _RPT // 160, init, 0)

    pltpu.sync_copy(dst_hbm.at[pl.ds(w * rows, rows)], dst_v)
    plsc.subcore_barrier()

    def upd(j, carry):
        pltpu.sync_copy(ones_v, acc_sh.at[dst_v.at[j]], add=True)
        return carry
    lax.fori_loop(0, rows, upd, 0)

    plsc.subcore_barrier()

    def dump(t, carry):
        pltpu.sync_copy(acc_sh.at[pl.ds(r0 + t * 160, 160)], buf_v)
        pltpu.sync_copy(buf_v, out_hbm.at[c, pl.ds(r0 + t * 160, 160)])
        return carry
    lax.fori_loop(0, _RPT // 160, dump, 0)


def _sc_degree(dst2d):
    mesh = plsc.VectorSubcoreMesh(core_axis_name="c", subcore_axis_name="s")
    f = pl.kernel(
        _deg_body,
        mesh=mesh,
        out_type=jax.ShapeDtypeStruct((2, _NP, _H), jnp.float32),
        scratch_types=[
            pltpu.VMEM((_EROWS // 32, _CHUNK), jnp.int32),
            pltpu.VMEM((_CHUNK, _H), jnp.float32),
            pltpu.VMEM((160, _H), jnp.float32),
            pltpu.VMEM_SHARED((_NP, _H), jnp.float32),
        ],
    )
    return f(dst2d)



_HALF = _NP // 2
_ACCR = _HALF + 128
_RPT2 = _HALF // _TILES
_PCH = 40


def _seg_body(src_hbm, dst_hbm, hs_hbm, out_hbm, src_v, dst_v, rowa_v, rowb_v,
              rowc_v, rowd_v, acc_sh, sema, semb, semc, semd, ssa, ssb, ssc, ssd):
    c = lax.axis_index("c")
    s = lax.axis_index("s")
    r0 = s * _RPT2
    buf = rowa_v.at[pl.ds(0, 64)]
    bufs = [rowa_v, rowb_v, rowc_v, rowd_v]
    sems = [sema, semb, semc, semd]
    ssems = [ssa, ssb, ssc, ssd]

    def drain(b):
        pltpu.make_async_copy(hs_hbm.at[pl.ds(0, _CHUNK)], bufs[b], ssems[b]).wait()

    def init(t, carry):
        pltpu.sync_copy(hs_hbm.at[pl.ds(c * _HALF + r0 + t * 64, 64)], buf)
        pltpu.sync_copy(buf, acc_sh.at[pl.ds(r0 + t * 64, 64)])
        return carry
    lax.fori_loop(0, _RPT2 // 64, init, 0)

    plsc.subcore_barrier()

    def phase(p, carry):
        pltpu.sync_copy(src_hbm.at[pl.ds(s * _ECHUNKS + p * _PCH, _PCH)], src_v)
        pltpu.sync_copy(
            dst_hbm.at[pl.ds((c * _TILES + s) * _ECHUNKS + p * _PCH, _PCH)], dst_v)

        @pl.when(p > 0)
        def _():
            for b in range(4):
                drain(b)

        for b in range(4):
            pltpu.async_copy(hs_hbm.at[src_v.at[b]], bufs[b], sems[b])

        def ring(t, carry2):
            j0 = t * 4
            for b in range(4):
                jb = j0 + b
                pltpu.make_async_copy(
                    hs_hbm.at[pl.ds(0, _CHUNK)], bufs[b], sems[b]).wait()
                pltpu.async_copy(bufs[b], acc_sh.at[dst_v.at[jb]], ssems[b],
                                 add=True)

                @pl.when(jb + 4 < _PCH)
                def _(b=b, jb=jb):
                    drain(b)
                    pltpu.async_copy(hs_hbm.at[src_v.at[jb + 4]], bufs[b], sems[b])
            return carry2
        lax.fori_loop(0, _PCH // 4, ring, 0)
        return carry
    lax.fori_loop(0, _ECHUNKS // _PCH, phase, 0)

    for b in range(4):
        drain(b)

    plsc.subcore_barrier()

    def dump(t, carry):
        pltpu.sync_copy(acc_sh.at[pl.ds(r0 + t * 64, 64)], buf)
        pltpu.sync_copy(buf, out_hbm.at[c, pl.ds(r0 + t * 64, 64)])
        return carry
    lax.fori_loop(0, _RPT2 // 64, dump, 0)


def _sc_segsum(src2d, dstc, hs):
    mesh = plsc.VectorSubcoreMesh(core_axis_name="c", subcore_axis_name="s")
    f = pl.kernel(
        _seg_body,
        mesh=mesh,
        out_type=jax.ShapeDtypeStruct((2, _HALF, _H), jnp.float32),
        scratch_types=[
            pltpu.VMEM((_PCH, _CHUNK), jnp.int32),
            pltpu.VMEM((_PCH, _CHUNK), jnp.int32),
            pltpu.VMEM((_CHUNK, _H), jnp.float32),
            pltpu.VMEM((_CHUNK, _H), jnp.float32),
            pltpu.VMEM((_CHUNK, _H), jnp.float32),
            pltpu.VMEM((_CHUNK, _H), jnp.float32),
            pltpu.VMEM_SHARED((_ACCR, _H), jnp.float32),
            pltpu.SemaphoreType.DMA,
            pltpu.SemaphoreType.DMA,
            pltpu.SemaphoreType.DMA,
            pltpu.SemaphoreType.DMA,
            pltpu.SemaphoreType.DMA,
            pltpu.SemaphoreType.DMA,
            pltpu.SemaphoreType.DMA,
            pltpu.SemaphoreType.DMA,
        ],
    )
    return f(src2d, dstc, hs)



def _mm_scale_body(x_ref, w_ref, degp_ref, out_ref):
    dinv = lax.rsqrt(degp_ref[0, :, 0] + degp_ref[1, :, 0] + 1.0)
    h = jnp.dot(x_ref[...], w_ref[...], preferred_element_type=jnp.float32)
    out_ref[...] = h * dinv[:, None]


def _tc_matmul_scale(x_pad, w, degp):
    return pl.pallas_call(
        _mm_scale_body,
        grid=(_NBLK,),
        in_specs=[
            pl.BlockSpec((_BLK, _D), lambda i: (i, 0)),
            pl.BlockSpec((_D, _H), lambda i: (0, 0)),
            pl.BlockSpec((2, _BLK, _H), lambda i: (0, i, 0)),
        ],
        out_specs=pl.BlockSpec((_BLK, _H), lambda i: (i, 0)),
        out_shape=jax.ShapeDtypeStruct((_NP, _H), jnp.float32),
    )(x_pad, w, degp)


def _combine_body(agg_ref, b_ref, degp_ref, z_ref, st_ref, acc):
    i = pl.program_id(0)
    dinv = lax.rsqrt(degp_ref[0, :, 0] + degp_ref[1, :, 0] + 1.0)
    z = agg_ref[0]
    z = z * dinv[:, None] + b_ref[...]
    z_ref[...] = z
    rows = i * _BLK + lax.broadcasted_iota(jnp.int32, (_BLK, 1), 0)
    zm = jnp.where(rows < _N, z, 0.0)
    part = jnp.concatenate([
        jnp.sum(zm, axis=0, keepdims=True),
        jnp.sum(zm * zm, axis=0, keepdims=True),
    ], axis=0)

    @pl.when(i == 0)
    def _():
        acc[...] = jnp.zeros_like(acc)

    acc[...] += part
    st_ref[...] = acc[...]


def _tc_combine(agg, b_row, degp):
    return pl.pallas_call(
        _combine_body,
        grid=(_NBLK,),
        in_specs=[
            pl.BlockSpec((1, _BLK, _H), lambda i: (i // 5, i % 5, 0)),
            pl.BlockSpec((1, _H), lambda i: (0, 0)),
            pl.BlockSpec((2, _BLK, _H), lambda i: (0, i, 0)),
        ],
        out_specs=[
            pl.BlockSpec((_BLK, _H), lambda i: (i, 0)),
            pl.BlockSpec((2, _H), lambda i: (0, 0)),
        ],
        out_shape=[
            jax.ShapeDtypeStruct((_NP, _H), jnp.float32),
            jax.ShapeDtypeStruct((2, _H), jnp.float32),
        ],
        scratch_shapes=[pltpu.VMEM((2, _H), jnp.float32)],
    )(agg, b_row, degp)


def _norm_mm_body(z_ref, st_ref, w_ref, degp_ref, out_ref):
    mean = st_ref[0, :] / float(_N)
    var = st_ref[1, :] / float(_N) - mean * mean
    inv = lax.rsqrt(var + 1e-5)
    hn = jnp.maximum((z_ref[...] - mean[None, :]) * inv[None, :], 0.0)
    h = jnp.dot(hn, w_ref[...], preferred_element_type=jnp.float32)
    dinv = lax.rsqrt(degp_ref[0, :, 0] + degp_ref[1, :, 0] + 1.0)
    out_ref[...] = h * dinv[:, None]


def _tc_norm_matmul(z, st, w, degp):
    return pl.pallas_call(
        _norm_mm_body,
        grid=(_NBLK,),
        in_specs=[
            pl.BlockSpec((_BLK, _H), lambda i: (i, 0)),
            pl.BlockSpec((2, _H), lambda i: (0, 0)),
            pl.BlockSpec((_H, _H), lambda i: (0, 0)),
            pl.BlockSpec((2, _BLK, _H), lambda i: (0, i, 0)),
        ],
        out_specs=pl.BlockSpec((_BLK, _H), lambda i: (i, 0)),
        out_shape=jax.ShapeDtypeStruct((_NP, _H), jnp.float32),
    )(z, st, w, degp)


def _final_body(cur_ref, z_ref, zc_ref, st_ref, part_ref, h_ref, p_ref, acc):
    i = pl.program_id(0)
    mean = st_ref[0, :] / float(_N)
    var = st_ref[1, :] / float(_N) - mean * mean
    inv = lax.rsqrt(var + 1e-5)
    hb = jnp.maximum((z_ref[...] - mean[None, :]) * inv[None, :], 0.0)
    h_ref[...] = hb
    sub = cur_ref[0] % 8
    lane = lax.broadcasted_iota(jnp.int32, (8, 1), 0)
    zc = jnp.sum(jnp.where(lane == sub, zc_ref[...], 0.0), axis=0, keepdims=True)
    hc = jnp.maximum((zc - mean[None, :]) * inv[None, :], 0.0)
    scores = jnp.sum(hb * hc, axis=1, keepdims=True)
    rows = i * _BLK + lax.broadcasted_iota(jnp.int32, (_BLK, 1), 0)
    scores = jnp.where(rows < _N, scores, 0.0)
    contrib = jnp.sum(part_ref[...] * scores, axis=0, keepdims=True)

    @pl.when(i == 0)
    def _():
        acc[...] = jnp.zeros_like(acc)

    acc[...] += contrib
    p_ref[...] = acc[...]


def _tc_final(cur, z, st, part_pad):
    grid_spec = pltpu.PrefetchScalarGridSpec(
        num_scalar_prefetch=1,
        grid=(_NBLK,),
        in_specs=[
            pl.BlockSpec((_BLK, _H), lambda i, cur: (i, 0)),
            pl.BlockSpec((8, _H), lambda i, cur: (cur[0] // 8, 0)),
            pl.BlockSpec((2, _H), lambda i, cur: (0, 0)),
            pl.BlockSpec((_BLK, _H), lambda i, cur: (i, 0)),
        ],
        out_specs=[
            pl.BlockSpec((_BLK, _H), lambda i, cur: (i, 0)),
            pl.BlockSpec((1, _H), lambda i, cur: (0, 0)),
        ],
        scratch_shapes=[pltpu.VMEM((1, _H), jnp.float32)],
    )
    return pl.pallas_call(
        _final_body,
        grid_spec=grid_spec,
        out_shape=[
            jax.ShapeDtypeStruct((_N, _H), jnp.float32),
            jax.ShapeDtypeStruct((1, _H), jnp.float32),
        ],
    )(cur, z, z, st, part_pad)



def kernel(x, edge_index, curr_node_id, partitions, node_weights, W1, b1, W2, b2):
    del node_weights
    e = edge_index.shape[1]
    pad = jnp.full((_EP - e,), _N, dtype=jnp.int32)
    src_p = jnp.concatenate([edge_index[0].astype(jnp.int32), pad])
    dst_p = jnp.concatenate([edge_index[1].astype(jnp.int32), pad])
    src2d = src_p.reshape(_EROWS, _CHUNK)
    dst2d = dst_p.reshape(_EROWS, _CHUNK)
    sent = _HALF + (jnp.arange(_EP, dtype=jnp.int32) % 128)
    dst_c0 = jnp.where(dst_p < _HALF, dst_p, sent)
    dst_c1 = jnp.where(dst_p >= _HALF, dst_p - _HALF, sent)
    dstc = jnp.concatenate([dst_c0, dst_c1]).reshape(2 * _EROWS, _CHUNK)
    x_pad = jnp.pad(x, ((0, _NP - _N), (0, 0)))
    part_pad = jnp.pad(partitions, ((0, _NP - _N), (0, _H - _P)))

    degp = _sc_degree(dst2d)
    hs1 = _tc_matmul_scale(x_pad, W1, degp)
    agg1 = _sc_segsum(src2d, dstc, hs1)
    z1, st1 = _tc_combine(agg1, b1.reshape(1, _H), degp)
    hs2 = _tc_norm_matmul(z1, st1, W2, degp)
    agg2 = _sc_segsum(src2d, dstc, hs2)
    z2, st2 = _tc_combine(agg2, b2.reshape(1, _H), degp)

    cur = jnp.asarray(curr_node_id, dtype=jnp.int32).reshape(1)
    h, p = _tc_final(cur, z2, st2, part_pad)
    return p[:, :_P], h

# --- scband reference (transcript-rebuilt; emitter-appended) ---
"""Pipeline reference for scband-model-link-pred-38173669327417 (READ-ONLY COPY).

The authoritative reference and input builder live on the scoring server;
editing this copy changes nothing except your own understanding.
"""

import jax, jax.numpy as jnp
import numpy as np

N = 10000
E = 320000
D = 128
H = 128
P = 100


def setup_inputs(seed: int = 0) -> dict:
    key = jax.random.key(seed)
    ks = jax.random.split(key, 8)
    x = jax.random.normal(ks[0], (N, D), dtype=jnp.float32)
    edge_index = jax.random.randint(ks[1], (2, E), 0, N, dtype=jnp.int32)
    curr_node_id = 1234
    partitions = jax.random.uniform(ks[2], (N, P), dtype=jnp.float32)
    node_weights = jax.random.normal(ks[3], (N,), dtype=jnp.float32)
    # learned params: GCNConv layer 1 (D->H) and layer 2 (H->H), each Linear weight + bias
    W1 = jax.random.normal(ks[4], (D, H), dtype=jnp.float32) * (1.0 / np.sqrt(D))
    b1 = jnp.zeros((H,), dtype=jnp.float32)
    W2 = jax.random.normal(ks[5], (H, H), dtype=jnp.float32) * (1.0 / np.sqrt(H))
    b2 = jnp.zeros((H,), dtype=jnp.float32)
    return {"x": x, "edge_index": edge_index, "curr_node_id": curr_node_id,
            "partitions": partitions, "node_weights": node_weights,
            "W1": W1, "b1": b1, "W2": W2, "b2": b2}


def _batch_norm(h):
    # BatchNorm1d(track_running_stats=False, affine=False): normalize with batch stats
    mean = jnp.mean(h, axis=0)
    var = jnp.var(h, axis=0)
    return (h - mean) / jnp.sqrt(var + 1e-5)


def _gcn_conv(x, src, dst, W, b):
    # PyG GCNConv: x' = D^{-1/2} (A + I) D^{-1/2} X W + b (self-loops already appended to src/dst)
    n = x.shape[0]
    h = x @ W
    deg = jnp.zeros((n,), dtype=h.dtype).at[dst].add(1.0)
    dinv = 1.0 / jnp.sqrt(deg)
    dinv = jnp.where(jnp.isinf(dinv), 0.0, dinv)
    norm = dinv[src] * dinv[dst]
    msgs = h[src] * norm[:, None]
    out = jnp.zeros_like(h).at[dst].add(msgs)
    return out + b


def reference(x, edge_index, curr_node_id, partitions, node_weights, W1, b1, W2, b2):
    n = x.shape[0]
    loops = jnp.arange(n, dtype=edge_index.dtype)
    src = jnp.concatenate([edge_index[0], loops])
    dst = jnp.concatenate([edge_index[1], loops])
    h = _gcn_conv(x, src, dst, W1, b1)
    h = _batch_norm(h)
    h = jax.nn.relu(h)
    h = _gcn_conv(h, src, dst, W2, b2)
    h = _batch_norm(h)
    h = jax.nn.relu(h)
    # scoring_func == 'dot'
    x_curr = h[curr_node_id].reshape(1, h.shape[1])
    scores = h @ x_curr.T  # [N, 1]
    # pool == 'sum'
    partition_scores = scores.T @ partitions  # [1, P]
    return (partition_scores, h)

if __name__ == "__main__":
    import jax
    _d = setup_inputs()
    print(jax.jit(kernel)(*tuple(_d.values())))

</pallas_src>

<mosaic_0001>
#map = affine_map<(d0, d1) -> (0, 0)>
#map1 = affine_map<(d0, d1) -> (0, 0, 0)>
module attributes {stable_mosaic.version = 14 : i64} {
  func.func @_deg_body(%arg0: i32, %arg1: i32, %arg2: memref<2560x128xi32, #tpu.memory_space<hbm>>, %arg3: memref<2x10240x128xf32, #tpu.memory_space<hbm>>, %arg4: memref<80x128xi32, #tpu.memory_space<vmem>>, %arg5: memref<128x128xf32, #tpu.memory_space<vmem>>, %arg6: memref<160x128xf32, #tpu.memory_space<vmem>>, %arg7: memref<10240x128xf32, #tpu.memory_space<vmem_shared>>) attributes {dimension_semantics = [#tpu.dimension_semantics<core_parallel>, #tpu.dimension_semantics<subcore_parallel>], iteration_bounds = array<i64: 2, 16>, scalar_prefetch = 0 : i64, scratch_operands = 4 : i64, tpu.core_type = #tpu.core_type<sc_vector_subcore>, window_params = [{transform_indices = #map}, {transform_indices = #map1}]} {
    %mul3A = arith.constant 16 : i32
    %mul3A_0 = arith.muli %arg0, %mul3A : i32
    %add3A = arith.addi %mul3A_0, %arg1 : i32
    %mul3A_1 = arith.constant 640 : i32
    %mul3A_2 = arith.muli %arg1, %mul3A_1 : i32
    %scan3A = arith.constant 0 : i32
    %scan3A_3 = arith.constant 0 : i32
    %scan3A_4 = arith.constant 1280 : i32
    %scan3A_5 = arith.addi %scan3A_3, %scan3A_4 : i32
    %scan3A_6 = arith.constant 1 : i32
    scf.for %scan3A_35 = %scan3A_3 to %scan3A_5 step %scan3A_6  : i32 {
      %jit3A = arith.constant 8 : i32
      %div3A = arith.divsi %scan3A_35, %jit3A : i32
      %sign3A = arith.constant 0 : i32
      %sign3A_36 = arith.cmpi sgt, %scan3A_35, %sign3A : i32
      %sign3A_37 = arith.extui %sign3A_36 : i1 to i32
      %sign3A_38 = arith.constant 0 : i32
      %sign3A_39 = arith.cmpi slt, %scan3A_35, %sign3A_38 : i32
      %sign3A_40 = arith.extui %sign3A_39 : i1 to i32
      %sign3A_41 = arith.subi %sign3A_37, %sign3A_40 : i32
      %sign3A_42 = arith.constant 0 : i32
      %sign3A_43 = arith.cmpi sgt, %jit3A, %sign3A_42 : i32
      %sign3A_44 = arith.extui %sign3A_43 : i1 to i32
      %sign3A_45 = arith.constant 0 : i32
      %sign3A_46 = arith.cmpi slt, %jit3A, %sign3A_45 : i32
      %sign3A_47 = arith.extui %sign3A_46 : i1 to i32
      %sign3A_48 = arith.subi %sign3A_44, %sign3A_47 : i32
      %ne3A = arith.cmpi ne, %sign3A_41, %sign3A_48 : i32
      %rem3A = arith.remsi %scan3A_35, %jit3A : i32
      %ne3A_49 = arith.constant 0 : i32
      %ne3A_50 = arith.cmpi ne, %rem3A, %ne3A_49 : i32
      %and3A = arith.andi %ne3A, %ne3A_50 : i1
      %sub3A = arith.constant 1 : i32
      %sub3A_51 = arith.subi %div3A, %sub3A : i32
      %select_n3A = arith.select %and3A, %sub3A_51, %div3A : i32
      %jit3A_52 = arith.constant 8 : i32
      %eq3A = arith.constant 0 : i32
      %eq3A_53 = arith.cmpi eq, %jit3A_52, %eq3A : i32
      %jit3A_54 = arith.constant 1 : i32
      %select_n3A_55 = arith.select %eq3A_53, %jit3A_54, %jit3A_52 : i32
      %rem3A_56 = arith.remsi %scan3A_35, %select_n3A_55 : i32
      %ne3A_57 = arith.constant 0 : i32
      %ne3A_58 = arith.cmpi ne, %rem3A_56, %ne3A_57 : i32
      %lt3A = arith.constant 0 : i32
      %lt3A_59 = arith.cmpi slt, %rem3A_56, %lt3A : i32
      %lt3A_60 = arith.constant 0 : i32
      %lt3A_61 = arith.cmpi slt, %select_n3A_55, %lt3A_60 : i32
      %ne3A_62 = arith.xori %lt3A_59, %lt3A_61 : i1
      %and3A_63 = arith.andi %ne3A_62, %ne3A_58 : i1
      %add3A_64 = arith.addi %rem3A_56, %select_n3A_55 : i32
      %select_n3A_65 = arith.select %and3A_63, %add3A_64, %rem3A_56 : i32
      %broadcast_in_dim3A = arith.constant 0.000000e+00 : f32
      %broadcast_in_dim3A_66 = vector.broadcast %broadcast_in_dim3A : f32 to vector<16xf32>
      %mul3A_67 = arith.constant 16 : i32
      %mul3A_68 = arith.muli %select_n3A_65, %mul3A_67 : i32
      %swap3A = arith.index_cast %select_n3A : i32 to index
      %swap3A_69 = arith.index_cast %mul3A_68 : i32 to index
      %swap3A_70 = tpu.vector_load %arg6[%swap3A, %swap3A_69] {strides = array<i32>} : memref<160x128xf32, #tpu.memory_space<vmem>>, vector<1x16xf32>,
      %swap3A_71 = vector.shape_cast %swap3A_70 : vector<1x16xf32> to vector<16xf32>
      %swap3A_72 = vector.shape_cast %broadcast_in_dim3A_66 : vector<16xf32> to vector<1x16xf32>
      tpu.vector_store %arg6[%swap3A, %swap3A_69], %swap3A_72 {strides = array<i32>} : memref<160x128xf32, #tpu.memory_space<vmem>>, vector<1x16xf32>,
    }
    %scan3A_7 = arith.constant 1280 : i32
    %scan3A_8 = arith.constant 0 : i32
    %scan3A_9 = arith.constant 0 : i32
    %scan3A_10 = arith.constant 1024 : i32
    %scan3A_11 = arith.addi %scan3A_9, %scan3A_10 : i32
    %scan3A_12 = arith.constant 1 : i32
    scf.for %scan3A_35 = %scan3A_9 to %scan3A_11 step %scan3A_12  : i32 {
      %jit3A = arith.constant 8 : i32
      %div3A = arith.divsi %scan3A_35, %jit3A : i32
      %sign3A = arith.constant 0 : i32
      %sign3A_36 = arith.cmpi sgt, %scan3A_35, %sign3A : i32
      %sign3A_37 = arith.extui %sign3A_36 : i1 to i32
      %sign3A_38 = arith.constant 0 : i32
      %sign3A_39 = arith.cmpi slt, %scan3A_35, %sign3A_38 : i32
      %sign3A_40 = arith.extui %sign3A_39 : i1 to i32
      %sign3A_41 = arith.subi %sign3A_37, %sign3A_40 : i32
      %sign3A_42 = arith.constant 0 : i32
      %sign3A_43 = arith.cmpi sgt, %jit3A, %sign3A_42 : i32
      %sign3A_44 = arith.extui %sign3A_43 : i1 to i32
      %sign3A_45 = arith.constant 0 : i32
      %sign3A_46 = arith.cmpi slt, %jit3A, %sign3A_45 : i32
      %sign3A_47 = arith.extui %sign3A_46 : i1 to i32
      %sign3A_48 = arith.subi %sign3A_44, %sign3A_47 : i32
      %ne3A = arith.cmpi ne, %sign3A_41, %sign3A_48 : i32
      %rem3A = arith.remsi %scan3A_35, %jit3A : i32
      %ne3A_49 = arith.constant 0 : i32
      %ne3A_50 = arith.cmpi ne, %rem3A, %ne3A_49 : i32
      %and3A = arith.andi %ne3A, %ne3A_50 : i1
      %sub3A = arith.constant 1 : i32
      %sub3A_51 = arith.subi %div3A, %sub3A : i32
      %select_n3A = arith.select %and3A, %sub3A_51, %div3A : i32
      %jit3A_52 = arith.constant 8 : i32
      %eq3A = arith.constant 0 : i32
      %eq3A_53 = arith.cmpi eq, %jit3A_52, %eq3A : i32
      %jit3A_54 = arith.constant 1 : i32
      %select_n3A_55 = arith.select %eq3A_53, %jit3A_54, %jit3A_52 : i32
      %rem3A_56 = arith.remsi %scan3A_35, %select_n3A_55 : i32
      %ne3A_57 = arith.constant 0 : i32
      %ne3A_58 = arith.cmpi ne, %rem3A_56, %ne3A_57 : i32
      %lt3A = arith.constant 0 : i32
      %lt3A_59 = arith.cmpi slt, %rem3A_56, %lt3A : i32
      %lt3A_60 = arith.constant 0 : i32
      %lt3A_61 = arith.cmpi slt, %select_n3A_55, %lt3A_60 : i32
      %ne3A_62 = arith.xori %lt3A_59, %lt3A_61 : i1
      %and3A_63 = arith.andi %ne3A_62, %ne3A_58 : i1
      %add3A_64 = arith.addi %rem3A_56, %select_n3A_55 : i32
      %select_n3A_65 = arith.select %and3A_63, %add3A_64, %rem3A_56 : i32
      %broadcast_in_dim3A = arith.constant 1.000000e+00 : f32
      %broadcast_in_dim3A_66 = vector.broadcast %broadcast_in_dim3A : f32 to vector<16xf32>
      %mul3A_67 = arith.constant 16 : i32
      %mul3A_68 = arith.muli %select_n3A_65, %mul3A_67 : i32
      %swap3A = arith.index_cast %select_n3A : i32 to index
      %swap3A_69 = arith.index_cast %mul3A_68 : i32 to index
      %swap3A_70 = tpu.vector_load %arg5[%swap3A, %swap3A_69] {strides = array<i32>} : memref<128x128xf32, #tpu.memory_space<vmem>>, vector<1x16xf32>,
      %swap3A_71 = vector.shape_cast %swap3A_70 : vector<1x16xf32> to vector<16xf32>
      %swap3A_72 = vector.shape_cast %broadcast_in_dim3A_66 : vector<16xf32> to vector<1x16xf32>
      tpu.vector_store %arg5[%swap3A, %swap3A_69], %swap3A_72 {strides = array<i32>} : memref<128x128xf32, #tpu.memory_space<vmem>>, vector<1x16xf32>,
    }
    %scan3A_13 = arith.constant 1024 : i32
    %scan3A_14 = arith.constant 0 : i32
    %scan3A_15 = arith.constant 0 : i32
    %scan3A_16 = arith.constant 4 : i32
    %scan3A_17 = arith.addi %scan3A_15, %scan3A_16 : i32
    %scan3A_18 = arith.constant 1 : i32
    scf.for %scan3A_35 = %scan3A_15 to %scan3A_17 step %scan3A_18  : i32 {
      %mul3A_36 = arith.constant 160 : i32
      %mul3A_37 = arith.muli %scan3A_35, %mul3A_36 : i32
      %add3A_38 = arith.addi %mul3A_2, %mul3A_37 : i32
      "tpu.region"() ({
        %run_scoped3A = tpu.sem_alloc : memref<!tpu.dma_semaphore, #tpu.memory_space<semaphore_mem>>
        %dma_start3A = arith.constant 0 : i32
        %dma_start3A_39 = tpu.memref_slice %arg7[%add3A_38, %dma_start3A] : memref<10240x128xf32, #tpu.memory_space<vmem_shared>> -> memref<160x128xf32, #tpu.memory_space<vmem_shared>>
        %dma_start3A_40 = arith.constant 0 : i32
        %dma_start3A_41 = tpu.memref_slice %arg7[%add3A_38, %dma_start3A_40] : memref<10240x128xf32, #tpu.memory_space<vmem_shared>> -> memref<160x128xf32, #tpu.memory_space<vmem_shared>>
        tpu.enqueue_dma source(%arg6 : memref<160x128xf32, #tpu.memory_space<vmem>>) target(%dma_start3A_41 : memref<160x128xf32, #tpu.memory_space<vmem_shared>>) target_semaphore(%run_scoped3A : memref<!tpu.dma_semaphore, #tpu.memory_space<semaphore_mem>>)
        %dma_wait3A = arith.constant 0 : i32
        %dma_wait3A_42 = tpu.memref_slice %arg7[%add3A_38, %dma_wait3A] : memref<10240x128xf32, #tpu.memory_space<vmem_shared>> -> memref<160x128xf32, #tpu.memory_space<vmem_shared>>
        %dma_wait3A_43 = arith.constant 0 : i32
        %dma_wait3A_44 = tpu.memref_slice %arg7[%add3A_38, %dma_wait3A_43] : memref<10240x128xf32, #tpu.memory_space<vmem_shared>> -> memref<160x128xf32, #tpu.memory_space<vmem_shared>>
        tpu.wait_dma2 semaphore(%run_scoped3A : memref<!tpu.dma_semaphore, #tpu.memory_space<semaphore_mem>>) src(%arg6 : memref<160x128xf32, #tpu.memory_space<vmem>>) dst(%dma_wait3A_44 : memref<160x128xf32, #tpu.memory_space<vmem_shared>>)
        tpu.yield
      }) : () -> ()
    }
    %scan3A_19 = arith.constant 4 : i32
    %mul3A_20 = arith.constant 80 : i32
    %mul3A_21 = arith.muli %add3A, %mul3A_20 : i32
    "tpu.region"() ({
      %run_scoped3A = tpu.sem_alloc : memref<!tpu.dma_semaphore, #tpu.memory_space<semaphore_mem>>
      %dma_start3A = arith.constant 0 : i32
      %dma_start3A_35 = tpu.memref_slice %arg2[%mul3A_21, %dma_start3A] : memref<2560x128xi32, #tpu.memory_space<hbm>> -> memref<80x128xi32, #tpu.memory_space<hbm>>
      %dma_start3A_36 = arith.constant 0 : i32
      %dma_start3A_37 = tpu.memref_slice %arg2[%mul3A_21, %dma_start3A_36] : memref<2560x128xi32, #tpu.memory_space<hbm>> -> memref<80x128xi32, #tpu.memory_space<hbm>>
      tpu.enqueue_dma source(%dma_start3A_37 : memref<80x128xi32, #tpu.memory_space<hbm>>) target(%arg4 : memref<80x128xi32, #tpu.memory_space<vmem>>) target_semaphore(%run_scoped3A : memref<!tpu.dma_semaphore, #tpu.memory_space<semaphore_mem>>)
      %dma_wait3A = arith.constant 0 : i32
      %dma_wait3A_38 = tpu.memref_slice %arg2[%mul3A_21, %dma_wait3A] : memref<2560x128xi32, #tpu.memory_space<hbm>> -> memref<80x128xi32, #tpu.memory_space<hbm>>
      %dma_wait3A_39 = arith.constant 0 : i32
      %dma_wait3A_40 = tpu.memref_slice %arg2[%mul3A_21, %dma_wait3A_39] : memref<2560x128xi32, #tpu.memory_space<hbm>> -> memref<80x128xi32, #tpu.memory_space<hbm>>
      tpu.wait_dma2 semaphore(%run_scoped3A : memref<!tpu.dma_semaphore, #tpu.memory_space<semaphore_mem>>) src(%dma_wait3A_40 : memref<80x128xi32, #tpu.memory_space<hbm>>) dst(%arg4 : memref<80x128xi32, #tpu.memory_space<vmem>>)
      tpu.yield
    }) : () -> ()
    %barrier3A = arith.constant 0 : index
    tpu.barrier barrier_id(%barrier3A)
    %scan3A_22 = arith.constant 0 : i32
    %scan3A_23 = arith.constant 0 : i32
    %scan3A_24 = arith.constant 80 : i32
    %scan3A_25 = arith.addi %scan3A_23, %scan3A_24 : i32
    %scan3A_26 = arith.constant 1 : i32
    scf.for %scan3A_35 = %scan3A_23 to %scan3A_25 step %scan3A_26  : i32 {
      "tpu.region"() ({
        %run_scoped3A = tpu.sem_alloc : memref<!tpu.dma_semaphore, #tpu.memory_space<semaphore_mem>>
        %dma_start3A = arith.constant 0 : i32
        %dma_start3A_36 = tpu.memref_slice %arg4[%scan3A_35, %dma_start3A] : memref<80x128xi32, #tpu.memory_space<vmem>> -> memref<1x128xi32, #tpu.memory_space<vmem>>
        %dma_start3A_37 = tpu.memref_squeeze %dma_start3A_36 : memref<1x128xi32, #tpu.memory_space<vmem>> -> memref<128xi32, #tpu.memory_space<vmem>>
        %dma_start3A_38 = arith.constant 0 : i32
        %dma_start3A_39 = arith.constant 0 : i32
        %dma_start3A_40 = tpu.memref_slice %arg7[%dma_start3A_38, %dma_start3A_39] : memref<10240x128xf32, #tpu.memory_space<vmem_shared>> -> memref<10240x128xf32, #tpu.memory_space<vmem_shared>>
        tpu.enqueue_indirect_dma source(%arg5 : memref<128x128xf32, #tpu.memory_space<vmem>>) target(%dma_start3A_40 : memref<10240x128xf32, #tpu.memory_space<vmem_shared>>) offsets(%dma_start3A_37 : memref<128xi32, #tpu.memory_space<vmem>>) semaphore(%run_scoped3A : memref<!tpu.dma_semaphore, #tpu.memory_space<semaphore_mem>>) {add = true}
        %dma_wait3A = arith.constant 0 : i32
        %dma_wait3A_41 = tpu.memref_slice %arg4[%scan3A_35, %dma_wait3A] : memref<80x128xi32, #tpu.memory_space<vmem>> -> memref<1x128xi32, #tpu.memory_space<vmem>>
        %dma_wait3A_42 = tpu.memref_squeeze %dma_wait3A_41 : memref<1x128xi32, #tpu.memory_space<vmem>> -> memref<128xi32, #tpu.memory_space<vmem>>
        %dma_wait3A_43 = arith.constant 0 : i32
        %dma_wait3A_44 = arith.constant 0 : i32
        %dma_wait3A_45 = tpu.memref_slice %arg7[%dma_wait3A_43, %dma_wait3A_44] : memref<10240x128xf32, #tpu.memory_space<vmem_shared>> -> memref<10240x128xf32, #tpu.memory_space<vmem_shared>>
        tpu.wait_indirect_dma semaphore(%run_scoped3A : memref<!tpu.dma_semaphore, #tpu.memory_space<semaphore_mem>>) src(%arg5 : memref<128x128xf32, #tpu.memory_space<vmem>>) dst(%dma_wait3A_45 : memref<10240x128xf32, #tpu.memory_space<vmem_shared>>)
        tpu.yield
      }) : () -> ()
    }
    %scan3A_27 = arith.constant 80 : i32
    %barrier3A_28 = arith.constant 0 : index
    tpu.barrier barrier_id(%barrier3A_28)
    %scan3A_29 = arith.constant 0 : i32
    %scan3A_30 = arith.constant 0 : i32
    %scan3A_31 = arith.constant 4 : i32
    %scan3A_32 = arith.addi %scan3A_30, %scan3A_31 : i32
    %scan3A_33 = arith.constant 1 : i32
    scf.for %scan3A_35 = %scan3A_30 to %scan3A_32 step %scan3A_33  : i32 {
      %mul3A_36 = arith.constant 160 : i32
      %mul3A_37 = arith.muli %scan3A_35, %mul3A_36 : i32
      %add3A_38 = arith.addi %mul3A_2, %mul3A_37 : i32
      "tpu.region"() ({
        %run_scoped3A = tpu.sem_alloc : memref<!tpu.dma_semaphore, #tpu.memory_space<semaphore_mem>>
        %dma_start3A = arith.constant 0 : i32
        %dma_start3A_42 = tpu.memref_slice %arg7[%add3A_38, %dma_start3A] : memref<10240x128xf32, #tpu.memory_space<vmem_shared>> -> memref<160x128xf32, #tpu.memory_space<vmem_shared>>
        %dma_start3A_43 = arith.constant 0 : i32
        %dma_start3A_44 = tpu.memref_slice %arg7[%add3A_38, %dma_start3A_43] : memref<10240x128xf32, #tpu.memory_space<vmem_shared>> -> memref<160x128xf32, #tpu.memory_space<vmem_shared>>
        tpu.enqueue_dma source(%dma_start3A_44 : memref<160x128xf32, #tpu.memory_space<vmem_shared>>) target(%arg6 : memref<160x128xf32, #tpu.memory_space<vmem>>) target_semaphore(%run_scoped3A : memref<!tpu.dma_semaphore, #tpu.memory_space<semaphore_mem>>)
        %dma_wait3A = arith.constant 0 : i32
        %dma_wait3A_45 = tpu.memref_slice %arg7[%add3A_38, %dma_wait3A] : memref<10240x128xf32, #tpu.memory_space<vmem_shared>> -> memref<160x128xf32, #tpu.memory_space<vmem_shared>>
        %dma_wait3A_46 = arith.constant 0 : i32
        %dma_wait3A_47 = tpu.memref_slice %arg7[%add3A_38, %dma_wait3A_46] : memref<10240x128xf32, #tpu.memory_space<vmem_shared>> -> memref<160x128xf32, #tpu.memory_space<vmem_shared>>
        tpu.wait_dma2 semaphore(%run_scoped3A : memref<!tpu.dma_semaphore, #tpu.memory_space<semaphore_mem>>) src(%dma_wait3A_47 : memref<160x128xf32, #tpu.memory_space<vmem_shared>>) dst(%arg6 : memref<160x128xf32, #tpu.memory_space<vmem>>)
        tpu.yield
      }) : () -> ()
      %mul3A_39 = arith.constant 160 : i32
      %mul3A_40 = arith.muli %scan3A_35, %mul3A_39 : i32
      %add3A_41 = arith.addi %mul3A_2, %mul3A_40 : i32
      "tpu.region"() ({
        %run_scoped3A = tpu.sem_alloc : memref<!tpu.dma_semaphore, #tpu.memory_space<semaphore_mem>>
        %dma_start3A = arith.constant 0 : i32
        %dma_start3A_42 = tpu.memref_slice %arg3[%arg0, %add3A_41, %dma_start3A] : memref<2x10240x128xf32, #tpu.memory_space<hbm>> -> memref<1x160x128xf32, #tpu.memory_space<hbm>>
        %dma_start3A_43 = tpu.memref_squeeze %dma_start3A_42 : memref<1x160x128xf32, #tpu.memory_space<hbm>> -> memref<160x128xf32, #tpu.memory_space<hbm>>
        %dma_start3A_44 = arith.constant 0 : i32
        %dma_start3A_45 = tpu.memref_slice %arg3[%arg0, %add3A_41, %dma_start3A_44] : memref<2x10240x128xf32, #tpu.memory_space<hbm>> -> memref<1x160x128xf32, #tpu.memory_space<hbm>>
        %dma_start3A_46 = tpu.memref_squeeze %dma_start3A_45 : memref<1x160x128xf32, #tpu.memory_space<hbm>> -> memref<160x128xf32, #tpu.memory_space<hbm>>
        tpu.enqueue_dma source(%arg6 : memref<160x128xf32, #tpu.memory_space<vmem>>) target(%dma_start3A_46 : memref<160x128xf32, #tpu.memory_space<hbm>>) target_semaphore(%run_scoped3A : memref<!tpu.dma_semaphore, #tpu.memory_space<semaphore_mem>>)
        %dma_wait3A = arith.constant 0 : i32
        %dma_wait3A_47 = tpu.memref_slice %arg3[%arg0, %add3A_41, %dma_wait3A] : memref<2x10240x128xf32, #tpu.memory_space<hbm>> -> memref<1x160x128xf32, #tpu.memory_space<hbm>>
        %dma_wait3A_48 = tpu.memref_squeeze %dma_wait3A_47 : memref<1x160x128xf32, #tpu.memory_space<hbm>> -> memref<160x128xf32, #tpu.memory_space<hbm>>
        %dma_wait3A_49 = arith.constant 0 : i32
        %dma_wait3A_50 = tpu.memref_slice %arg3[%arg0, %add3A_41, %dma_wait3A_49] : memref<2x10240x128xf32, #tpu.memory_space<hbm>> -> memref<1x160x128xf32, #tpu.memory_space<hbm>>
        %dma_wait3A_51 = tpu.memref_squeeze %dma_wait3A_50 : memref<1x160x128xf32, #tpu.memory_space<hbm>> -> memref<160x128xf32, #tpu.memory_space<hbm>>
        tpu.wait_dma2 semaphore(%run_scoped3A : memref<!tpu.dma_semaphore, #tpu.memory_space<semaphore_mem>>) src(%arg6 : memref<160x128xf32, #tpu.memory_space<vmem>>) dst(%dma_wait3A_51 : memref<160x128xf32, #tpu.memory_space<hbm>>)
        tpu.yield
      }) : () -> ()
    }
    %scan3A_34 = arith.constant 4 : i32
    return
  }
}

#map = affine_map<(d0, d1) -> (0, 0)>
#map1 = affine_map<(d0, d1) -> (0, 0, 0)>
module attributes {stable_mosaic.version = 14 : i64} {
  func.func @_seg_body(%arg0: i32, %arg1: i32, %arg2: memref<2560x128xi32, #tpu.memory_space<hbm>>, %arg3: memref<5120x128xi32, #tpu.memory_space<hbm>>, %arg4: memref<10240x128xf32, #tpu.memory_space<hbm>>, %arg5: memref<2x5120x128xf32, #tpu.memory_space<hbm>>, %arg6: memref<40x128xi32, #tpu.memory_space<vmem>>, %arg7: memref<40x128xi32, #tpu.memory_space<vmem>>, %arg8: memref<128x128xf32, #tpu.memory_space<vmem>>, %arg9: memref<128x128xf32, #tpu.memory_space<vmem>>, %arg10: memref<128x128xf32, #tpu.memory_space<vmem>>, %arg11: memref<128x128xf32, #tpu.memory_space<vmem>>, %arg12: memref<5248x128xf32, #tpu.memory_space<vmem_shared>>, %arg13: memref<!tpu.dma_semaphore, #tpu.memory_space<semaphore_mem>>, %arg14: memref<!tpu.dma_semaphore, #tpu.memory_space<semaphore_mem>>, %arg15: memref<!tpu.dma_semaphore, #tpu.memory_space<semaphore_mem>>, %arg16: memref<!tpu.dma_semaphore, #tpu.memory_space<semaphore_mem>>, %arg17: memref<!tpu.dma_semaphore, #tpu.memory_space<semaphore_mem>>, %arg18: memref<!tpu.dma_semaphore, #tpu.memory_space<semaphore_mem>>, %arg19: memref<!tpu.dma_semaphore, #tpu.memory_space<semaphore_mem>>, %arg20: memref<!tpu.dma_semaphore, #tpu.memory_space<semaphore_mem>>) attributes {dimension_semantics = [#tpu.dimension_semantics<core_parallel>, #tpu.dimension_semantics<subcore_parallel>], iteration_bounds = array<i64: 2, 16>, scalar_prefetch = 0 : i64, scratch_operands = 15 : i64, tpu.core_type = #tpu.core_type<sc_vector_subcore>, window_params = [{transform_indices = #map}, {transform_indices = #map}, {transform_indices = #map}, {transform_indices = #map1}]} {
    %mul3A = arith.constant 320 : i32
    %mul3A_0 = arith.muli %arg1, %mul3A : i32
    %scan3A = arith.constant 0 : i32
    %scan3A_1 = arith.constant 0 : i32
    %scan3A_2 = arith.constant 5 : i32
    %scan3A_3 = arith.addi %scan3A_1, %scan3A_2 : i32
    %scan3A_4 = arith.constant 1 : i32
    scf.for %scan3A_42 = %scan3A_1 to %scan3A_3 step %scan3A_4  : i32 {
      %mul3A_43 = arith.constant 5120 : i32
      %mul3A_44 = arith.muli %arg0, %mul3A_43 : i32
      %add3A = arith.addi %mul3A_44, %mul3A_0 : i32
      %mul3A_45 = arith.constant 64 : i32
      %mul3A_46 = arith.muli %scan3A_42, %mul3A_45 : i32
      %add3A_47 = arith.addi %add3A, %mul3A_46 : i32
      "tpu.region"() ({
        %run_scoped3A = tpu.sem_alloc : memref<!tpu.dma_semaphore, #tpu.memory_space<semaphore_mem>>
        %dma_start3A = arith.constant 0 : i32
        %dma_start3A_51 = arith.constant 0 : i32
        %dma_start3A_52 = tpu.memref_slice %arg8[%dma_start3A, %dma_start3A_51] : memref<128x128xf32, #tpu.memory_space<vmem>> -> memref<64x128xf32, #tpu.memory_space<vmem>>
        %dma_start3A_53 = arith.constant 0 : i32
        %dma_start3A_54 = tpu.memref_slice %arg4[%add3A_47, %dma_start3A_53] : memref<10240x128xf32, #tpu.memory_space<hbm>> -> memref<64x128xf32, #tpu.memory_space<hbm>>
        %dma_start3A_55 = arith.constant 0 : i32
        %dma_start3A_56 = arith.constant 0 : i32
        %dma_start3A_57 = tpu.memref_slice %arg8[%dma_start3A_55, %dma_start3A_56] : memref<128x128xf32, #tpu.memory_space<vmem>> -> memref<64x128xf32, #tpu.memory_space<vmem>>
        %dma_start3A_58 = arith.constant 0 : i32
        %dma_start3A_59 = tpu.memref_slice %arg4[%add3A_47, %dma_start3A_58] : memref<10240x128xf32, #tpu.memory_space<hbm>> -> memref<64x128xf32, #tpu.memory_space<hbm>>
        tpu.enqueue_dma source(%dma_start3A_59 : memref<64x128xf32, #tpu.memory_space<hbm>>) target(%dma_start3A_57 : memref<64x128xf32, #tpu.memory_space<vmem>>) target_semaphore(%run_scoped3A : memref<!tpu.dma_semaphore, #tpu.memory_space<semaphore_mem>>)
        %dma_wait3A_60 = arith.constant 0 : i32
        %dma_wait3A_61 = arith.constant 0 : i32
        %dma_wait3A_62 = tpu.memref_slice %arg8[%dma_wait3A_60, %dma_wait3A_61] : memref<128x128xf32, #tpu.memory_space<vmem>> -> memref<64x128xf32, #tpu.memory_space<vmem>>
        %dma_wait3A_63 = arith.constant 0 : i32
        %dma_wait3A_64 = tpu.memref_slice %arg4[%add3A_47, %dma_wait3A_63] : memref<10240x128xf32, #tpu.memory_space<hbm>> -> memref<64x128xf32, #tpu.memory_space<hbm>>
        %dma_wait3A_65 = arith.constant 0 : i32
        %dma_wait3A_66 = arith.constant 0 : i32
        %dma_wait3A_67 = tpu.memref_slice %arg8[%dma_wait3A_65, %dma_wait3A_66] : memref<128x128xf32, #tpu.memory_space<vmem>> -> memref<64x128xf32, #tpu.memory_space<vmem>>
        %dma_wait3A_68 = arith.constant 0 : i32
        %dma_wait3A_69 = tpu.memref_slice %arg4[%add3A_47, %dma_wait3A_68] : memref<10240x128xf32, #tpu.memory_space<hbm>> -> memref<64x128xf32, #tpu.memory_space<hbm>>
        tpu.wait_dma2 semaphore(%run_scoped3A : memref<!tpu.dma_semaphore, #tpu.memory_space<semaphore_mem>>) src(%dma_wait3A_69 : memref<64x128xf32, #tpu.memory_space<hbm>>) dst(%dma_wait3A_67 : memref<64x128xf32, #tpu.memory_space<vmem>>)
        tpu.yield
      }) : () -> ()
      %mul3A_48 = arith.constant 64 : i32
      %mul3A_49 = arith.muli %scan3A_42, %mul3A_48 : i32
      %add3A_50 = arith.addi %mul3A_0, %mul3A_49 : i32
      "tpu.region"() ({
        %run_scoped3A = tpu.sem_alloc : memref<!tpu.dma_semaphore, #tpu.memory_space<semaphore_mem>>
        %dma_start3A = arith.constant 0 : i32
        %dma_start3A_51 = arith.constant 0 : i32
        %dma_start3A_52 = tpu.memref_slice %arg8[%dma_start3A, %dma_start3A_51] : memref<128x128xf32, #tpu.memory_space<vmem>> -> memref<64x128xf32, #tpu.memory_space<vmem>>
        %dma_start3A_53 = arith.constant 0 : i32
        %dma_start3A_54 = tpu.memref_slice %arg12[%add3A_50, %dma_start3A_53] : memref<5248x128xf32, #tpu.memory_space<vmem_shared>> -> memref<64x128xf32, #tpu.memory_space<vmem_shared>>
        %dma_start3A_55 = arith.constant 0 : i32
        %dma_start3A_56 = tpu.memref_slice %arg12[%add3A_50, %dma_start3A_55] : memref<5248x128xf32, #tpu.memory_space<vmem_shared>> -> memref<64x128xf32, #tpu.memory_space<vmem_shared>>
        %dma_start3A_57 = arith.constant 0 : i32
        %dma_start3A_58 = arith.constant 0 : i32
        %dma_start3A_59 = tpu.memref_slice %arg8[%dma_start3A_57, %dma_start3A_58] : memref<128x128xf32, #tpu.memory_space<vmem>> -> memref<64x128xf32, #tpu.memory_space<vmem>>
        tpu.enqueue_dma source(%dma_start3A_59 : memref<64x128xf32, #tpu.memory_space<vmem>>) target(%dma_start3A_56 : memref<64x128xf32, #tpu.memory_space<vmem_shared>>) target_semaphore(%run_scoped3A : memref<!tpu.dma_semaphore, #tpu.memory_space<semaphore_mem>>)
        %dma_wait3A_60 = arith.constant 0 : i32
        %dma_wait3A_61 = arith.constant 0 : i32
        %dma_wait3A_62 = tpu.memref_slice %arg8[%dma_wait3A_60, %dma_wait3A_61] : memref<128x128xf32, #tpu.memory_space<vmem>> -> memref<64x128xf32, #tpu.memory_space<vmem>>
        %dma_wait3A_63 = arith.constant 0 : i32
        %dma_wait3A_64 = tpu.memref_slice %arg12[%add3A_50, %dma_wait3A_63] : memref<5248x128xf32, #tpu.memory_space<vmem_shared>> -> memref<64x128xf32, #tpu.memory_space<vmem_shared>>
        %dma_wait3A_65 = arith.constant 0 : i32
        %dma_wait3A_66 = tpu.memref_slice %arg12[%add3A_50, %dma_wait3A_65] : memref<5248x128xf32, #tpu.memory_space<vmem_shared>> -> memref<64x128xf32, #tpu.memory_space<vmem_shared>>
        %dma_wait3A_67 = arith.constant 0 : i32
        %dma_wait3A_68 = arith.constant 0 : i32
        %dma_wait3A_69 = tpu.memref_slice %arg8[%dma_wait3A_67, %dma_wait3A_68] : memref<128x128xf32, #tpu.memory_space<vmem>> -> memref<64x128xf32, #tpu.memory_space<vmem>>
        tpu.wait_dma2 semaphore(%run_scoped3A : memref<!tpu.dma_semaphore, #tpu.memory_space<semaphore_mem>>) src(%dma_wait3A_69 : memref<64x128xf32, #tpu.memory_space<vmem>>) dst(%dma_wait3A_66 : memref<64x128xf32, #tpu.memory_space<vmem_shared>>)
        tpu.yield
      }) : () -> ()
    }
    %scan3A_5 = arith.constant 5 : i32
    %barrier3A = arith.constant 0 : index
    tpu.barrier barrier_id(%barrier3A)
    %scan3A_6 = arith.constant 0 : i32
    %scan3A_7 = arith.constant 0 : i32
    %scan3A_8 = arith.constant 4 : i32
    %scan3A_9 = arith.addi %scan3A_7, %scan3A_8 : i32
    %scan3A_10 = arith.constant 1 : i32
    scf.for %scan3A_42 = %scan3A_7 to %scan3A_9 step %scan3A_10  : i32 {
      %mul3A_43 = arith.constant 160 : i32
      %mul3A_44 = arith.muli %arg1, %mul3A_43 : i32
      %mul3A_45 = arith.constant 40 : i32
      %mul3A_46 = arith.muli %scan3A_42, %mul3A_45 : i32
      %add3A = arith.addi %mul3A_44, %mul3A_46 : i32
      "tpu.region"() ({
        %run_scoped3A = tpu.sem_alloc : memref<!tpu.dma_semaphore, #tpu.memory_space<semaphore_mem>>
        %dma_start3A_90 = arith.constant 0 : i32
        %dma_start3A_91 = tpu.memref_slice %arg2[%add3A, %dma_start3A_90] : memref<2560x128xi32, #tpu.memory_space<hbm>> -> memref<40x128xi32, #tpu.memory_space<hbm>>
        %dma_start3A_92 = arith.constant 0 : i32
        %dma_start3A_93 = tpu.memref_slice %arg2[%add3A, %dma_start3A_92] : memref<2560x128xi32, #tpu.memory_space<hbm>> -> memref<40x128xi32, #tpu.memory_space<hbm>>
        tpu.enqueue_dma source(%dma_start3A_93 : memref<40x128xi32, #tpu.memory_space<hbm>>) target(%arg6 : memref<40x128xi32, #tpu.memory_space<vmem>>) target_semaphore(%run_scoped3A : memref<!tpu.dma_semaphore, #tpu.memory_space<semaphore_mem>>)
        %dma_wait3A_94 = arith.constant 0 : i32
        %dma_wait3A_95 = tpu.memref_slice %arg2[%add3A, %dma_wait3A_94] : memref<2560x128xi32, #tpu.memory_space<hbm>> -> memref<40x128xi32, #tpu.memory_space<hbm>>
        %dma_wait3A_96 = arith.constant 0 : i32
        %dma_wait3A_97 = tpu.memref_slice %arg2[%add3A, %dma_wait3A_96] : memref<2560x128xi32, #tpu.memory_space<hbm>> -> memref<40x128xi32, #tpu.memory_space<hbm>>
        tpu.wait_dma2 semaphore(%run_scoped3A : memref<!tpu.dma_semaphore, #tpu.memory_space<semaphore_mem>>) src(%dma_wait3A_97 : memref<40x128xi32, #tpu.memory_space<hbm>>) dst(%arg6 : memref<40x128xi32, #tpu.memory_space<vmem>>)
        tpu.yield
      }) : () -> ()
      %mul3A_47 = arith.constant 16 : i32
      %mul3A_48 = arith.muli %arg0, %mul3A_47 : i32
      %add3A_49 = arith.addi %mul3A_48, %arg1 : i32
      %mul3A_50 = arith.constant 160 : i32
      %mul3A_51 = arith.muli %add3A_49, %mul3A_50 : i32
      %mul3A_52 = arith.constant 40 : i32
      %mul3A_53 = arith.muli %scan3A_42, %mul3A_52 : i32
      %add3A_54 = arith.addi %mul3A_51, %mul3A_53 : i32
      "tpu.region"() ({
        %run_scoped3A = tpu.sem_alloc : memref<!tpu.dma_semaphore, #tpu.memory_space<semaphore_mem>>
        %dma_start3A_90 = arith.constant 0 : i32
        %dma_start3A_91 = tpu.memref_slice %arg3[%add3A_54, %dma_start3A_90] : memref<5120x128xi32, #tpu.memory_space<hbm>> -> memref<40x128xi32, #tpu.memory_space<hbm>>
        %dma_start3A_92 = arith.constant 0 : i32
        %dma_start3A_93 = tpu.memref_slice %arg3[%add3A_54, %dma_start3A_92] : memref<5120x128xi32, #tpu.memory_space<hbm>> -> memref<40x128xi32, #tpu.memory_space<hbm>>
        tpu.enqueue_dma source(%dma_start3A_93 : memref<40x128xi32, #tpu.memory_space<hbm>>) target(%arg7 : memref<40x128xi32, #tpu.memory_space<vmem>>) target_semaphore(%run_scoped3A : memref<!tpu.dma_semaphore, #tpu.memory_space<semaphore_mem>>)
        %dma_wait3A_94 = arith.constant 0 : i32
        %dma_wait3A_95 = tpu.memref_slice %arg3[%add3A_54, %dma_wait3A_94] : memref<5120x128xi32, #tpu.memory_space<hbm>> -> memref<40x128xi32, #tpu.memory_space<hbm>>
        %dma_wait3A_96 = arith.constant 0 : i32
        %dma_wait3A_97 = tpu.memref_slice %arg3[%add3A_54, %dma_wait3A_96] : memref<5120x128xi32, #tpu.memory_space<hbm>> -> memref<40x128xi32, #tpu.memory_space<hbm>>
        tpu.wait_dma2 semaphore(%run_scoped3A : memref<!tpu.dma_semaphore, #tpu.memory_space<semaphore_mem>>) src(%dma_wait3A_97 : memref<40x128xi32, #tpu.memory_space<hbm>>) dst(%arg7 : memref<40x128xi32, #tpu.memory_space<vmem>>)
        tpu.yield
      }) : () -> ()
      %gt3A = arith.constant 0 : i32
      %gt3A_55 = arith.cmpi sgt, %scan3A_42, %gt3A : i32
      %convert_element_type3A = arith.extui %gt3A_55 : i1 to i32
      %cond3A = arith.constant 0 : i32
      %cond3A_56 = arith.cmpi ne, %convert_element_type3A, %cond3A : i32
      scf.if %cond3A_56 {
        %dma_wait3A_90 = arith.constant 0 : i32
        %dma_wait3A_91 = arith.constant 0 : i32
        %dma_wait3A_92 = tpu.memref_slice %arg4[%dma_wait3A_90, %dma_wait3A_91] : memref<10240x128xf32, #tpu.memory_space<hbm>> -> memref<128x128xf32, #tpu.memory_space<hbm>>
        %dma_wait3A_93 = arith.constant 0 : i32
        %dma_wait3A_94 = arith.constant 0 : i32
        %dma_wait3A_95 = tpu.memref_slice %arg4[%dma_wait3A_93, %dma_wait3A_94] : memref<10240x128xf32, #tpu.memory_space<hbm>> -> memref<128x128xf32, #tpu.memory_space<hbm>>
        tpu.wait_dma2 semaphore(%arg17 : memref<!tpu.dma_semaphore, #tpu.memory_space<semaphore_mem>>) src(%dma_wait3A_95 : memref<128x128xf32, #tpu.memory_space<hbm>>) dst(%arg8 : memref<128x128xf32, #tpu.memory_space<vmem>>)
        %dma_wait3A_96 = arith.constant 0 : i32
        %dma_wait3A_97 = arith.constant 0 : i32
        %dma_wait3A_98 = tpu.memref_slice %arg4[%dma_wait3A_96, %dma_wait3A_97] : memref<10240x128xf32, #tpu.memory_space<hbm>> -> memref<128x128xf32, #tpu.memory_space<hbm>>
        %dma_wait3A_99 = arith.constant 0 : i32
        %dma_wait3A_100 = arith.constant 0 : i32
        %dma_wait3A_101 = tpu.memref_slice %arg4[%dma_wait3A_99, %dma_wait3A_100] : memref<10240x128xf32, #tpu.memory_space<hbm>> -> memref<128x128xf32, #tpu.memory_space<hbm>>
        tpu.wait_dma2 semaphore(%arg18 : memref<!tpu.dma_semaphore, #tpu.memory_space<semaphore_mem>>) src(%dma_wait3A_101 : memref<128x128xf32, #tpu.memory_space<hbm>>) dst(%arg9 : memref<128x128xf32, #tpu.memory_space<vmem>>)
        %dma_wait3A_102 = arith.constant 0 : i32
        %dma_wait3A_103 = arith.constant 0 : i32
        %dma_wait3A_104 = tpu.memref_slice %arg4[%dma_wait3A_102, %dma_wait3A_103] : memref<10240x128xf32, #tpu.memory_space<hbm>> -> memref<128x128xf32, #tpu.memory_space<hbm>>
        %dma_wait3A_105 = arith.constant 0 : i32
        %dma_wait3A_106 = arith.constant 0 : i32
        %dma_wait3A_107 = tpu.memref_slice %arg4[%dma_wait3A_105, %dma_wait3A_106] : memref<10240x128xf32, #tpu.memory_space<hbm>> -> memref<128x128xf32, #tpu.memory_space<hbm>>
        tpu.wait_dma2 semaphore(%arg19 : memref<!tpu.dma_semaphore, #tpu.memory_space<semaphore_mem>>) src(%dma_wait3A_107 : memref<128x128xf32, #tpu.memory_space<hbm>>) dst(%arg10 : memref<128x128xf32, #tpu.memory_space<vmem>>)
        %dma_wait3A_108 = arith.constant 0 : i32
        %dma_wait3A_109 = arith.constant 0 : i32
        %dma_wait3A_110 = tpu.memref_slice %arg4[%dma_wait3A_108, %dma_wait3A_109] : memref<10240x128xf32, #tpu.memory_space<hbm>> -> memref<128x128xf32, #tpu.memory_space<hbm>>
        %dma_wait3A_111 = arith.constant 0 : i32
        %dma_wait3A_112 = arith.constant 0 : i32
        %dma_wait3A_113 = tpu.memref_slice %arg4[%dma_wait3A_111, %dma_wait3A_112] : memref<10240x128xf32, #tpu.memory_space<hbm>> -> memref<128x128xf32, #tpu.memory_space<hbm>>
        tpu.wait_dma2 semaphore(%arg20 : memref<!tpu.dma_semaphore, #tpu.memory_space<semaphore_mem>>) src(%dma_wait3A_113 : memref<128x128xf32, #tpu.memory_space<hbm>>) dst(%arg11 : memref<128x128xf32, #tpu.memory_space<vmem>>)
      } else {
      }
      %dma_start3A = arith.constant 0 : i32
      %dma_start3A_57 = arith.constant 0 : i32
      %dma_start3A_58 = tpu.memref_slice %arg6[%dma_start3A, %dma_start3A_57] : memref<40x128xi32, #tpu.memory_space<vmem>> -> memref<1x128xi32, #tpu.memory_space<vmem>>
      %dma_start3A_59 = tpu.memref_squeeze %dma_start3A_58 : memref<1x128xi32, #tpu.memory_space<vmem>> -> memref<128xi32, #tpu.memory_space<vmem>>
      %dma_start3A_60 = arith.constant 0 : i32
      %dma_start3A_61 = arith.constant 0 : i32
      %dma_start3A_62 = tpu.memref_slice %arg4[%dma_start3A_60, %dma_start3A_61] : memref<10240x128xf32, #tpu.memory_space<hbm>> -> memref<10240x128xf32, #tpu.memory_space<hbm>>
      tpu.enqueue_indirect_dma source(%dma_start3A_62 : memref<10240x128xf32, #tpu.memory_space<hbm>>) target(%arg8 : memref<128x128xf32, #tpu.memory_space<vmem>>) offsets(%dma_start3A_59 : memref<128xi32, #tpu.memory_space<vmem>>) semaphore(%arg13 : memref<!tpu.dma_semaphore, #tpu.memory_space<semaphore_mem>>)
      %dma_start3A_63 = arith.constant 1 : i32
      %dma_start3A_64 = arith.constant 0 : i32
      %dma_start3A_65 = tpu.memref_slice %arg6[%dma_start3A_63, %dma_start3A_64] : memref<40x128xi32, #tpu.memory_space<vmem>> -> memref<1x128xi32, #tpu.memory_space<vmem>>
      %dma_start3A_66 = tpu.memref_squeeze %dma_start3A_65 : memref<1x128xi32, #tpu.memory_space<vmem>> -> memref<128xi32, #tpu.memory_space<vmem>>
      %dma_start3A_67 = arith.constant 0 : i32
      %dma_start3A_68 = arith.constant 0 : i32
      %dma_start3A_69 = tpu.memref_slice %arg4[%dma_start3A_67, %dma_start3A_68] : memref<10240x128xf32, #tpu.memory_space<hbm>> -> memref<10240x128xf32, #tpu.memory_space<hbm>>
      tpu.enqueue_indirect_dma source(%dma_start3A_69 : memref<10240x128xf32, #tpu.memory_space<hbm>>) target(%arg9 : memref<128x128xf32, #tpu.memory_space<vmem>>) offsets(%dma_start3A_66 : memref<128xi32, #tpu.memory_space<vmem>>) semaphore(%arg14 : memref<!tpu.dma_semaphore, #tpu.memory_space<semaphore_mem>>)
      %dma_start3A_70 = arith.constant 2 : i32
      %dma_start3A_71 = arith.constant 0 : i32
      %dma_start3A_72 = tpu.memref_slice %arg6[%dma_start3A_70, %dma_start3A_71] : memref<40x128xi32, #tpu.memory_space<vmem>> -> memref<1x128xi32, #tpu.memory_space<vmem>>
      %dma_start3A_73 = tpu.memref_squeeze %dma_start3A_72 : memref<1x128xi32, #tpu.memory_space<vmem>> -> memref<128xi32, #tpu.memory_space<vmem>>
      %dma_start3A_74 = arith.constant 0 : i32
      %dma_start3A_75 = arith.constant 0 : i32
      %dma_start3A_76 = tpu.memref_slice %arg4[%dma_start3A_74, %dma_start3A_75] : memref<10240x128xf32, #tpu.memory_space<hbm>> -> memref<10240x128xf32, #tpu.memory_space<hbm>>
      tpu.enqueue_indirect_dma source(%dma_start3A_76 : memref<10240x128xf32, #tpu.memory_space<hbm>>) target(%arg10 : memref<128x128xf32, #tpu.memory_space<vmem>>) offsets(%dma_start3A_73 : memref<128xi32, #tpu.memory_space<vmem>>) semaphore(%arg15 : memref<!tpu.dma_semaphore, #tpu.memory_space<semaphore_mem>>)
      %dma_start3A_77 = arith.constant 3 : i32
      %dma_start3A_78 = arith.constant 0 : i32
      %dma_start3A_79 = tpu.memref_slice %arg6[%dma_start3A_77, %dma_start3A_78] : memref<40x128xi32, #tpu.memory_space<vmem>> -> memref<1x128xi32, #tpu.memory_space<vmem>>
      %dma_start3A_80 = tpu.memref_squeeze %dma_start3A_79 : memref<1x128xi32, #tpu.memory_space<vmem>> -> memref<128xi32, #tpu.memory_space<vmem>>
      %dma_start3A_81 = arith.constant 0 : i32
      %dma_start3A_82 = arith.constant 0 : i32
      %dma_start3A_83 = tpu.memref_slice %arg4[%dma_start3A_81, %dma_start3A_82] : memref<10240x128xf32, #tpu.memory_space<hbm>> -> memref<10240x128xf32, #tpu.memory_space<hbm>>
      tpu.enqueue_indirect_dma source(%dma_start3A_83 : memref<10240x128xf32, #tpu.memory_space<hbm>>) target(%arg11 : memref<128x128xf32, #tpu.memory_space<vmem>>) offsets(%dma_start3A_80 : memref<128xi32, #tpu.memory_space<vmem>>) semaphore(%arg16 : memref<!tpu.dma_semaphore, #tpu.memory_space<semaphore_mem>>)
      %scan3A_84 = arith.constant 0 : i32
      %scan3A_85 = arith.constant 0 : i32
      %scan3A_86 = arith.constant 10 : i32
      %scan3A_87 = arith.addi %scan3A_85, %scan3A_86 : i32
      %scan3A_88 = arith.constant 1 : i32
      scf.for %scan3A_90 = %scan3A_85 to %scan3A_87 step %scan3A_88  : i32 {
        %mul3A_91 = arith.constant 4 : i32
        %mul3A_92 = arith.muli %scan3A_90, %mul3A_91 : i32
        %add3A_93 = arith.constant 0 : i32
        %add3A_94 = arith.addi %mul3A_92, %add3A_93 : i32
        %dma_wait3A_95 = arith.constant 0 : i32
        %dma_wait3A_96 = arith.constant 0 : i32
        %dma_wait3A_97 = tpu.memref_slice %arg4[%dma_wait3A_95, %dma_wait3A_96] : memref<10240x128xf32, #tpu.memory_space<hbm>> -> memref<128x128xf32, #tpu.memory_space<hbm>>
        %dma_wait3A_98 = arith.constant 0 : i32
        %dma_wait3A_99 = arith.constant 0 : i32
        %dma_wait3A_100 = tpu.memref_slice %arg4[%dma_wait3A_98, %dma_wait3A_99] : memref<10240x128xf32, #tpu.memory_space<hbm>> -> memref<128x128xf32, #tpu.memory_space<hbm>>
        tpu.wait_dma2 semaphore(%arg13 : memref<!tpu.dma_semaphore, #tpu.memory_space<semaphore_mem>>) src(%dma_wait3A_100 : memref<128x128xf32, #tpu.memory_space<hbm>>) dst(%arg8 : memref<128x128xf32, #tpu.memory_space<vmem>>)
        %dma_start3A_101 = arith.constant 0 : i32
        %dma_start3A_102 = tpu.memref_slice %arg7[%add3A_94, %dma_start3A_101] : memref<40x128xi32, #tpu.memory_space<vmem>> -> memref<1x128xi32, #tpu.memory_space<vmem>>
        %dma_start3A_103 = tpu.memref_squeeze %dma_start3A_102 : memref<1x128xi32, #tpu.memory_space<vmem>> -> memref<128xi32, #tpu.memory_space<vmem>>
        %dma_start3A_104 = arith.constant 0 : i32
        %dma_start3A_105 = arith.constant 0 : i32
        %dma_start3A_106 = tpu.memref_slice %arg12[%dma_start3A_104, %dma_start3A_105] : memref<5248x128xf32, #tpu.memory_space<vmem_shared>> -> memref<5248x128xf32, #tpu.memory_space<vmem_shared>>
        tpu.enqueue_indirect_dma source(%arg8 : memref<128x128xf32, #tpu.memory_space<vmem>>) target(%dma_start3A_106 : memref<5248x128xf32, #tpu.memory_space<vmem_shared>>) offsets(%dma_start3A_103 : memref<128xi32, #tpu.memory_space<vmem>>) semaphore(%arg17 : memref<!tpu.dma_semaphore, #tpu.memory_space<semaphore_mem>>) {add = true}
        %add3A_107 = arith.constant 4 : i32
        %add3A_108 = arith.addi %add3A_94, %add3A_107 : i32
        %lt3A = arith.constant 40 : i32
        %lt3A_109 = arith.cmpi slt, %add3A_108, %lt3A : i32
        %convert_element_type3A_110 = arith.extui %lt3A_109 : i1 to i32
        %cond3A_111 = arith.constant 0 : i32
        %cond3A_112 = arith.cmpi ne, %convert_element_type3A_110, %cond3A_111 : i32
        scf.if %cond3A_112 {
          %dma_wait3A_176 = arith.constant 0 : i32
          %dma_wait3A_177 = arith.constant 0 : i32
          %dma_wait3A_178 = tpu.memref_slice %arg4[%dma_wait3A_176, %dma_wait3A_177] : memref<10240x128xf32, #tpu.memory_space<hbm>> -> memref<128x128xf32, #tpu.memory_space<hbm>>
          %dma_wait3A_179 = arith.constant 0 : i32
          %dma_wait3A_180 = arith.constant 0 : i32
          %dma_wait3A_181 = tpu.memref_slice %arg4[%dma_wait3A_179, %dma_wait3A_180] : memref<10240x128xf32, #tpu.memory_space<hbm>> -> memref<128x128xf32, #tpu.memory_space<hbm>>
          tpu.wait_dma2 semaphore(%arg17 : memref<!tpu.dma_semaphore, #tpu.memory_space<semaphore_mem>>) src(%dma_wait3A_181 : memref<128x128xf32, #tpu.memory_space<hbm>>) dst(%arg8 : memref<128x128xf32, #tpu.memory_space<vmem>>)
          %add3A_182 = arith.constant 4 : i32
          %add3A_183 = arith.addi %add3A_94, %add3A_182 : i32
          %dma_start3A_184 = arith.constant 0 : i32
          %dma_start3A_185 = tpu.memref_slice %arg6[%add3A_183, %dma_start3A_184] : memref<40x128xi32, #tpu.memory_space<vmem>> -> memref<1x128xi32, #tpu.memory_space<vmem>>
          %dma_start3A_186 = tpu.memref_squeeze %dma_start3A_185 : memref<1x128xi32, #tpu.memory_space<vmem>> -> memref<128xi32, #tpu.memory_space<vmem>>
          %dma_start3A_187 = arith.constant 0 : i32
          %dma_start3A_188 = arith.constant 0 : i32
          %dma_start3A_189 = tpu.memref_slice %arg4[%dma_start3A_187, %dma_start3A_188] : memref<10240x128xf32, #tpu.memory_space<hbm>> -> memref<10240x128xf32, #tpu.memory_space<hbm>>
          tpu.enqueue_indirect_dma source(%dma_start3A_189 : memref<10240x128xf32, #tpu.memory_space<hbm>>) target(%arg8 : memref<128x128xf32, #tpu.memory_space<vmem>>) offsets(%dma_start3A_186 : memref<128xi32, #tpu.memory_space<vmem>>) semaphore(%arg13 : memref<!tpu.dma_semaphore, #tpu.memory_space<semaphore_mem>>)
        } else {
        }
        %add3A_113 = arith.constant 1 : i32
        %add3A_114 = arith.addi %mul3A_92, %add3A_113 : i32
        %dma_wait3A_115 = arith.constant 0 : i32
        %dma_wait3A_116 = arith.constant 0 : i32
        %dma_wait3A_117 = tpu.memref_slice %arg4[%dma_wait3A_115, %dma_wait3A_116] : memref<10240x128xf32, #tpu.memory_space<hbm>> -> memref<128x128xf32, #tpu.memory_space<hbm>>
        %dma_wait3A_118 = arith.constant 0 : i32
        %dma_wait3A_119 = arith.constant 0 : i32
        %dma_wait3A_120 = tpu.memref_slice %arg4[%dma_wait3A_118, %dma_wait3A_119] : memref<10240x128xf32, #tpu.memory_space<hbm>> -> memref<128x128xf32, #tpu.memory_space<hbm>>
        tpu.wait_dma2 semaphore(%arg14 : memref<!tpu.dma_semaphore, #tpu.memory_space<semaphore_mem>>) src(%dma_wait3A_120 : memref<128x128xf32, #tpu.memory_space<hbm>>) dst(%arg9 : memref<128x128xf32, #tpu.memory_space<vmem>>)
        %dma_start3A_121 = arith.constant 0 : i32
        %dma_start3A_122 = tpu.memref_slice %arg7[%add3A_114, %dma_start3A_121] : memref<40x128xi32, #tpu.memory_space<vmem>> -> memref<1x128xi32, #tpu.memory_space<vmem>>
        %dma_start3A_123 = tpu.memref_squeeze %dma_start3A_122 : memref<1x128xi32, #tpu.memory_space<vmem>> -> memref<128xi32, #tpu.memory_space<vmem>>
        %dma_start3A_124 = arith.constant 0 : i32
        %dma_start3A_125 = arith.constant 0 : i32
        %dma_start3A_126 = tpu.memref_slice %arg12[%dma_start3A_124, %dma_start3A_125] : memref<5248x128xf32, #tpu.memory_space<vmem_shared>> -> memref<5248x128xf32, #tpu.memory_space<vmem_shared>>
        tpu.enqueue_indirect_dma source(%arg9 : memref<128x128xf32, #tpu.memory_space<vmem>>) target(%dma_start3A_126 : memref<5248x128xf32, #tpu.memory_space<vmem_shared>>) offsets(%dma_start3A_123 : memref<128xi32, #tpu.memory_space<vmem>>) semaphore(%arg18 : memref<!tpu.dma_semaphore, #tpu.memory_space<semaphore_mem>>) {add = true}
        %add3A_127 = arith.constant 4 : i32
        %add3A_128 = arith.addi %add3A_114, %add3A_127 : i32
        %lt3A_129 = arith.constant 40 : i32
        %lt3A_130 = arith.cmpi slt, %add3A_128, %lt3A_129 : i32
        %convert_element_type3A_131 = arith.extui %lt3A_130 : i1 to i32
        %cond3A_132 = arith.constant 0 : i32
        %cond3A_133 = arith.cmpi ne, %convert_element_type3A_131, %cond3A_132 : i32
        scf.if %cond3A_133 {
          %dma_wait3A_176 = arith.constant 0 : i32
          %dma_wait3A_177 = arith.constant 0 : i32
          %dma_wait3A_178 = tpu.memref_slice %arg4[%dma_wait3A_176, %dma_wait3A_177] : memref<10240x128xf32, #tpu.memory_space<hbm>> -> memref<128x128xf32, #tpu.memory_space<hbm>>
          %dma_wait3A_179 = arith.constant 0 : i32
          %dma_wait3A_180 = arith.constant 0 : i32
          %dma_wait3A_181 = tpu.memref_slice %arg4[%dma_wait3A_179, %dma_wait3A_180] : memref<10240x128xf32, #tpu.memory_space<hbm>> -> memref<128x128xf32, #tpu.memory_space<hbm>>
          tpu.wait_dma2 semaphore(%arg18 : memref<!tpu.dma_semaphore, #tpu.memory_space<semaphore_mem>>) src(%dma_wait3A_181 : memref<128x128xf32, #tpu.memory_space<hbm>>) dst(%arg9 : memref<128x128xf32, #tpu.memory_space<vmem>>)
          %add3A_182 = arith.constant 4 : i32
          %add3A_183 = arith.addi %add3A_114, %add3A_182 : i32
          %dma_start3A_184 = arith.constant 0 : i32
          %dma_start3A_185 = tpu.memref_slice %arg6[%add3A_183, %dma_start3A_184] : memref<40x128xi32, #tpu.memory_space<vmem>> -> memref<1x128xi32, #tpu.memory_space<vmem>>
          %dma_start3A_186 = tpu.memref_squeeze %dma_start3A_185 : memref<1x128xi32, #tpu.memory_space<vmem>> -> memref<128xi32, #tpu.memory_space<vmem>>
          %dma_start3A_187 = arith.constant 0 : i32
          %dma_start3A_188 = arith.constant 0 : i32
          %dma_start3A_189 = tpu.memref_slice %arg4[%dma_start3A_187, %dma_start3A_188] : memref<10240x128xf32, #tpu.memory_space<hbm>> -> memref<10240x128xf32, #tpu.memory_space<hbm>>
          tpu.enqueue_indirect_dma source(%dma_start3A_189 : memref<10240x128xf32, #tpu.memory_space<hbm>>) target(%arg9 : memref<128x128xf32, #tpu.memory_space<vmem>>) offsets(%dma_start3A_186 : memref<128xi32, #tpu.memory_space<vmem>>) semaphore(%arg14 : memref<!tpu.dma_semaphore, #tpu.memory_space<semaphore_mem>>)
        } else {
        }
        %add3A_134 = arith.constant 2 : i32
        %add3A_135 = arith.addi %mul3A_92, %add3A_134 : i32
        %dma_wait3A_136 = arith.constant 0 : i32
        %dma_wait3A_137 = arith.constant 0 : i32
        %dma_wait3A_138 = tpu.memref_slice %arg4[%dma_wait3A_136, %dma_wait3A_137] : memref<10240x128xf32, #tpu.memory_space<hbm>> -> memref<128x128xf32, #tpu.memory_space<hbm>>
        %dma_wait3A_139 = arith.constant 0 : i32
        %dma_wait3A_140 = arith.constant 0 : i32
        %dma_wait3A_141 = tpu.memref_slice %arg4[%dma_wait3A_139, %dma_wait3A_140] : memref<10240x128xf32, #tpu.memory_space<hbm>> -> memref<128x128xf32, #tpu.memory_space<hbm>>
        tpu.wait_dma2 semaphore(%arg15 : memref<!tpu.dma_semaphore, #tpu.memory_space<semaphore_mem>>) src(%dma_wait3A_141 : memref<128x128xf32, #tpu.memory_space<hbm>>) dst(%arg10 : memref<128x128xf32, #tpu.memory_space<vmem>>)
        %dma_start3A_142 = arith.constant 0 : i32
        %dma_start3A_143 = tpu.memref_slice %arg7[%add3A_135, %dma_start3A_142] : memref<40x128xi32, #tpu.memory_space<vmem>> -> memref<1x128xi32, #tpu.memory_space<vmem>>
        %dma_start3A_144 = tpu.memref_squeeze %dma_start3A_143 : memref<1x128xi32, #tpu.memory_space<vmem>> -> memref<128xi32, #tpu.memory_space<vmem>>
        %dma_start3A_145 = arith.constant 0 : i32
        %dma_start3A_146 = arith.constant 0 : i32
        %dma_start3A_147 = tpu.memref_slice %arg12[%dma_start3A_145, %dma_start3A_146] : memref<5248x128xf32, #tpu.memory_space<vmem_shared>> -> memref<5248x128xf32, #tpu.memory_space<vmem_shared>>
        tpu.enqueue_indirect_dma source(%arg10 : memref<128x128xf32, #tpu.memory_space<vmem>>) target(%dma_start3A_147 : memref<5248x128xf32, #tpu.memory_space<vmem_shared>>) offsets(%dma_start3A_144 : memref<128xi32, #tpu.memory_space<vmem>>) semaphore(%arg19 : memref<!tpu.dma_semaphore, #tpu.memory_space<semaphore_mem>>) {add = true}
        %add3A_148 = arith.constant 4 : i32
        %add3A_149 = arith.addi %add3A_135, %add3A_148 : i32
        %lt3A_150 = arith.constant 40 : i32
        %lt3A_151 = arith.cmpi slt, %add3A_149, %lt3A_150 : i32
        %convert_element_type3A_152 = arith.extui %lt3A_151 : i1 to i32
        %cond3A_153 = arith.constant 0 : i32
        %cond3A_154 = arith.cmpi ne, %convert_element_type3A_152, %cond3A_153 : i32
        scf.if %cond3A_154 {
          %dma_wait3A_176 = arith.constant 0 : i32
          %dma_wait3A_177 = arith.constant 0 : i32
          %dma_wait3A_178 = tpu.memref_slice %arg4[%dma_wait3A_176, %dma_wait3A_177] : memref<10240x128xf32, #tpu.memory_space<hbm>> -> memref<128x128xf32, #tpu.memory_space<hbm>>
          %dma_wait3A_179 = arith.constant 0 : i32
          %dma_wait3A_180 = arith.constant 0 : i32
          %dma_wait3A_181 = tpu.memref_slice %arg4[%dma_wait3A_179, %dma_wait3A_180] : memref<10240x128xf32, #tpu.memory_space<hbm>> -> memref<128x128xf32, #tpu.memory_space<hbm>>
          tpu.wait_dma2 semaphore(%arg19 : memref<!tpu.dma_semaphore, #tpu.memory_space<semaphore_mem>>) src(%dma_wait3A_181 : memref<128x128xf32, #tpu.memory_space<hbm>>) dst(%arg10 : memref<128x128xf32, #tpu.memory_space<vmem>>)
          %add3A_182 = arith.constant 4 : i32
          %add3A_183 = arith.addi %add3A_135, %add3A_182 : i32
          %dma_start3A_184 = arith.constant 0 : i32
          %dma_start3A_185 = tpu.memref_slice %arg6[%add3A_183, %dma_start3A_184] : memref<40x128xi32, #tpu.memory_space<vmem>> -> memref<1x128xi32, #tpu.memory_space<vmem>>
          %dma_start3A_186 = tpu.memref_squeeze %dma_start3A_185 : memref<1x128xi32, #tpu.memory_space<vmem>> -> memref<128xi32, #tpu.memory_space<vmem>>
          %dma_start3A_187 = arith.constant 0 : i32
          %dma_start3A_188 = arith.constant 0 : i32
          %dma_start3A_189 = tpu.memref_slice %arg4[%dma_start3A_187, %dma_start3A_188] : memref<10240x128xf32, #tpu.memory_space<hbm>> -> memref<10240x128xf32, #tpu.memory_space<hbm>>
          tpu.enqueue_indirect_dma source(%dma_start3A_189 : memref<10240x128xf32, #tpu.memory_space<hbm>>) target(%arg10 : memref<128x128xf32, #tpu.memory_space<vmem>>) offsets(%dma_start3A_186 : memref<128xi32, #tpu.memory_space<vmem>>) semaphore(%arg15 : memref<!tpu.dma_semaphore, #tpu.memory_space<semaphore_mem>>)
        } else {
        }
        %add3A_155 = arith.constant 3 : i32
        %add3A_156 = arith.addi %mul3A_92, %add3A_155 : i32
        %dma_wait3A_157 = arith.constant 0 : i32
        %dma_wait3A_158 = arith.constant 0 : i32
        %dma_wait3A_159 = tpu.memref_slice %arg4[%dma_wait3A_157, %dma_wait3A_158] : memref<10240x128xf32, #tpu.memory_space<hbm>> -> memref<128x128xf32, #tpu.memory_space<hbm>>
        %dma_wait3A_160 = arith.constant 0 : i32
        %dma_wait3A_161 = arith.constant 0 : i32
        %dma_wait3A_162 = tpu.memref_slice %arg4[%dma_wait3A_160, %dma_wait3A_161] : memref<10240x128xf32, #tpu.memory_space<hbm>> -> memref<128x128xf32, #tpu.memory_space<hbm>>
        tpu.wait_dma2 semaphore(%arg16 : memref<!tpu.dma_semaphore, #tpu.memory_space<semaphore_mem>>) src(%dma_wait3A_162 : memref<128x128xf32, #tpu.memory_space<hbm>>) dst(%arg11 : memref<128x128xf32, #tpu.memory_space<vmem>>)
        %dma_start3A_163 = arith.constant 0 : i32
        %dma_start3A_164 = tpu.memref_slice %arg7[%add3A_156, %dma_start3A_163] : memref<40x128xi32, #tpu.memory_space<vmem>> -> memref<1x128xi32, #tpu.memory_space<vmem>>
        %dma_start3A_165 = tpu.memref_squeeze %dma_start3A_164 : memref<1x128xi32, #tpu.memory_space<vmem>> -> memref<128xi32, #tpu.memory_space<vmem>>
        %dma_start3A_166 = arith.constant 0 : i32
        %dma_start3A_167 = arith.constant 0 : i32
        %dma_start3A_168 = tpu.memref_slice %arg12[%dma_start3A_166, %dma_start3A_167] : memref<5248x128xf32, #tpu.memory_space<vmem_shared>> -> memref<5248x128xf32, #tpu.memory_space<vmem_shared>>
        tpu.enqueue_indirect_dma source(%arg11 : memref<128x128xf32, #tpu.memory_space<vmem>>) target(%dma_start3A_168 : memref<5248x128xf32, #tpu.memory_space<vmem_shared>>) offsets(%dma_start3A_165 : memref<128xi32, #tpu.memory_space<vmem>>) semaphore(%arg20 : memref<!tpu.dma_semaphore, #tpu.memory_space<semaphore_mem>>) {add = true}
        %add3A_169 = arith.constant 4 : i32
        %add3A_170 = arith.addi %add3A_156, %add3A_169 : i32
        %lt3A_171 = arith.constant 40 : i32
        %lt3A_172 = arith.cmpi slt, %add3A_170, %lt3A_171 : i32
        %convert_element_type3A_173 = arith.extui %lt3A_172 : i1 to i32
        %cond3A_174 = arith.constant 0 : i32
        %cond3A_175 = arith.cmpi ne, %convert_element_type3A_173, %cond3A_174 : i32
        scf.if %cond3A_175 {
          %dma_wait3A_176 = arith.constant 0 : i32
          %dma_wait3A_177 = arith.constant 0 : i32
          %dma_wait3A_178 = tpu.memref_slice %arg4[%dma_wait3A_176, %dma_wait3A_177] : memref<10240x128xf32, #tpu.memory_space<hbm>> -> memref<128x128xf32, #tpu.memory_space<hbm>>
          %dma_wait3A_179 = arith.constant 0 : i32
          %dma_wait3A_180 = arith.constant 0 : i32
          %dma_wait3A_181 = tpu.memref_slice %arg4[%dma_wait3A_179, %dma_wait3A_180] : memref<10240x128xf32, #tpu.memory_space<hbm>> -> memref<128x128xf32, #tpu.memory_space<hbm>>
          tpu.wait_dma2 semaphore(%arg20 : memref<!tpu.dma_semaphore, #tpu.memory_space<semaphore_mem>>) src(%dma_wait3A_181 : memref<128x128xf32, #tpu.memory_space<hbm>>) dst(%arg11 : memref<128x128xf32, #tpu.memory_space<vmem>>)
          %add3A_182 = arith.constant 4 : i32
          %add3A_183 = arith.addi %add3A_156, %add3A_182 : i32
          %dma_start3A_184 = arith.constant 0 : i32
          %dma_start3A_185 = tpu.memref_slice %arg6[%add3A_183, %dma_start3A_184] : memref<40x128xi32, #tpu.memory_space<vmem>> -> memref<1x128xi32, #tpu.memory_space<vmem>>
          %dma_start3A_186 = tpu.memref_squeeze %dma_start3A_185 : memref<1x128xi32, #tpu.memory_space<vmem>> -> memref<128xi32, #tpu.memory_space<vmem>>
          %dma_start3A_187 = arith.constant 0 : i32
          %dma_start3A_188 = arith.constant 0 : i32
          %dma_start3A_189 = tpu.memref_slice %arg4[%dma_start3A_187, %dma_start3A_188] : memref<10240x128xf32, #tpu.memory_space<hbm>> -> memref<10240x128xf32, #tpu.memory_space<hbm>>
          tpu.enqueue_indirect_dma source(%dma_start3A_189 : memref<10240x128xf32, #tpu.memory_space<hbm>>) target(%arg11 : memref<128x128xf32, #tpu.memory_space<vmem>>) offsets(%dma_start3A_186 : memref<128xi32, #tpu.memory_space<vmem>>) semaphore(%arg16 : memref<!tpu.dma_semaphore, #tpu.memory_space<semaphore_mem>>)
        } else {
        }
      }
      %scan3A_89 = arith.constant 10 : i32
    }
    %scan3A_11 = arith.constant 4 : i32
    %dma_wait3A = arith.constant 0 : i32
    %dma_wait3A_12 = arith.constant 0 : i32
    %dma_wait3A_13 = tpu.memref_slice %arg4[%dma_wait3A, %dma_wait3A_12] : memref<10240x128xf32, #tpu.memory_space<hbm>> -> memref<128x128xf32, #tpu.memory_space<hbm>>
    %dma_wait3A_14 = arith.constant 0 : i32
    %dma_wait3A_15 = arith.constant 0 : i32
    %dma_wait3A_16 = tpu.memref_slice %arg4[%dma_wait3A_14, %dma_wait3A_15] : memref<10240x128xf32, #tpu.memory_space<hbm>> -> memref<128x128xf32, #tpu.memory_space<hbm>>
    tpu.wait_dma2 semaphore(%arg17 : memref<!tpu.dma_semaphore, #tpu.memory_space<semaphore_mem>>) src(%dma_wait3A_16 : memref<128x128xf32, #tpu.memory_space<hbm>>) dst(%arg8 : memref<128x128xf32, #tpu.memory_space<vmem>>)
    %dma_wait3A_17 = arith.constant 0 : i32
    %dma_wait3A_18 = arith.constant 0 : i32
    %dma_wait3A_19 = tpu.memref_slice %arg4[%dma_wait3A_17, %dma_wait3A_18] : memref<10240x128xf32, #tpu.memory_space<hbm>> -> memref<128x128xf32, #tpu.memory_space<hbm>>
    %dma_wait3A_20 = arith.constant 0 : i32
    %dma_wait3A_21 = arith.constant 0 : i32
    %dma_wait3A_22 = tpu.memref_slice %arg4[%dma_wait3A_20, %dma_wait3A_21] : memref<10240x128xf32, #tpu.memory_space<hbm>> -> memref<128x128xf32, #tpu.memory_space<hbm>>
    tpu.wait_dma2 semaphore(%arg18 : memref<!tpu.dma_semaphore, #tpu.memory_space<semaphore_mem>>) src(%dma_wait3A_22 : memref<128x128xf32, #tpu.memory_space<hbm>>) dst(%arg9 : memref<128x128xf32, #tpu.memory_space<vmem>>)
    %dma_wait3A_23 = arith.constant 0 : i32
    %dma_wait3A_24 = arith.constant 0 : i32
    %dma_wait3A_25 = tpu.memref_slice %arg4[%dma_wait3A_23, %dma_wait3A_24] : memref<10240x128xf32, #tpu.memory_space<hbm>> -> memref<128x128xf32, #tpu.memory_space<hbm>>
    %dma_wait3A_26 = arith.constant 0 : i32
    %dma_wait3A_27 = arith.constant 0 : i32
    %dma_wait3A_28 = tpu.memref_slice %arg4[%dma_wait3A_26, %dma_wait3A_27] : memref<10240x128xf32, #tpu.memory_space<hbm>> -> memref<128x128xf32, #tpu.memory_space<hbm>>
    tpu.wait_dma2 semaphore(%arg19 : memref<!tpu.dma_semaphore, #tpu.memory_space<semaphore_mem>>) src(%dma_wait3A_28 : memref<128x128xf32, #tpu.memory_space<hbm>>) dst(%arg10 : memref<128x128xf32, #tpu.memory_space<vmem>>)
    %dma_wait3A_29 = arith.constant 0 : i32
    %dma_wait3A_30 = arith.constant 0 : i32
    %dma_wait3A_31 = tpu.memref_slice %arg4[%dma_wait3A_29, %dma_wait3A_30] : memref<10240x128xf32, #tpu.memory_space<hbm>> -> memref<128x128xf32, #tpu.memory_space<hbm>>
    %dma_wait3A_32 = arith.constant 0 : i32
    %dma_wait3A_33 = arith.constant 0 : i32
    %dma_wait3A_34 = tpu.memref_slice %arg4[%dma_wait3A_32, %dma_wait3A_33] : memref<10240x128xf32, #tpu.memory_space<hbm>> -> memref<128x128xf32, #tpu.memory_space<hbm>>
    tpu.wait_dma2 semaphore(%arg20 : memref<!tpu.dma_semaphore, #tpu.memory_space<semaphore_mem>>) src(%dma_wait3A_34 : memref<128x128xf32, #tpu.memory_space<hbm>>) dst(%arg11 : memref<128x128xf32, #tpu.memory_space<vmem>>)
    %barrier3A_35 = arith.constant 0 : index
    tpu.barrier barrier_id(%barrier3A_35)
    %scan3A_36 = arith.constant 0 : i32
    %scan3A_37 = arith.constant 0 : i32
    %scan3A_38 = arith.constant 5 : i32
    %scan3A_39 = arith.addi %scan3A_37, %scan3A_38 : i32
    %scan3A_40 = arith.constant 1 : i32
    scf.for %scan3A_42 = %scan3A_37 to %scan3A_39 step %scan3A_40  : i32 {
      %mul3A_43 = arith.constant 64 : i32
      %mul3A_44 = arith.muli %scan3A_42, %mul3A_43 : i32
      %add3A = arith.addi %mul3A_0, %mul3A_44 : i32
      "tpu.region"() ({
        %run_scoped3A = tpu.sem_alloc : memref<!tpu.dma_semaphore, #tpu.memory_space<semaphore_mem>>
        %dma_start3A = arith.constant 0 : i32
        %dma_start3A_48 = arith.constant 0 : i32
        %dma_start3A_49 = tpu.memref_slice %arg8[%dma_start3A, %dma_start3A_48] : memref<128x128xf32, #tpu.memory_space<vmem>> -> memref<64x128xf32, #tpu.memory_space<vmem>>
        %dma_start3A_50 = arith.constant 0 : i32
        %dma_start3A_51 = tpu.memref_slice %arg12[%add3A, %dma_start3A_50] : memref<5248x128xf32, #tpu.memory_space<vmem_shared>> -> memref<64x128xf32, #tpu.memory_space<vmem_shared>>
        %dma_start3A_52 = arith.constant 0 : i32
        %dma_start3A_53 = arith.constant 0 : i32
        %dma_start3A_54 = tpu.memref_slice %arg8[%dma_start3A_52, %dma_start3A_53] : memref<128x128xf32, #tpu.memory_space<vmem>> -> memref<64x128xf32, #tpu.memory_space<vmem>>
        %dma_start3A_55 = arith.constant 0 : i32
        %dma_start3A_56 = tpu.memref_slice %arg12[%add3A, %dma_start3A_55] : memref<5248x128xf32, #tpu.memory_space<vmem_shared>> -> memref<64x128xf32, #tpu.memory_space<vmem_shared>>
        tpu.enqueue_dma source(%dma_start3A_56 : memref<64x128xf32, #tpu.memory_space<vmem_shared>>) target(%dma_start3A_54 : memref<64x128xf32, #tpu.memory_space<vmem>>) target_semaphore(%run_scoped3A : memref<!tpu.dma_semaphore, #tpu.memory_space<semaphore_mem>>)
        %dma_wait3A_57 = arith.constant 0 : i32
        %dma_wait3A_58 = arith.constant 0 : i32
        %dma_wait3A_59 = tpu.memref_slice %arg8[%dma_wait3A_57, %dma_wait3A_58] : memref<128x128xf32, #tpu.memory_space<vmem>> -> memref<64x128xf32, #tpu.memory_space<vmem>>
        %dma_wait3A_60 = arith.constant 0 : i32
        %dma_wait3A_61 = tpu.memref_slice %arg12[%add3A, %dma_wait3A_60] : memref<5248x128xf32, #tpu.memory_space<vmem_shared>> -> memref<64x128xf32, #tpu.memory_space<vmem_shared>>
        %dma_wait3A_62 = arith.constant 0 : i32
        %dma_wait3A_63 = arith.constant 0 : i32
        %dma_wait3A_64 = tpu.memref_slice %arg8[%dma_wait3A_62, %dma_wait3A_63] : memref<128x128xf32, #tpu.memory_space<vmem>> -> memref<64x128xf32, #tpu.memory_space<vmem>>
        %dma_wait3A_65 = arith.constant 0 : i32
        %dma_wait3A_66 = tpu.memref_slice %arg12[%add3A, %dma_wait3A_65] : memref<5248x128xf32, #tpu.memory_space<vmem_shared>> -> memref<64x128xf32, #tpu.memory_space<vmem_shared>>
        tpu.wait_dma2 semaphore(%run_scoped3A : memref<!tpu.dma_semaphore, #tpu.memory_space<semaphore_mem>>) src(%dma_wait3A_66 : memref<64x128xf32, #tpu.memory_space<vmem_shared>>) dst(%dma_wait3A_64 : memref<64x128xf32, #tpu.memory_space<vmem>>)
        tpu.yield
      }) : () -> ()
      %mul3A_45 = arith.constant 64 : i32
      %mul3A_46 = arith.muli %scan3A_42, %mul3A_45 : i32
      %add3A_47 = arith.addi %mul3A_0, %mul3A_46 : i32
      "tpu.region"() ({
        %run_scoped3A = tpu.sem_alloc : memref<!tpu.dma_semaphore, #tpu.memory_space<semaphore_mem>>
        %dma_start3A = arith.constant 0 : i32
        %dma_start3A_48 = arith.constant 0 : i32
        %dma_start3A_49 = tpu.memref_slice %arg8[%dma_start3A, %dma_start3A_48] : memref<128x128xf32, #tpu.memory_space<vmem>> -> memref<64x128xf32, #tpu.memory_space<vmem>>
        %dma_start3A_50 = arith.constant 0 : i32
        %dma_start3A_51 = tpu.memref_slice %arg5[%arg0, %add3A_47, %dma_start3A_50] : memref<2x5120x128xf32, #tpu.memory_space<hbm>> -> memref<1x64x128xf32, #tpu.memory_space<hbm>>
        %dma_start3A_52 = tpu.memref_squeeze %dma_start3A_51 : memref<1x64x128xf32, #tpu.memory_space<hbm>> -> memref<64x128xf32, #tpu.memory_space<hbm>>
        %dma_start3A_53 = arith.constant 0 : i32
        %dma_start3A_54 = tpu.memref_slice %arg5[%arg0, %add3A_47, %dma_start3A_53] : memref<2x5120x128xf32, #tpu.memory_space<hbm>> -> memref<1x64x128xf32, #tpu.memory_space<hbm>>
        %dma_start3A_55 = tpu.memref_squeeze %dma_start3A_54 : memref<1x64x128xf32, #tpu.memory_space<hbm>> -> memref<64x128xf32, #tpu.memory_space<hbm>>
        %dma_start3A_56 = arith.constant 0 : i32
        %dma_start3A_57 = arith.constant 0 : i32
        %dma_start3A_58 = tpu.memref_slice %arg8[%dma_start3A_56, %dma_start3A_57] : memref<128x128xf32, #tpu.memory_space<vmem>> -> memref<64x128xf32, #tpu.memory_space<vmem>>
        tpu.enqueue_dma source(%dma_start3A_58 : memref<64x128xf32, #tpu.memory_space<vmem>>) target(%dma_start3A_55 : memref<64x128xf32, #tpu.memory_space<hbm>>) target_semaphore(%run_scoped3A : memref<!tpu.dma_semaphore, #tpu.memory_space<semaphore_mem>>)
        %dma_wait3A_59 = arith.constant 0 : i32
        %dma_wait3A_60 = arith.constant 0 : i32
        %dma_wait3A_61 = tpu.memref_slice %arg8[%dma_wait3A_59, %dma_wait3A_60] : memref<128x128xf32, #tpu.memory_space<vmem>> -> memref<64x128xf32, #tpu.memory_space<vmem>>
        %dma_wait3A_62 = arith.constant 0 : i32
        %dma_wait3A_63 = tpu.memref_slice %arg5[%arg0, %add3A_47, %dma_wait3A_62] : memref<2x5120x128xf32, #tpu.memory_space<hbm>> -> memref<1x64x128xf32, #tpu.memory_space<hbm>>
        %dma_wait3A_64 = tpu.memref_squeeze %dma_wait3A_63 : memref<1x64x128xf32, #tpu.memory_space<hbm>> -> memref<64x128xf32, #tpu.memory_space<hbm>>
        %dma_wait3A_65 = arith.constant 0 : i32
        %dma_wait3A_66 = tpu.memref_slice %arg5[%arg0, %add3A_47, %dma_wait3A_65] : memref<2x5120x128xf32, #tpu.memory_space<hbm>> -> memref<1x64x128xf32, #tpu.memory_space<hbm>>
        %dma_wait3A_67 = tpu.memref_squeeze %dma_wait3A_66 : memref<1x64x128xf32, #tpu.memory_space<hbm>> -> memref<64x128xf32, #tpu.memory_space<hbm>>
        %dma_wait3A_68 = arith.constant 0 : i32
        %dma_wait3A_69 = arith.constant 0 : i32
        %dma_wait3A_70 = tpu.memref_slice %arg8[%dma_wait3A_68, %dma_wait3A_69] : memref<128x128xf32, #tpu.memory_space<vmem>> -> memref<64x128xf32, #tpu.memory_space<vmem>>
        tpu.wait_dma2 semaphore(%run_scoped3A : memref<!tpu.dma_semaphore, #tpu.memory_space<semaphore_mem>>) src(%dma_wait3A_70 : memref<64x128xf32, #tpu.memory_space<vmem>>) dst(%dma_wait3A_67 : memref<64x128xf32, #tpu.memory_space<hbm>>)
        tpu.yield
      }) : () -> ()
    }
    %scan3A_41 = arith.constant 5 : i32
    return
  }
}

#map = affine_map<(d0, d1) -> (0, 0)>
#map1 = affine_map<(d0, d1) -> (0, 0, 0)>
module attributes {stable_mosaic.version = 14 : i64} {
  func.func @_seg_body(%arg0: i32, %arg1: i32, %arg2: memref<2560x128xi32, #tpu.memory_space<hbm>>, %arg3: memref<5120x128xi32, #tpu.memory_space<hbm>>, %arg4: memref<10240x128xf32, #tpu.memory_space<hbm>>, %arg5: memref<2x5120x128xf32, #tpu.memory_space<hbm>>, %arg6: memref<40x128xi32, #tpu.memory_space<vmem>>, %arg7: memref<40x128xi32, #tpu.memory_space<vmem>>, %arg8: memref<128x128xf32, #tpu.memory_space<vmem>>, %arg9: memref<128x128xf32, #tpu.memory_space<vmem>>, %arg10: memref<128x128xf32, #tpu.memory_space<vmem>>, %arg11: memref<128x128xf32, #tpu.memory_space<vmem>>, %arg12: memref<5248x128xf32, #tpu.memory_space<vmem_shared>>, %arg13: memref<!tpu.dma_semaphore, #tpu.memory_space<semaphore_mem>>, %arg14: memref<!tpu.dma_semaphore, #tpu.memory_space<semaphore_mem>>, %arg15: memref<!tpu.dma_semaphore, #tpu.memory_space<semaphore_mem>>, %arg16: memref<!tpu.dma_semaphore, #tpu.memory_space<semaphore_mem>>, %arg17: memref<!tpu.dma_semaphore, #tpu.memory_space<semaphore_mem>>, %arg18: memref<!tpu.dma_semaphore, #tpu.memory_space<semaphore_mem>>, %arg19: memref<!tpu.dma_semaphore, #tpu.memory_space<semaphore_mem>>, %arg20: memref<!tpu.dma_semaphore, #tpu.memory_space<semaphore_mem>>) attributes {dimension_semantics = [#tpu.dimension_semantics<core_parallel>, #tpu.dimension_semantics<subcore_parallel>], iteration_bounds = array<i64: 2, 16>, scalar_prefetch = 0 : i64, scratch_operands = 15 : i64, tpu.core_type = #tpu.core_type<sc_vector_subcore>, window_params = [{transform_indices = #map}, {transform_indices = #map}, {transform_indices = #map}, {transform_indices = #map1}]} {
    %mul3A = arith.constant 320 : i32
    %mul3A_0 = arith.muli %arg1, %mul3A : i32
    %scan3A = arith.constant 0 : i32
    %scan3A_1 = arith.constant 0 : i32
    %scan3A_2 = arith.constant 5 : i32
    %scan3A_3 = arith.addi %scan3A_1, %scan3A_2 : i32
    %scan3A_4 = arith.constant 1 : i32
    scf.for %scan3A_42 = %scan3A_1 to %scan3A_3 step %scan3A_4  : i32 {
      %mul3A_43 = arith.constant 5120 : i32
      %mul3A_44 = arith.muli %arg0, %mul3A_43 : i32
      %add3A = arith.addi %mul3A_44, %mul3A_0 : i32
      %mul3A_45 = arith.constant 64 : i32
      %mul3A_46 = arith.muli %scan3A_42, %mul3A_45 : i32
      %add3A_47 = arith.addi %add3A, %mul3A_46 : i32
      "tpu.region"() ({
        %run_scoped3A = tpu.sem_alloc : memref<!tpu.dma_semaphore, #tpu.memory_space<semaphore_mem>>
        %dma_start3A = arith.constant 0 : i32
        %dma_start3A_51 = arith.constant 0 : i32
        %dma_start3A_52 = tpu.memref_slice %arg8[%dma_start3A, %dma_start3A_51] : memref<128x128xf32, #tpu.memory_space<vmem>> -> memref<64x128xf32, #tpu.memory_space<vmem>>
        %dma_start3A_53 = arith.constant 0 : i32
        %dma_start3A_54 = tpu.memref_slice %arg4[%add3A_47, %dma_start3A_53] : memref<10240x128xf32, #tpu.memory_space<hbm>> -> memref<64x128xf32, #tpu.memory_space<hbm>>
        %dma_start3A_55 = arith.constant 0 : i32
        %dma_start3A_56 = arith.constant 0 : i32
        %dma_start3A_57 = tpu.memref_slice %arg8[%dma_start3A_55, %dma_start3A_56] : memref<128x128xf32, #tpu.memory_space<vmem>> -> memref<64x128xf32, #tpu.memory_space<vmem>>
        %dma_start3A_58 = arith.constant 0 : i32
        %dma_start3A_59 = tpu.memref_slice %arg4[%add3A_47, %dma_start3A_58] : memref<10240x128xf32, #tpu.memory_space<hbm>> -> memref<64x128xf32, #tpu.memory_space<hbm>>
        tpu.enqueue_dma source(%dma_start3A_59 : memref<64x128xf32, #tpu.memory_space<hbm>>) target(%dma_start3A_57 : memref<64x128xf32, #tpu.memory_space<vmem>>) target_semaphore(%run_scoped3A : memref<!tpu.dma_semaphore, #tpu.memory_space<semaphore_mem>>)
        %dma_wait3A_60 = arith.constant 0 : i32
        %dma_wait3A_61 = arith.constant 0 : i32
        %dma_wait3A_62 = tpu.memref_slice %arg8[%dma_wait3A_60, %dma_wait3A_61] : memref<128x128xf32, #tpu.memory_space<vmem>> -> memref<64x128xf32, #tpu.memory_space<vmem>>
        %dma_wait3A_63 = arith.constant 0 : i32
        %dma_wait3A_64 = tpu.memref_slice %arg4[%add3A_47, %dma_wait3A_63] : memref<10240x128xf32, #tpu.memory_space<hbm>> -> memref<64x128xf32, #tpu.memory_space<hbm>>
        %dma_wait3A_65 = arith.constant 0 : i32
        %dma_wait3A_66 = arith.constant 0 : i32
        %dma_wait3A_67 = tpu.memref_slice %arg8[%dma_wait3A_65, %dma_wait3A_66] : memref<128x128xf32, #tpu.memory_space<vmem>> -> memref<64x128xf32, #tpu.memory_space<vmem>>
        %dma_wait3A_68 = arith.constant 0 : i32
        %dma_wait3A_69 = tpu.memref_slice %arg4[%add3A_47, %dma_wait3A_68] : memref<10240x128xf32, #tpu.memory_space<hbm>> -> memref<64x128xf32, #tpu.memory_space<hbm>>
        tpu.wait_dma2 semaphore(%run_scoped3A : memref<!tpu.dma_semaphore, #tpu.memory_space<semaphore_mem>>) src(%dma_wait3A_69 : memref<64x128xf32, #tpu.memory_space<hbm>>) dst(%dma_wait3A_67 : memref<64x128xf32, #tpu.memory_space<vmem>>)
        tpu.yield
      }) : () -> ()
      %mul3A_48 = arith.constant 64 : i32
      %mul3A_49 = arith.muli %scan3A_42, %mul3A_48 : i32
      %add3A_50 = arith.addi %mul3A_0, %mul3A_49 : i32
      "tpu.region"() ({
        %run_scoped3A = tpu.sem_alloc : memref<!tpu.dma_semaphore, #tpu.memory_space<semaphore_mem>>
        %dma_start3A = arith.constant 0 : i32
        %dma_start3A_51 = arith.constant 0 : i32
        %dma_start3A_52 = tpu.memref_slice %arg8[%dma_start3A, %dma_start3A_51] : memref<128x128xf32, #tpu.memory_space<vmem>> -> memref<64x128xf32, #tpu.memory_space<vmem>>
        %dma_start3A_53 = arith.constant 0 : i32
        %dma_start3A_54 = tpu.memref_slice %arg12[%add3A_50, %dma_start3A_53] : memref<5248x128xf32, #tpu.memory_space<vmem_shared>> -> memref<64x128xf32, #tpu.memory_space<vmem_shared>>
        %dma_start3A_55 = arith.constant 0 : i32
        %dma_start3A_56 = tpu.memref_slice %arg12[%add3A_50, %dma_start3A_55] : memref<5248x128xf32, #tpu.memory_space<vmem_shared>> -> memref<64x128xf32, #tpu.memory_space<vmem_shared>>
        %dma_start3A_57 = arith.constant 0 : i32
        %dma_start3A_58 = arith.constant 0 : i32
        %dma_start3A_59 = tpu.memref_slice %arg8[%dma_start3A_57, %dma_start3A_58] : memref<128x128xf32, #tpu.memory_space<vmem>> -> memref<64x128xf32, #tpu.memory_space<vmem>>
        tpu.enqueue_dma source(%dma_start3A_59 : memref<64x128xf32, #tpu.memory_space<vmem>>) target(%dma_start3A_56 : memref<64x128xf32, #tpu.memory_space<vmem_shared>>) target_semaphore(%run_scoped3A : memref<!tpu.dma_semaphore, #tpu.memory_space<semaphore_mem>>)
        %dma_wait3A_60 = arith.constant 0 : i32
        %dma_wait3A_61 = arith.constant 0 : i32
        %dma_wait3A_62 = tpu.memref_slice %arg8[%dma_wait3A_60, %dma_wait3A_61] : memref<128x128xf32, #tpu.memory_space<vmem>> -> memref<64x128xf32, #tpu.memory_space<vmem>>
        %dma_wait3A_63 = arith.constant 0 : i32
        %dma_wait3A_64 = tpu.memref_slice %arg12[%add3A_50, %dma_wait3A_63] : memref<5248x128xf32, #tpu.memory_space<vmem_shared>> -> memref<64x128xf32, #tpu.memory_space<vmem_shared>>
        %dma_wait3A_65 = arith.constant 0 : i32
        %dma_wait3A_66 = tpu.memref_slice %arg12[%add3A_50, %dma_wait3A_65] : memref<5248x128xf32, #tpu.memory_space<vmem_shared>> -> memref<64x128xf32, #tpu.memory_space<vmem_shared>>
        %dma_wait3A_67 = arith.constant 0 : i32
        %dma_wait3A_68 = arith.constant 0 : i32
        %dma_wait3A_69 = tpu.memref_slice %arg8[%dma_wait3A_67, %dma_wait3A_68] : memref<128x128xf32, #tpu.memory_space<vmem>> -> memref<64x128xf32, #tpu.memory_space<vmem>>
        tpu.wait_dma2 semaphore(%run_scoped3A : memref<!tpu.dma_semaphore, #tpu.memory_space<semaphore_mem>>) src(%dma_wait3A_69 : memref<64x128xf32, #tpu.memory_space<vmem>>) dst(%dma_wait3A_66 : memref<64x128xf32, #tpu.memory_space<vmem_shared>>)
        tpu.yield
      }) : () -> ()
    }
    %scan3A_5 = arith.constant 5 : i32
    %barrier3A = arith.constant 0 : index
    tpu.barrier barrier_id(%barrier3A)
    %scan3A_6 = arith.constant 0 : i32
    %scan3A_7 = arith.constant 0 : i32
    %scan3A_8 = arith.constant 4 : i32
    %scan3A_9 = arith.addi %scan3A_7, %scan3A_8 : i32
    %scan3A_10 = arith.constant 1 : i32
    scf.for %scan3A_42 = %scan3A_7 to %scan3A_9 step %scan3A_10  : i32 {
      %mul3A_43 = arith.constant 160 : i32
      %mul3A_44 = arith.muli %arg1, %mul3A_43 : i32
      %mul3A_45 = arith.constant 40 : i32
      %mul3A_46 = arith.muli %scan3A_42, %mul3A_45 : i32
      %add3A = arith.addi %mul3A_44, %mul3A_46 : i32
      "tpu.region"() ({
        %run_scoped3A = tpu.sem_alloc : memref<!tpu.dma_semaphore, #tpu.memory_space<semaphore_mem>>
        %dma_start3A_90 = arith.constant 0 : i32
        %dma_start3A_91 = tpu.memref_slice %arg2[%add3A, %dma_start3A_90] : memref<2560x128xi32, #tpu.memory_space<hbm>> -> memref<40x128xi32, #tpu.memory_space<hbm>>
        %dma_start3A_92 = arith.constant 0 : i32
        %dma_start3A_93 = tpu.memref_slice %arg2[%add3A, %dma_start3A_92] : memref<2560x128xi32, #tpu.memory_space<hbm>> -> memref<40x128xi32, #tpu.memory_space<hbm>>
        tpu.enqueue_dma source(%dma_start3A_93 : memref<40x128xi32, #tpu.memory_space<hbm>>) target(%arg6 : memref<40x128xi32, #tpu.memory_space<vmem>>) target_semaphore(%run_scoped3A : memref<!tpu.dma_semaphore, #tpu.memory_space<semaphore_mem>>)
        %dma_wait3A_94 = arith.constant 0 : i32
        %dma_wait3A_95 = tpu.memref_slice %arg2[%add3A, %dma_wait3A_94] : memref<2560x128xi32, #tpu.memory_space<hbm>> -> memref<40x128xi32, #tpu.memory_space<hbm>>
        %dma_wait3A_96 = arith.constant 0 : i32
        %dma_wait3A_97 = tpu.memref_slice %arg2[%add3A, %dma_wait3A_96] : memref<2560x128xi32, #tpu.memory_space<hbm>> -> memref<40x128xi32, #tpu.memory_space<hbm>>
        tpu.wait_dma2 semaphore(%run_scoped3A : memref<!tpu.dma_semaphore, #tpu.memory_space<semaphore_mem>>) src(%dma_wait3A_97 : memref<40x128xi32, #tpu.memory_space<hbm>>) dst(%arg6 : memref<40x128xi32, #tpu.memory_space<vmem>>)
        tpu.yield
      }) : () -> ()
      %mul3A_47 = arith.constant 16 : i32
      %mul3A_48 = arith.muli %arg0, %mul3A_47 : i32
      %add3A_49 = arith.addi %mul3A_48, %arg1 : i32
      %mul3A_50 = arith.constant 160 : i32
      %mul3A_51 = arith.muli %add3A_49, %mul3A_50 : i32
      %mul3A_52 = arith.constant 40 : i32
      %mul3A_53 = arith.muli %scan3A_42, %mul3A_52 : i32
      %add3A_54 = arith.addi %mul3A_51, %mul3A_53 : i32
      "tpu.region"() ({
        %run_scoped3A = tpu.sem_alloc : memref<!tpu.dma_semaphore, #tpu.memory_space<semaphore_mem>>
        %dma_start3A_90 = arith.constant 0 : i32
        %dma_start3A_91 = tpu.memref_slice %arg3[%add3A_54, %dma_start3A_90] : memref<5120x128xi32, #tpu.memory_space<hbm>> -> memref<40x128xi32, #tpu.memory_space<hbm>>
        %dma_start3A_92 = arith.constant 0 : i32
        %dma_start3A_93 = tpu.memref_slice %arg3[%add3A_54, %dma_start3A_92] : memref<5120x128xi32, #tpu.memory_space<hbm>> -> memref<40x128xi32, #tpu.memory_space<hbm>>
        tpu.enqueue_dma source(%dma_start3A_93 : memref<40x128xi32, #tpu.memory_space<hbm>>) target(%arg7 : memref<40x128xi32, #tpu.memory_space<vmem>>) target_semaphore(%run_scoped3A : memref<!tpu.dma_semaphore, #tpu.memory_space<semaphore_mem>>)
        %dma_wait3A_94 = arith.constant 0 : i32
        %dma_wait3A_95 = tpu.memref_slice %arg3[%add3A_54, %dma_wait3A_94] : memref<5120x128xi32, #tpu.memory_space<hbm>> -> memref<40x128xi32, #tpu.memory_space<hbm>>
        %dma_wait3A_96 = arith.constant 0 : i32
        %dma_wait3A_97 = tpu.memref_slice %arg3[%add3A_54, %dma_wait3A_96] : memref<5120x128xi32, #tpu.memory_space<hbm>> -> memref<40x128xi32, #tpu.memory_space<hbm>>
        tpu.wait_dma2 semaphore(%run_scoped3A : memref<!tpu.dma_semaphore, #tpu.memory_space<semaphore_mem>>) src(%dma_wait3A_97 : memref<40x128xi32, #tpu.memory_space<hbm>>) dst(%arg7 : memref<40x128xi32, #tpu.memory_space<vmem>>)
        tpu.yield
      }) : () -> ()
      %gt3A = arith.constant 0 : i32
      %gt3A_55 = arith.cmpi sgt, %scan3A_42, %gt3A : i32
      %convert_element_type3A = arith.extui %gt3A_55 : i1 to i32
      %cond3A = arith.constant 0 : i32
      %cond3A_56 = arith.cmpi ne, %convert_element_type3A, %cond3A : i32
      scf.if %cond3A_56 {
        %dma_wait3A_90 = arith.constant 0 : i32
        %dma_wait3A_91 = arith.constant 0 : i32
        %dma_wait3A_92 = tpu.memref_slice %arg4[%dma_wait3A_90, %dma_wait3A_91] : memref<10240x128xf32, #tpu.memory_space<hbm>> -> memref<128x128xf32, #tpu.memory_space<hbm>>
        %dma_wait3A_93 = arith.constant 0 : i32
        %dma_wait3A_94 = arith.constant 0 : i32
        %dma_wait3A_95 = tpu.memref_slice %arg4[%dma_wait3A_93, %dma_wait3A_94] : memref<10240x128xf32, #tpu.memory_space<hbm>> -> memref<128x128xf32, #tpu.memory_space<hbm>>
        tpu.wait_dma2 semaphore(%arg17 : memref<!tpu.dma_semaphore, #tpu.memory_space<semaphore_mem>>) src(%dma_wait3A_95 : memref<128x128xf32, #tpu.memory_space<hbm>>) dst(%arg8 : memref<128x128xf32, #tpu.memory_space<vmem>>)
        %dma_wait3A_96 = arith.constant 0 : i32
        %dma_wait3A_97 = arith.constant 0 : i32
        %dma_wait3A_98 = tpu.memref_slice %arg4[%dma_wait3A_96, %dma_wait3A_97] : memref<10240x128xf32, #tpu.memory_space<hbm>> -> memref<128x128xf32, #tpu.memory_space<hbm>>
        %dma_wait3A_99 = arith.constant 0 : i32
        %dma_wait3A_100 = arith.constant 0 : i32
        %dma_wait3A_101 = tpu.memref_slice %arg4[%dma_wait3A_99, %dma_wait3A_100] : memref<10240x128xf32, #tpu.memory_space<hbm>> -> memref<128x128xf32, #tpu.memory_space<hbm>>
        tpu.wait_dma2 semaphore(%arg18 : memref<!tpu.dma_semaphore, #tpu.memory_space<semaphore_mem>>) src(%dma_wait3A_101 : memref<128x128xf32, #tpu.memory_space<hbm>>) dst(%arg9 : memref<128x128xf32, #tpu.memory_space<vmem>>)
        %dma_wait3A_102 = arith.constant 0 : i32
        %dma_wait3A_103 = arith.constant 0 : i32
        %dma_wait3A_104 = tpu.memref_slice %arg4[%dma_wait3A_102, %dma_wait3A_103] : memref<10240x128xf32, #tpu.memory_space<hbm>> -> memref<128x128xf32, #tpu.memory_space<hbm>>
        %dma_wait3A_105 = arith.constant 0 : i32
        %dma_wait3A_106 = arith.constant 0 : i32
        %dma_wait3A_107 = tpu.memref_slice %arg4[%dma_wait3A_105, %dma_wait3A_106] : memref<10240x128xf32, #tpu.memory_space<hbm>> -> memref<128x128xf32, #tpu.memory_space<hbm>>
        tpu.wait_dma2 semaphore(%arg19 : memref<!tpu.dma_semaphore, #tpu.memory_space<semaphore_mem>>) src(%dma_wait3A_107 : memref<128x128xf32, #tpu.memory_space<hbm>>) dst(%arg10 : memref<128x128xf32, #tpu.memory_space<vmem>>)
        %dma_wait3A_108 = arith.constant 0 : i32
        %dma_wait3A_109 = arith.constant 0 : i32
        %dma_wait3A_110 = tpu.memref_slice %arg4[%dma_wait3A_108, %dma_wait3A_109] : memref<10240x128xf32, #tpu.memory_space<hbm>> -> memref<128x128xf32, #tpu.memory_space<hbm>>
        %dma_wait3A_111 = arith.constant 0 : i32
        %dma_wait3A_112 = arith.constant 0 : i32
        %dma_wait3A_113 = tpu.memref_slice %arg4[%dma_wait3A_111, %dma_wait3A_112] : memref<10240x128xf32, #tpu.memory_space<hbm>> -> memref<128x128xf32, #tpu.memory_space<hbm>>
        tpu.wait_dma2 semaphore(%arg20 : memref<!tpu.dma_semaphore, #tpu.memory_space<semaphore_mem>>) src(%dma_wait3A_113 : memref<128x128xf32, #tpu.memory_space<hbm>>) dst(%arg11 : memref<128x128xf32, #tpu.memory_space<vmem>>)
      } else {
      }
      %dma_start3A = arith.constant 0 : i32
      %dma_start3A_57 = arith.constant 0 : i32
      %dma_start3A_58 = tpu.memref_slice %arg6[%dma_start3A, %dma_start3A_57] : memref<40x128xi32, #tpu.memory_space<vmem>> -> memref<1x128xi32, #tpu.memory_space<vmem>>
      %dma_start3A_59 = tpu.memref_squeeze %dma_start3A_58 : memref<1x128xi32, #tpu.memory_space<vmem>> -> memref<128xi32, #tpu.memory_space<vmem>>
      %dma_start3A_60 = arith.constant 0 : i32
      %dma_start3A_61 = arith.constant 0 : i32
      %dma_start3A_62 = tpu.memref_slice %arg4[%dma_start3A_60, %dma_start3A_61] : memref<10240x128xf32, #tpu.memory_space<hbm>> -> memref<10240x128xf32, #tpu.memory_space<hbm>>
      tpu.enqueue_indirect_dma source(%dma_start3A_62 : memref<10240x128xf32, #tpu.memory_space<hbm>>) target(%arg8 : memref<128x128xf32, #tpu.memory_space<vmem>>) offsets(%dma_start3A_59 : memref<128xi32, #tpu.memory_space<vmem>>) semaphore(%arg13 : memref<!tpu.dma_semaphore, #tpu.memory_space<semaphore_mem>>)
      %dma_start3A_63 = arith.constant 1 : i32
      %dma_start3A_64 = arith.constant 0 : i32
      %dma_start3A_65 = tpu.memref_slice %arg6[%dma_start3A_63, %dma_start3A_64] : memref<40x128xi32, #tpu.memory_space<vmem>> -> memref<1x128xi32, #tpu.memory_space<vmem>>
      %dma_start3A_66 = tpu.memref_squeeze %dma_start3A_65 : memref<1x128xi32, #tpu.memory_space<vmem>> -> memref<128xi32, #tpu.memory_space<vmem>>
      %dma_start3A_67 = arith.constant 0 : i32
      %dma_start3A_68 = arith.constant 0 : i32
      %dma_start3A_69 = tpu.memref_slice %arg4[%dma_start3A_67, %dma_start3A_68] : memref<10240x128xf32, #tpu.memory_space<hbm>> -> memref<10240x128xf32, #tpu.memory_space<hbm>>
      tpu.enqueue_indirect_dma source(%dma_start3A_69 : memref<10240x128xf32, #tpu.memory_space<hbm>>) target(%arg9 : memref<128x128xf32, #tpu.memory_space<vmem>>) offsets(%dma_start3A_66 : memref<128xi32, #tpu.memory_space<vmem>>) semaphore(%arg14 : memref<!tpu.dma_semaphore, #tpu.memory_space<semaphore_mem>>)
      %dma_start3A_70 = arith.constant 2 : i32
      %dma_start3A_71 = arith.constant 0 : i32
      %dma_start3A_72 = tpu.memref_slice %arg6[%dma_start3A_70, %dma_start3A_71] : memref<40x128xi32, #tpu.memory_space<vmem>> -> memref<1x128xi32, #tpu.memory_space<vmem>>
      %dma_start3A_73 = tpu.memref_squeeze %dma_start3A_72 : memref<1x128xi32, #tpu.memory_space<vmem>> -> memref<128xi32, #tpu.memory_space<vmem>>
      %dma_start3A_74 = arith.constant 0 : i32
      %dma_start3A_75 = arith.constant 0 : i32
      %dma_start3A_76 = tpu.memref_slice %arg4[%dma_start3A_74, %dma_start3A_75] : memref<10240x128xf32, #tpu.memory_space<hbm>> -> memref<10240x128xf32, #tpu.memory_space<hbm>>
      tpu.enqueue_indirect_dma source(%dma_start3A_76 : memref<10240x128xf32, #tpu.memory_space<hbm>>) target(%arg10 : memref<128x128xf32, #tpu.memory_space<vmem>>) offsets(%dma_start3A_73 : memref<128xi32, #tpu.memory_space<vmem>>) semaphore(%arg15 : memref<!tpu.dma_semaphore, #tpu.memory_space<semaphore_mem>>)
      %dma_start3A_77 = arith.constant 3 : i32
      %dma_start3A_78 = arith.constant 0 : i32
      %dma_start3A_79 = tpu.memref_slice %arg6[%dma_start3A_77, %dma_start3A_78] : memref<40x128xi32, #tpu.memory_space<vmem>> -> memref<1x128xi32, #tpu.memory_space<vmem>>
      %dma_start3A_80 = tpu.memref_squeeze %dma_start3A_79 : memref<1x128xi32, #tpu.memory_space<vmem>> -> memref<128xi32, #tpu.memory_space<vmem>>
      %dma_start3A_81 = arith.constant 0 : i32
      %dma_start3A_82 = arith.constant 0 : i32
      %dma_start3A_83 = tpu.memref_slice %arg4[%dma_start3A_81, %dma_start3A_82] : memref<10240x128xf32, #tpu.memory_space<hbm>> -> memref<10240x128xf32, #tpu.memory_space<hbm>>
      tpu.enqueue_indirect_dma source(%dma_start3A_83 : memref<10240x128xf32, #tpu.memory_space<hbm>>) target(%arg11 : memref<128x128xf32, #tpu.memory_space<vmem>>) offsets(%dma_start3A_80 : memref<128xi32, #tpu.memory_space<vmem>>) semaphore(%arg16 : memref<!tpu.dma_semaphore, #tpu.memory_space<semaphore_mem>>)
      %scan3A_84 = arith.constant 0 : i32
      %scan3A_85 = arith.constant 0 : i32
      %scan3A_86 = arith.constant 10 : i32
      %scan3A_87 = arith.addi %scan3A_85, %scan3A_86 : i32
      %scan3A_88 = arith.constant 1 : i32
      scf.for %scan3A_90 = %scan3A_85 to %scan3A_87 step %scan3A_88  : i32 {
        %mul3A_91 = arith.constant 4 : i32
        %mul3A_92 = arith.muli %scan3A_90, %mul3A_91 : i32
        %add3A_93 = arith.constant 0 : i32
        %add3A_94 = arith.addi %mul3A_92, %add3A_93 : i32
        %dma_wait3A_95 = arith.constant 0 : i32
        %dma_wait3A_96 = arith.constant 0 : i32
        %dma_wait3A_97 = tpu.memref_slice %arg4[%dma_wait3A_95, %dma_wait3A_96] : memref<10240x128xf32, #tpu.memory_space<hbm>> -> memref<128x128xf32, #tpu.memory_space<hbm>>
        %dma_wait3A_98 = arith.constant 0 : i32
        %dma_wait3A_99 = arith.constant 0 : i32
        %dma_wait3A_100 = tpu.memref_slice %arg4[%dma_wait3A_98, %dma_wait3A_99] : memref<10240x128xf32, #tpu.memory_space<hbm>> -> memref<128x128xf32, #tpu.memory_space<hbm>>
        tpu.wait_dma2 semaphore(%arg13 : memref<!tpu.dma_semaphore, #tpu.memory_space<semaphore_mem>>) src(%dma_wait3A_100 : memref<128x128xf32, #tpu.memory_space<hbm>>) dst(%arg8 : memref<128x128xf32, #tpu.memory_space<vmem>>)
        %dma_start3A_101 = arith.constant 0 : i32
        %dma_start3A_102 = tpu.memref_slice %arg7[%add3A_94, %dma_start3A_101] : memref<40x128xi32, #tpu.memory_space<vmem>> -> memref<1x128xi32, #tpu.memory_space<vmem>>
        %dma_start3A_103 = tpu.memref_squeeze %dma_start3A_102 : memref<1x128xi32, #tpu.memory_space<vmem>> -> memref<128xi32, #tpu.memory_space<vmem>>
        %dma_start3A_104 = arith.constant 0 : i32
        %dma_start3A_105 = arith.constant 0 : i32
        %dma_start3A_106 = tpu.memref_slice %arg12[%dma_start3A_104, %dma_start3A_105] : memref<5248x128xf32, #tpu.memory_space<vmem_shared>> -> memref<5248x128xf32, #tpu.memory_space<vmem_shared>>
        tpu.enqueue_indirect_dma source(%arg8 : memref<128x128xf32, #tpu.memory_space<vmem>>) target(%dma_start3A_106 : memref<5248x128xf32, #tpu.memory_space<vmem_shared>>) offsets(%dma_start3A_103 : memref<128xi32, #tpu.memory_space<vmem>>) semaphore(%arg17 : memref<!tpu.dma_semaphore, #tpu.memory_space<semaphore_mem>>) {add = true}
        %add3A_107 = arith.constant 4 : i32
        %add3A_108 = arith.addi %add3A_94, %add3A_107 : i32
        %lt3A = arith.constant 40 : i32
        %lt3A_109 = arith.cmpi slt, %add3A_108, %lt3A : i32
        %convert_element_type3A_110 = arith.extui %lt3A_109 : i1 to i32
        %cond3A_111 = arith.constant 0 : i32
        %cond3A_112 = arith.cmpi ne, %convert_element_type3A_110, %cond3A_111 : i32
        scf.if %cond3A_112 {
          %dma_wait3A_176 = arith.constant 0 : i32
          %dma_wait3A_177 = arith.constant 0 : i32
          %dma_wait3A_178 = tpu.memref_slice %arg4[%dma_wait3A_176, %dma_wait3A_177] : memref<10240x128xf32, #tpu.memory_space<hbm>> -> memref<128x128xf32, #tpu.memory_space<hbm>>
          %dma_wait3A_179 = arith.constant 0 : i32
          %dma_wait3A_180 = arith.constant 0 : i32
          %dma_wait3A_181 = tpu.memref_slice %arg4[%dma_wait3A_179, %dma_wait3A_180] : memref<10240x128xf32, #tpu.memory_space<hbm>> -> memref<128x128xf32, #tpu.memory_space<hbm>>
          tpu.wait_dma2 semaphore(%arg17 : memref<!tpu.dma_semaphore, #tpu.memory_space<semaphore_mem>>) src(%dma_wait3A_181 : memref<128x128xf32, #tpu.memory_space<hbm>>) dst(%arg8 : memref<128x128xf32, #tpu.memory_space<vmem>>)
          %add3A_182 = arith.constant 4 : i32
          %add3A_183 = arith.addi %add3A_94, %add3A_182 : i32
          %dma_start3A_184 = arith.constant 0 : i32
          %dma_start3A_185 = tpu.memref_slice %arg6[%add3A_183, %dma_start3A_184] : memref<40x128xi32, #tpu.memory_space<vmem>> -> memref<1x128xi32, #tpu.memory_space<vmem>>
          %dma_start3A_186 = tpu.memref_squeeze %dma_start3A_185 : memref<1x128xi32, #tpu.memory_space<vmem>> -> memref<128xi32, #tpu.memory_space<vmem>>
          %dma_start3A_187 = arith.constant 0 : i32
          %dma_start3A_188 = arith.constant 0 : i32
          %dma_start3A_189 = tpu.memref_slice %arg4[%dma_start3A_187, %dma_start3A_188] : memref<10240x128xf32, #tpu.memory_space<hbm>> -> memref<10240x128xf32, #tpu.memory_space<hbm>>
          tpu.enqueue_indirect_dma source(%dma_start3A_189 : memref<10240x128xf32, #tpu.memory_space<hbm>>) target(%arg8 : memref<128x128xf32, #tpu.memory_space<vmem>>) offsets(%dma_start3A_186 : memref<128xi32, #tpu.memory_space<vmem>>) semaphore(%arg13 : memref<!tpu.dma_semaphore, #tpu.memory_space<semaphore_mem>>)
        } else {
        }
        %add3A_113 = arith.constant 1 : i32
        %add3A_114 = arith.addi %mul3A_92, %add3A_113 : i32
        %dma_wait3A_115 = arith.constant 0 : i32
        %dma_wait3A_116 = arith.constant 0 : i32
        %dma_wait3A_117 = tpu.memref_slice %arg4[%dma_wait3A_115, %dma_wait3A_116] : memref<10240x128xf32, #tpu.memory_space<hbm>> -> memref<128x128xf32, #tpu.memory_space<hbm>>
        %dma_wait3A_118 = arith.constant 0 : i32
        %dma_wait3A_119 = arith.constant 0 : i32
        %dma_wait3A_120 = tpu.memref_slice %arg4[%dma_wait3A_118, %dma_wait3A_119] : memref<10240x128xf32, #tpu.memory_space<hbm>> -> memref<128x128xf32, #tpu.memory_space<hbm>>
        tpu.wait_dma2 semaphore(%arg14 : memref<!tpu.dma_semaphore, #tpu.memory_space<semaphore_mem>>) src(%dma_wait3A_120 : memref<128x128xf32, #tpu.memory_space<hbm>>) dst(%arg9 : memref<128x128xf32, #tpu.memory_space<vmem>>)
        %dma_start3A_121 = arith.constant 0 : i32
        %dma_start3A_122 = tpu.memref_slice %arg7[%add3A_114, %dma_start3A_121] : memref<40x128xi32, #tpu.memory_space<vmem>> -> memref<1x128xi32, #tpu.memory_space<vmem>>
        %dma_start3A_123 = tpu.memref_squeeze %dma_start3A_122 : memref<1x128xi32, #tpu.memory_space<vmem>> -> memref<128xi32, #tpu.memory_space<vmem>>
        %dma_start3A_124 = arith.constant 0 : i32
        %dma_start3A_125 = arith.constant 0 : i32
        %dma_start3A_126 = tpu.memref_slice %arg12[%dma_start3A_124, %dma_start3A_125] : memref<5248x128xf32, #tpu.memory_space<vmem_shared>> -> memref<5248x128xf32, #tpu.memory_space<vmem_shared>>
        tpu.enqueue_indirect_dma source(%arg9 : memref<128x128xf32, #tpu.memory_space<vmem>>) target(%dma_start3A_126 : memref<5248x128xf32, #tpu.memory_space<vmem_shared>>) offsets(%dma_start3A_123 : memref<128xi32, #tpu.memory_space<vmem>>) semaphore(%arg18 : memref<!tpu.dma_semaphore, #tpu.memory_space<semaphore_mem>>) {add = true}
        %add3A_127 = arith.constant 4 : i32
        %add3A_128 = arith.addi %add3A_114, %add3A_127 : i32
        %lt3A_129 = arith.constant 40 : i32
        %lt3A_130 = arith.cmpi slt, %add3A_128, %lt3A_129 : i32
        %convert_element_type3A_131 = arith.extui %lt3A_130 : i1 to i32
        %cond3A_132 = arith.constant 0 : i32
        %cond3A_133 = arith.cmpi ne, %convert_element_type3A_131, %cond3A_132 : i32
        scf.if %cond3A_133 {
          %dma_wait3A_176 = arith.constant 0 : i32
          %dma_wait3A_177 = arith.constant 0 : i32
          %dma_wait3A_178 = tpu.memref_slice %arg4[%dma_wait3A_176, %dma_wait3A_177] : memref<10240x128xf32, #tpu.memory_space<hbm>> -> memref<128x128xf32, #tpu.memory_space<hbm>>
          %dma_wait3A_179 = arith.constant 0 : i32
          %dma_wait3A_180 = arith.constant 0 : i32
          %dma_wait3A_181 = tpu.memref_slice %arg4[%dma_wait3A_179, %dma_wait3A_180] : memref<10240x128xf32, #tpu.memory_space<hbm>> -> memref<128x128xf32, #tpu.memory_space<hbm>>
          tpu.wait_dma2 semaphore(%arg18 : memref<!tpu.dma_semaphore, #tpu.memory_space<semaphore_mem>>) src(%dma_wait3A_181 : memref<128x128xf32, #tpu.memory_space<hbm>>) dst(%arg9 : memref<128x128xf32, #tpu.memory_space<vmem>>)
          %add3A_182 = arith.constant 4 : i32
          %add3A_183 = arith.addi %add3A_114, %add3A_182 : i32
          %dma_start3A_184 = arith.constant 0 : i32
          %dma_start3A_185 = tpu.memref_slice %arg6[%add3A_183, %dma_start3A_184] : memref<40x128xi32, #tpu.memory_space<vmem>> -> memref<1x128xi32, #tpu.memory_space<vmem>>
          %dma_start3A_186 = tpu.memref_squeeze %dma_start3A_185 : memref<1x128xi32, #tpu.memory_space<vmem>> -> memref<128xi32, #tpu.memory_space<vmem>>
          %dma_start3A_187 = arith.constant 0 : i32
          %dma_start3A_188 = arith.constant 0 : i32
          %dma_start3A_189 = tpu.memref_slice %arg4[%dma_start3A_187, %dma_start3A_188] : memref<10240x128xf32, #tpu.memory_space<hbm>> -> memref<10240x128xf32, #tpu.memory_space<hbm>>
          tpu.enqueue_indirect_dma source(%dma_start3A_189 : memref<10240x128xf32, #tpu.memory_space<hbm>>) target(%arg9 : memref<128x128xf32, #tpu.memory_space<vmem>>) offsets(%dma_start3A_186 : memref<128xi32, #tpu.memory_space<vmem>>) semaphore(%arg14 : memref<!tpu.dma_semaphore, #tpu.memory_space<semaphore_mem>>)
        } else {
        }
        %add3A_134 = arith.constant 2 : i32
        %add3A_135 = arith.addi %mul3A_92, %add3A_134 : i32
        %dma_wait3A_136 = arith.constant 0 : i32
        %dma_wait3A_137 = arith.constant 0 : i32
        %dma_wait3A_138 = tpu.memref_slice %arg4[%dma_wait3A_136, %dma_wait3A_137] : memref<10240x128xf32, #tpu.memory_space<hbm>> -> memref<128x128xf32, #tpu.memory_space<hbm>>
        %dma_wait3A_139 = arith.constant 0 : i32
        %dma_wait3A_140 = arith.constant 0 : i32
        %dma_wait3A_141 = tpu.memref_slice %arg4[%dma_wait3A_139, %dma_wait3A_140] : memref<10240x128xf32, #tpu.memory_space<hbm>> -> memref<128x128xf32, #tpu.memory_space<hbm>>
        tpu.wait_dma2 semaphore(%arg15 : memref<!tpu.dma_semaphore, #tpu.memory_space<semaphore_mem>>) src(%dma_wait3A_141 : memref<128x128xf32, #tpu.memory_space<hbm>>) dst(%arg10 : memref<128x128xf32, #tpu.memory_space<vmem>>)
        %dma_start3A_142 = arith.constant 0 : i32
        %dma_start3A_143 = tpu.memref_slice %arg7[%add3A_135, %dma_start3A_142] : memref<40x128xi32, #tpu.memory_space<vmem>> -> memref<1x128xi32, #tpu.memory_space<vmem>>
        %dma_start3A_144 = tpu.memref_squeeze %dma_start3A_143 : memref<1x128xi32, #tpu.memory_space<vmem>> -> memref<128xi32, #tpu.memory_space<vmem>>
        %dma_start3A_145 = arith.constant 0 : i32
        %dma_start3A_146 = arith.constant 0 : i32
        %dma_start3A_147 = tpu.memref_slice %arg12[%dma_start3A_145, %dma_start3A_146] : memref<5248x128xf32, #tpu.memory_space<vmem_shared>> -> memref<5248x128xf32, #tpu.memory_space<vmem_shared>>
        tpu.enqueue_indirect_dma source(%arg10 : memref<128x128xf32, #tpu.memory_space<vmem>>) target(%dma_start3A_147 : memref<5248x128xf32, #tpu.memory_space<vmem_shared>>) offsets(%dma_start3A_144 : memref<128xi32, #tpu.memory_space<vmem>>) semaphore(%arg19 : memref<!tpu.dma_semaphore, #tpu.memory_space<semaphore_mem>>) {add = true}
        %add3A_148 = arith.constant 4 : i32
        %add3A_149 = arith.addi %add3A_135, %add3A_148 : i32
        %lt3A_150 = arith.constant 40 : i32
        %lt3A_151 = arith.cmpi slt, %add3A_149, %lt3A_150 : i32
        %convert_element_type3A_152 = arith.extui %lt3A_151 : i1 to i32
        %cond3A_153 = arith.constant 0 : i32
        %cond3A_154 = arith.cmpi ne, %convert_element_type3A_152, %cond3A_153 : i32
        scf.if %cond3A_154 {
          %dma_wait3A_176 = arith.constant 0 : i32
          %dma_wait3A_177 = arith.constant 0 : i32
          %dma_wait3A_178 = tpu.memref_slice %arg4[%dma_wait3A_176, %dma_wait3A_177] : memref<10240x128xf32, #tpu.memory_space<hbm>> -> memref<128x128xf32, #tpu.memory_space<hbm>>
          %dma_wait3A_179 = arith.constant 0 : i32
          %dma_wait3A_180 = arith.constant 0 : i32
          %dma_wait3A_181 = tpu.memref_slice %arg4[%dma_wait3A_179, %dma_wait3A_180] : memref<10240x128xf32, #tpu.memory_space<hbm>> -> memref<128x128xf32, #tpu.memory_space<hbm>>
          tpu.wait_dma2 semaphore(%arg19 : memref<!tpu.dma_semaphore, #tpu.memory_space<semaphore_mem>>) src(%dma_wait3A_181 : memref<128x128xf32, #tpu.memory_space<hbm>>) dst(%arg10 : memref<128x128xf32, #tpu.memory_space<vmem>>)
          %add3A_182 = arith.constant 4 : i32
          %add3A_183 = arith.addi %add3A_135, %add3A_182 : i32
          %dma_start3A_184 = arith.constant 0 : i32
          %dma_start3A_185 = tpu.memref_slice %arg6[%add3A_183, %dma_start3A_184] : memref<40x128xi32, #tpu.memory_space<vmem>> -> memref<1x128xi32, #tpu.memory_space<vmem>>
          %dma_start3A_186 = tpu.memref_squeeze %dma_start3A_185 : memref<1x128xi32, #tpu.memory_space<vmem>> -> memref<128xi32, #tpu.memory_space<vmem>>
          %dma_start3A_187 = arith.constant 0 : i32
          %dma_start3A_188 = arith.constant 0 : i32
          %dma_start3A_189 = tpu.memref_slice %arg4[%dma_start3A_187, %dma_start3A_188] : memref<10240x128xf32, #tpu.memory_space<hbm>> -> memref<10240x128xf32, #tpu.memory_space<hbm>>
          tpu.enqueue_indirect_dma source(%dma_start3A_189 : memref<10240x128xf32, #tpu.memory_space<hbm>>) target(%arg10 : memref<128x128xf32, #tpu.memory_space<vmem>>) offsets(%dma_start3A_186 : memref<128xi32, #tpu.memory_space<vmem>>) semaphore(%arg15 : memref<!tpu.dma_semaphore, #tpu.memory_space<semaphore_mem>>)
        } else {
        }
        %add3A_155 = arith.constant 3 : i32
        %add3A_156 = arith.addi %mul3A_92, %add3A_155 : i32
        %dma_wait3A_157 = arith.constant 0 : i32
        %dma_wait3A_158 = arith.constant 0 : i32
        %dma_wait3A_159 = tpu.memref_slice %arg4[%dma_wait3A_157, %dma_wait3A_158] : memref<10240x128xf32, #tpu.memory_space<hbm>> -> memref<128x128xf32, #tpu.memory_space<hbm>>
        %dma_wait3A_160 = arith.constant 0 : i32
        %dma_wait3A_161 = arith.constant 0 : i32
        %dma_wait3A_162 = tpu.memref_slice %arg4[%dma_wait3A_160, %dma_wait3A_161] : memref<10240x128xf32, #tpu.memory_space<hbm>> -> memref<128x128xf32, #tpu.memory_space<hbm>>
        tpu.wait_dma2 semaphore(%arg16 : memref<!tpu.dma_semaphore, #tpu.memory_space<semaphore_mem>>) src(%dma_wait3A_162 : memref<128x128xf32, #tpu.memory_space<hbm>>) dst(%arg11 : memref<128x128xf32, #tpu.memory_space<vmem>>)
        %dma_start3A_163 = arith.constant 0 : i32
        %dma_start3A_164 = tpu.memref_slice %arg7[%add3A_156, %dma_start3A_163] : memref<40x128xi32, #tpu.memory_space<vmem>> -> memref<1x128xi32, #tpu.memory_space<vmem>>
        %dma_start3A_165 = tpu.memref_squeeze %dma_start3A_164 : memref<1x128xi32, #tpu.memory_space<vmem>> -> memref<128xi32, #tpu.memory_space<vmem>>
        %dma_start3A_166 = arith.constant 0 : i32
        %dma_start3A_167 = arith.constant 0 : i32
        %dma_start3A_168 = tpu.memref_slice %arg12[%dma_start3A_166, %dma_start3A_167] : memref<5248x128xf32, #tpu.memory_space<vmem_shared>> -> memref<5248x128xf32, #tpu.memory_space<vmem_shared>>
        tpu.enqueue_indirect_dma source(%arg11 : memref<128x128xf32, #tpu.memory_space<vmem>>) target(%dma_start3A_168 : memref<5248x128xf32, #tpu.memory_space<vmem_shared>>) offsets(%dma_start3A_165 : memref<128xi32, #tpu.memory_space<vmem>>) semaphore(%arg20 : memref<!tpu.dma_semaphore, #tpu.memory_space<semaphore_mem>>) {add = true}
        %add3A_169 = arith.constant 4 : i32
        %add3A_170 = arith.addi %add3A_156, %add3A_169 : i32
        %lt3A_171 = arith.constant 40 : i32
        %lt3A_172 = arith.cmpi slt, %add3A_170, %lt3A_171 : i32
        %convert_element_type3A_173 = arith.extui %lt3A_172 : i1 to i32
        %cond3A_174 = arith.constant 0 : i32
        %cond3A_175 = arith.cmpi ne, %convert_element_type3A_173, %cond3A_174 : i32
        scf.if %cond3A_175 {
          %dma_wait3A_176 = arith.constant 0 : i32
          %dma_wait3A_177 = arith.constant 0 : i32
          %dma_wait3A_178 = tpu.memref_slice %arg4[%dma_wait3A_176, %dma_wait3A_177] : memref<10240x128xf32, #tpu.memory_space<hbm>> -> memref<128x128xf32, #tpu.memory_space<hbm>>
          %dma_wait3A_179 = arith.constant 0 : i32
          %dma_wait3A_180 = arith.constant 0 : i32
          %dma_wait3A_181 = tpu.memref_slice %arg4[%dma_wait3A_179, %dma_wait3A_180] : memref<10240x128xf32, #tpu.memory_space<hbm>> -> memref<128x128xf32, #tpu.memory_space<hbm>>
          tpu.wait_dma2 semaphore(%arg20 : memref<!tpu.dma_semaphore, #tpu.memory_space<semaphore_mem>>) src(%dma_wait3A_181 : memref<128x128xf32, #tpu.memory_space<hbm>>) dst(%arg11 : memref<128x128xf32, #tpu.memory_space<vmem>>)
          %add3A_182 = arith.constant 4 : i32
          %add3A_183 = arith.addi %add3A_156, %add3A_182 : i32
          %dma_start3A_184 = arith.constant 0 : i32
          %dma_start3A_185 = tpu.memref_slice %arg6[%add3A_183, %dma_start3A_184] : memref<40x128xi32, #tpu.memory_space<vmem>> -> memref<1x128xi32, #tpu.memory_space<vmem>>
          %dma_start3A_186 = tpu.memref_squeeze %dma_start3A_185 : memref<1x128xi32, #tpu.memory_space<vmem>> -> memref<128xi32, #tpu.memory_space<vmem>>
          %dma_start3A_187 = arith.constant 0 : i32
          %dma_start3A_188 = arith.constant 0 : i32
          %dma_start3A_189 = tpu.memref_slice %arg4[%dma_start3A_187, %dma_start3A_188] : memref<10240x128xf32, #tpu.memory_space<hbm>> -> memref<10240x128xf32, #tpu.memory_space<hbm>>
          tpu.enqueue_indirect_dma source(%dma_start3A_189 : memref<10240x128xf32, #tpu.memory_space<hbm>>) target(%arg11 : memref<128x128xf32, #tpu.memory_space<vmem>>) offsets(%dma_start3A_186 : memref<128xi32, #tpu.memory_space<vmem>>) semaphore(%arg16 : memref<!tpu.dma_semaphore, #tpu.memory_space<semaphore_mem>>)
        } else {
        }
      }
      %scan3A_89 = arith.constant 10 : i32
    }
    %scan3A_11 = arith.constant 4 : i32
    %dma_wait3A = arith.constant 0 : i32
    %dma_wait3A_12 = arith.constant 0 : i32
    %dma_wait3A_13 = tpu.memref_slice %arg4[%dma_wait3A, %dma_wait3A_12] : memref<10240x128xf32, #tpu.memory_space<hbm>> -> memref<128x128xf32, #tpu.memory_space<hbm>>
    %dma_wait3A_14 = arith.constant 0 : i32
    %dma_wait3A_15 = arith.constant 0 : i32
    %dma_wait3A_16 = tpu.memref_slice %arg4[%dma_wait3A_14, %dma_wait3A_15] : memref<10240x128xf32, #tpu.memory_space<hbm>> -> memref<128x128xf32, #tpu.memory_space<hbm>>
    tpu.wait_dma2 semaphore(%arg17 : memref<!tpu.dma_semaphore, #tpu.memory_space<semaphore_mem>>) src(%dma_wait3A_16 : memref<128x128xf32, #tpu.memory_space<hbm>>) dst(%arg8 : memref<128x128xf32, #tpu.memory_space<vmem>>)
    %dma_wait3A_17 = arith.constant 0 : i32
    %dma_wait3A_18 = arith.constant 0 : i32
    %dma_wait3A_19 = tpu.memref_slice %arg4[%dma_wait3A_17, %dma_wait3A_18] : memref<10240x128xf32, #tpu.memory_space<hbm>> -> memref<128x128xf32, #tpu.memory_space<hbm>>
    %dma_wait3A_20 = arith.constant 0 : i32
    %dma_wait3A_21 = arith.constant 0 : i32
    %dma_wait3A_22 = tpu.memref_slice %arg4[%dma_wait3A_20, %dma_wait3A_21] : memref<10240x128xf32, #tpu.memory_space<hbm>> -> memref<128x128xf32, #tpu.memory_space<hbm>>
    tpu.wait_dma2 semaphore(%arg18 : memref<!tpu.dma_semaphore, #tpu.memory_space<semaphore_mem>>) src(%dma_wait3A_22 : memref<128x128xf32, #tpu.memory_space<hbm>>) dst(%arg9 : memref<128x128xf32, #tpu.memory_space<vmem>>)
    %dma_wait3A_23 = arith.constant 0 : i32
    %dma_wait3A_24 = arith.constant 0 : i32
    %dma_wait3A_25 = tpu.memref_slice %arg4[%dma_wait3A_23, %dma_wait3A_24] : memref<10240x128xf32, #tpu.memory_space<hbm>> -> memref<128x128xf32, #tpu.memory_space<hbm>>
    %dma_wait3A_26 = arith.constant 0 : i32
    %dma_wait3A_27 = arith.constant 0 : i32
    %dma_wait3A_28 = tpu.memref_slice %arg4[%dma_wait3A_26, %dma_wait3A_27] : memref<10240x128xf32, #tpu.memory_space<hbm>> -> memref<128x128xf32, #tpu.memory_space<hbm>>
    tpu.wait_dma2 semaphore(%arg19 : memref<!tpu.dma_semaphore, #tpu.memory_space<semaphore_mem>>) src(%dma_wait3A_28 : memref<128x128xf32, #tpu.memory_space<hbm>>) dst(%arg10 : memref<128x128xf32, #tpu.memory_space<vmem>>)
    %dma_wait3A_29 = arith.constant 0 : i32
    %dma_wait3A_30 = arith.constant 0 : i32
    %dma_wait3A_31 = tpu.memref_slice %arg4[%dma_wait3A_29, %dma_wait3A_30] : memref<10240x128xf32, #tpu.memory_space<hbm>> -> memref<128x128xf32, #tpu.memory_space<hbm>>
    %dma_wait3A_32 = arith.constant 0 : i32
    %dma_wait3A_33 = arith.constant 0 : i32
    %dma_wait3A_34 = tpu.memref_slice %arg4[%dma_wait3A_32, %dma_wait3A_33] : memref<10240x128xf32, #tpu.memory_space<hbm>> -> memref<128x128xf32, #tpu.memory_space<hbm>>
    tpu.wait_dma2 semaphore(%arg20 : memref<!tpu.dma_semaphore, #tpu.memory_space<semaphore_mem>>) src(%dma_wait3A_34 : memref<128x128xf32, #tpu.memory_space<hbm>>) dst(%arg11 : memref<128x128xf32, #tpu.memory_space<vmem>>)
    %barrier3A_35 = arith.constant 0 : index
    tpu.barrier barrier_id(%barrier3A_35)
    %scan3A_36 = arith.constant 0 : i32
    %scan3A_37 = arith.constant 0 : i32
    %scan3A_38 = arith.constant 5 : i32
    %scan3A_39 = arith.addi %scan3A_37, %scan3A_38 : i32
    %scan3A_40 = arith.constant 1 : i32
    scf.for %scan3A_42 = %scan3A_37 to %scan3A_39 step %scan3A_40  : i32 {
      %mul3A_43 = arith.constant 64 : i32
      %mul3A_44 = arith.muli %scan3A_42, %mul3A_43 : i32
      %add3A = arith.addi %mul3A_0, %mul3A_44 : i32
      "tpu.region"() ({
        %run_scoped3A = tpu.sem_alloc : memref<!tpu.dma_semaphore, #tpu.memory_space<semaphore_mem>>
        %dma_start3A = arith.constant 0 : i32
        %dma_start3A_48 = arith.constant 0 : i32
        %dma_start3A_49 = tpu.memref_slice %arg8[%dma_start3A, %dma_start3A_48] : memref<128x128xf32, #tpu.memory_space<vmem>> -> memref<64x128xf32, #tpu.memory_space<vmem>>
        %dma_start3A_50 = arith.constant 0 : i32
        %dma_start3A_51 = tpu.memref_slice %arg12[%add3A, %dma_start3A_50] : memref<5248x128xf32, #tpu.memory_space<vmem_shared>> -> memref<64x128xf32, #tpu.memory_space<vmem_shared>>
        %dma_start3A_52 = arith.constant 0 : i32
        %dma_start3A_53 = arith.constant 0 : i32
        %dma_start3A_54 = tpu.memref_slice %arg8[%dma_start3A_52, %dma_start3A_53] : memref<128x128xf32, #tpu.memory_space<vmem>> -> memref<64x128xf32, #tpu.memory_space<vmem>>
        %dma_start3A_55 = arith.constant 0 : i32
        %dma_start3A_56 = tpu.memref_slice %arg12[%add3A, %dma_start3A_55] : memref<5248x128xf32, #tpu.memory_space<vmem_shared>> -> memref<64x128xf32, #tpu.memory_space<vmem_shared>>
        tpu.enqueue_dma source(%dma_start3A_56 : memref<64x128xf32, #tpu.memory_space<vmem_shared>>) target(%dma_start3A_54 : memref<64x128xf32, #tpu.memory_space<vmem>>) target_semaphore(%run_scoped3A : memref<!tpu.dma_semaphore, #tpu.memory_space<semaphore_mem>>)
        %dma_wait3A_57 = arith.constant 0 : i32
        %dma_wait3A_58 = arith.constant 0 : i32
        %dma_wait3A_59 = tpu.memref_slice %arg8[%dma_wait3A_57, %dma_wait3A_58] : memref<128x128xf32, #tpu.memory_space<vmem>> -> memref<64x128xf32, #tpu.memory_space<vmem>>
        %dma_wait3A_60 = arith.constant 0 : i32
        %dma_wait3A_61 = tpu.memref_slice %arg12[%add3A, %dma_wait3A_60] : memref<5248x128xf32, #tpu.memory_space<vmem_shared>> -> memref<64x128xf32, #tpu.memory_space<vmem_shared>>
        %dma_wait3A_62 = arith.constant 0 : i32
        %dma_wait3A_63 = arith.constant 0 : i32
        %dma_wait3A_64 = tpu.memref_slice %arg8[%dma_wait3A_62, %dma_wait3A_63] : memref<128x128xf32, #tpu.memory_space<vmem>> -> memref<64x128xf32, #tpu.memory_space<vmem>>
        %dma_wait3A_65 = arith.constant 0 : i32
        %dma_wait3A_66 = tpu.memref_slice %arg12[%add3A, %dma_wait3A_65] : memref<5248x128xf32, #tpu.memory_space<vmem_shared>> -> memref<64x128xf32, #tpu.memory_space<vmem_shared>>
        tpu.wait_dma2 semaphore(%run_scoped3A : memref<!tpu.dma_semaphore, #tpu.memory_space<semaphore_mem>>) src(%dma_wait3A_66 : memref<64x128xf32, #tpu.memory_space<vmem_shared>>) dst(%dma_wait3A_64 : memref<64x128xf32, #tpu.memory_space<vmem>>)
        tpu.yield
      }) : () -> ()
      %mul3A_45 = arith.constant 64 : i32
      %mul3A_46 = arith.muli %scan3A_42, %mul3A_45 : i32
      %add3A_47 = arith.addi %mul3A_0, %mul3A_46 : i32
      "tpu.region"() ({
        %run_scoped3A = tpu.sem_alloc : memref<!tpu.dma_semaphore, #tpu.memory_space<semaphore_mem>>
        %dma_start3A = arith.constant 0 : i32
        %dma_start3A_48 = arith.constant 0 : i32
        %dma_start3A_49 = tpu.memref_slice %arg8[%dma_start3A, %dma_start3A_48] : memref<128x128xf32, #tpu.memory_space<vmem>> -> memref<64x128xf32, #tpu.memory_space<vmem>>
        %dma_start3A_50 = arith.constant 0 : i32
        %dma_start3A_51 = tpu.memref_slice %arg5[%arg0, %add3A_47, %dma_start3A_50] : memref<2x5120x128xf32, #tpu.memory_space<hbm>> -> memref<1x64x128xf32, #tpu.memory_space<hbm>>
        %dma_start3A_52 = tpu.memref_squeeze %dma_start3A_51 : memref<1x64x128xf32, #tpu.memory_space<hbm>> -> memref<64x128xf32, #tpu.memory_space<hbm>>
        %dma_start3A_53 = arith.constant 0 : i32
        %dma_start3A_54 = tpu.memref_slice %arg5[%arg0, %add3A_47, %dma_start3A_53] : memref<2x5120x128xf32, #tpu.memory_space<hbm>> -> memref<1x64x128xf32, #tpu.memory_space<hbm>>
        %dma_start3A_55 = tpu.memref_squeeze %dma_start3A_54 : memref<1x64x128xf32, #tpu.memory_space<hbm>> -> memref<64x128xf32, #tpu.memory_space<hbm>>
        %dma_start3A_56 = arith.constant 0 : i32
        %dma_start3A_57 = arith.constant 0 : i32
        %dma_start3A_58 = tpu.memref_slice %arg8[%dma_start3A_56, %dma_start3A_57] : memref<128x128xf32, #tpu.memory_space<vmem>> -> memref<64x128xf32, #tpu.memory_space<vmem>>
        tpu.enqueue_dma source(%dma_start3A_58 : memref<64x128xf32, #tpu.memory_space<vmem>>) target(%dma_start3A_55 : memref<64x128xf32, #tpu.memory_space<hbm>>) target_semaphore(%run_scoped3A : memref<!tpu.dma_semaphore, #tpu.memory_space<semaphore_mem>>)
        %dma_wait3A_59 = arith.constant 0 : i32
        %dma_wait3A_60 = arith.constant 0 : i32
        %dma_wait3A_61 = tpu.memref_slice %arg8[%dma_wait3A_59, %dma_wait3A_60] : memref<128x128xf32, #tpu.memory_space<vmem>> -> memref<64x128xf32, #tpu.memory_space<vmem>>
        %dma_wait3A_62 = arith.constant 0 : i32
        %dma_wait3A_63 = tpu.memref_slice %arg5[%arg0, %add3A_47, %dma_wait3A_62] : memref<2x5120x128xf32, #tpu.memory_space<hbm>> -> memref<1x64x128xf32, #tpu.memory_space<hbm>>
        %dma_wait3A_64 = tpu.memref_squeeze %dma_wait3A_63 : memref<1x64x128xf32, #tpu.memory_space<hbm>> -> memref<64x128xf32, #tpu.memory_space<hbm>>
        %dma_wait3A_65 = arith.constant 0 : i32
        %dma_wait3A_66 = tpu.memref_slice %arg5[%arg0, %add3A_47, %dma_wait3A_65] : memref<2x5120x128xf32, #tpu.memory_space<hbm>> -> memref<1x64x128xf32, #tpu.memory_space<hbm>>
        %dma_wait3A_67 = tpu.memref_squeeze %dma_wait3A_66 : memref<1x64x128xf32, #tpu.memory_space<hbm>> -> memref<64x128xf32, #tpu.memory_space<hbm>>
        %dma_wait3A_68 = arith.constant 0 : i32
        %dma_wait3A_69 = arith.constant 0 : i32
        %dma_wait3A_70 = tpu.memref_slice %arg8[%dma_wait3A_68, %dma_wait3A_69] : memref<128x128xf32, #tpu.memory_space<vmem>> -> memref<64x128xf32, #tpu.memory_space<vmem>>
        tpu.wait_dma2 semaphore(%run_scoped3A : memref<!tpu.dma_semaphore, #tpu.memory_space<semaphore_mem>>) src(%dma_wait3A_70 : memref<64x128xf32, #tpu.memory_space<vmem>>) dst(%dma_wait3A_67 : memref<64x128xf32, #tpu.memory_space<hbm>>)
        tpu.yield
      }) : () -> ()
    }
    %scan3A_41 = arith.constant 5 : i32
    return
  }
}

module attributes {stable_mosaic.version = 14 : i64} {
  func.func @_combine_body(%arg0: i32, %arg1: memref<1x1024x128xf32, #tpu.memory_space<vmem>>, %arg2: memref<1x128xf32, #tpu.memory_space<vmem>>, %arg3: memref<2x1024x128xf32, #tpu.memory_space<vmem>>, %arg4: memref<1024x128xf32, #tpu.memory_space<vmem>>, %arg5: memref<2x128xf32, #tpu.memory_space<vmem>>, %arg6: memref<2x128xf32, #tpu.memory_space<vmem>>) attributes {dimension_semantics = [#tpu.dimension_semantics<arbitrary>], iteration_bounds = array<i64: 10>, scalar_prefetch = 0 : i64, scratch_operands = 1 : i64, tpu.core_type = #tpu.core_type<tc>, window_params = [{transform_indices = @transform_0, window_bounds = array<i64: 1, 1024, 128>}, {pipeline_mode = #tpu.pipeline_mode<synchronous>, transform_indices = @transform_1, window_bounds = array<i64: 1, 128>}, {transform_indices = @transform_2, window_bounds = array<i64: 2, 1024, 128>}, {transform_indices = @transform_3, window_bounds = array<i64: 1024, 128>}, {pipeline_mode = #tpu.pipeline_mode<synchronous>, transform_indices = @transform_4, window_bounds = array<i64: 2, 128>}]} {
    %get3A = arith.constant 0 : index
    %get3A_0 = arith.constant 0 : index
    %get3A_1 = arith.constant 0 : index
    %get3A_2 = vector.load %arg3[%get3A, %get3A_0, %get3A_1] : memref<2x1024x128xf32, #tpu.memory_space<vmem>>, vector<1x1024x1xf32>
    %get3A_3 = vector.shape_cast %get3A_2 : vector<1x1024x1xf32> to vector<1024xf32>
    %get3A_4 = arith.constant 1 : index
    %get3A_5 = arith.constant 0 : index
    %get3A_6 = arith.constant 0 : index
    %get3A_7 = vector.load %arg3[%get3A_4, %get3A_5, %get3A_6] : memref<2x1024x128xf32, #tpu.memory_space<vmem>>, vector<1x1024x1xf32>
    %get3A_8 = vector.shape_cast %get3A_7 : vector<1x1024x1xf32> to vector<1024xf32>
    %add3A = arith.addf %get3A_3, %get3A_8 : vector<1024xf32>
    %add3A_9 = arith.constant 1.000000e+00 : f32
    %add3A_10 = vector.broadcast %add3A_9 : f32 to vector<1024xf32>
    %add3A_11 = arith.addf %add3A, %add3A_10 : vector<1024xf32>
    %rsqrt3A = math.rsqrt %add3A_11 : vector<1024xf32>
    %get3A_12 = arith.constant 0 : index
    %get3A_13 = arith.constant 0 : index
    %get3A_14 = arith.constant 0 : index
    %get3A_15 = vector.load %arg1[%get3A_12, %get3A_13, %get3A_14] : memref<1x1024x128xf32, #tpu.memory_space<vmem>>, vector<1x1024x128xf32>
    %get3A_16 = vector.shape_cast %get3A_15 : vector<1x1024x128xf32> to vector<1024x128xf32>
    %broadcast_in_dim3A = vector.shape_cast %rsqrt3A : vector<1024xf32> to vector<1024x1xf32>
    %mul3A = vector.broadcast %broadcast_in_dim3A : vector<1024x1xf32> to vector<1024x128xf32>
    %mul3A_17 = arith.mulf %get3A_16, %mul3A : vector<1024x128xf32>
    %get3A_18 = arith.constant 0 : index
    %get3A_19 = arith.constant 0 : index
    %get3A_20 = vector.load %arg2[%get3A_18, %get3A_19] : memref<1x128xf32, #tpu.memory_space<vmem>>, vector<1x128xf32>
    %add3A_21 = vector.broadcast %get3A_20 : vector<1x128xf32> to vector<1024x128xf32>
    %add3A_22 = arith.addf %mul3A_17, %add3A_21 : vector<1024x128xf32>
    %swap3A = arith.constant 0 : index
    %swap3A_23 = arith.constant 0 : index
    %swap3A_24 = vector.load %arg4[%swap3A, %swap3A_23] : memref<1024x128xf32, #tpu.memory_space<vmem>>, vector<1024x128xf32>
    tpu.vector_store %arg4[%swap3A, %swap3A_23], %add3A_22 {strides = array<i32>} : memref<1024x128xf32, #tpu.memory_space<vmem>>, vector<1024x128xf32>,
    %mul3A_25 = arith.constant 1024 : i32
    %mul3A_26 = arith.muli %arg0, %mul3A_25 : i32
    %iota3A = tpu.iota {dimensions = array<i32: 0>} : vector<1024x1xi32>
    %add3A_27 = vector.broadcast %mul3A_26 : i32 to vector<1024x1xi32>
    %add3A_28 = arith.addi %add3A_27, %iota3A : vector<1024x1xi32>
    %lt3A = arith.constant 10000 : i32
    %lt3A_29 = vector.broadcast %lt3A : i32 to vector<1024x1xi32>
    %lt3A_30 = arith.cmpi slt, %add3A_28, %lt3A_29 : vector<1024x1xi32>
    %jit3A = arith.constant 0.000000e+00 : f32
    %broadcast_in_dim3A_31 = vector.shape_cast %lt3A_30 : vector<1024x1xi1> to vector<1024x1xi1>
    %broadcast_in_dim3A_32 = vector.broadcast %broadcast_in_dim3A_31 : vector<1024x1xi1> to vector<1024x128xi1>
    %broadcast_in_dim3A_33 = vector.broadcast %jit3A : f32 to vector<1024x128xf32>
    %select_n3A = arith.select %broadcast_in_dim3A_32, %add3A_22, %broadcast_in_dim3A_33 : vector<1024x128xi1>, vector<1024x128xf32>
    %reduce_sum3A = arith.constant dense<0.000000e+00> : vector<128xf32>
    %reduce_sum3A_34 = vector.multi_reduction <add>, %select_n3A, %reduce_sum3A [0] : vector<1024x128xf32> to vector<128xf32>
    %broadcast_in_dim3A_35 = vector.shape_cast %reduce_sum3A_34 : vector<128xf32> to vector<1x128xf32>
    %mul3A_36 = arith.mulf %select_n3A, %select_n3A : vector<1024x128xf32>
    %reduce_sum3A_37 = arith.constant dense<0.000000e+00> : vector<128xf32>
    %reduce_sum3A_38 = vector.multi_reduction <add>, %mul3A_36, %reduce_sum3A_37 [0] : vector<1024x128xf32> to vector<128xf32>
    %broadcast_in_dim3A_39 = vector.shape_cast %reduce_sum3A_38 : vector<128xf32> to vector<1x128xf32>
    %concatenate3A = tpu.concatenate %broadcast_in_dim3A_35, %broadcast_in_dim3A_39 in 0 : vector<1x128xf32>, vector<1x128xf32> -> vector<2x128xf32>
    %eq3A = arith.constant 0 : i32
    %eq3A_40 = arith.cmpi eq, %arg0, %eq3A : i32
    %convert_element_type3A = arith.extui %eq3A_40 : i1 to i32
    %cond3A = arith.constant 0 : i32
    %cond3A_41 = arith.cmpi ne, %convert_element_type3A, %cond3A : i32
    scf.if %cond3A_41 {
      %broadcast_in_dim3A_55 = arith.constant 0.000000e+00 : f32
      %broadcast_in_dim3A_56 = vector.broadcast %broadcast_in_dim3A_55 : f32 to vector<2x128xf32>
      %swap3A_57 = arith.constant 0 : index
      %swap3A_58 = arith.constant 0 : index
      %swap3A_59 = vector.load %arg6[%swap3A_57, %swap3A_58] : memref<2x128xf32, #tpu.memory_space<vmem>>, vector<2x128xf32>
      tpu.vector_store %arg6[%swap3A_57, %swap3A_58], %broadcast_in_dim3A_56 {strides = array<i32>} : memref<2x128xf32, #tpu.memory_space<vmem>>, vector<2x128xf32>,
    } else {
    }
    %get3A_42 = arith.constant 0 : index
    %get3A_43 = arith.constant 0 : index
    %get3A_44 = vector.load %arg6[%get3A_42, %get3A_43] : memref<2x128xf32, #tpu.memory_space<vmem>>, vector<2x128xf32>
    %add3A_45 = arith.addf %get3A_44, %concatenate3A : vector<2x128xf32>
    %swap3A_46 = arith.constant 0 : index
    %swap3A_47 = arith.constant 0 : index
    %swap3A_48 = vector.load %arg6[%swap3A_46, %swap3A_47] : memref<2x128xf32, #tpu.memory_space<vmem>>, vector<2x128xf32>
    tpu.vector_store %arg6[%swap3A_46, %swap3A_47], %add3A_45 {strides = array<i32>} : memref<2x128xf32, #tpu.memory_space<vmem>>, vector<2x128xf32>,
    %get3A_49 = arith.constant 0 : index
    %get3A_50 = arith.constant 0 : index
    %get3A_51 = vector.load %arg6[%get3A_49, %get3A_50] : memref<2x128xf32, #tpu.memory_space<vmem>>, vector<2x128xf32>
    %swap3A_52 = arith.constant 0 : index
    %swap3A_53 = arith.constant 0 : index
    %swap3A_54 = vector.load %arg5[%swap3A_52, %swap3A_53] : memref<2x128xf32, #tpu.memory_space<vmem>>, vector<2x128xf32>
    tpu.vector_store %arg5[%swap3A_52, %swap3A_53], %get3A_51 {strides = array<i32>} : memref<2x128xf32, #tpu.memory_space<vmem>>, vector<2x128xf32>,
    return
  }
  func.func @transform_0(%arg0: i32) -> (i32, i32, i32) {
    %jit3A = arith.constant 5 : i32
    %div3A = arith.divsi %arg0, %jit3A : i32
    %sign3A = arith.constant 0 : i32
    %sign3A_0 = arith.cmpi sgt, %arg0, %sign3A : i32
    %sign3A_1 = arith.extui %sign3A_0 : i1 to i32
    %sign3A_2 = arith.constant 0 : i32
    %sign3A_3 = arith.cmpi slt, %arg0, %sign3A_2 : i32
    %sign3A_4 = arith.extui %sign3A_3 : i1 to i32
    %sign3A_5 = arith.subi %sign3A_1, %sign3A_4 : i32
    %sign3A_6 = arith.constant 0 : i32
    %sign3A_7 = arith.cmpi sgt, %jit3A, %sign3A_6 : i32
    %sign3A_8 = arith.extui %sign3A_7 : i1 to i32
    %sign3A_9 = arith.constant 0 : i32
    %sign3A_10 = arith.cmpi slt, %jit3A, %sign3A_9 : i32
    %sign3A_11 = arith.extui %sign3A_10 : i1 to i32
    %sign3A_12 = arith.subi %sign3A_8, %sign3A_11 : i32
    %ne3A = arith.cmpi ne, %sign3A_5, %sign3A_12 : i32
    %rem3A = arith.remsi %arg0, %jit3A : i32
    %ne3A_13 = arith.constant 0 : i32
    %ne3A_14 = arith.cmpi ne, %rem3A, %ne3A_13 : i32
    %and3A = arith.andi %ne3A, %ne3A_14 : i1
    %sub3A = arith.constant 1 : i32
    %sub3A_15 = arith.subi %div3A, %sub3A : i32
    %select_n3A = arith.select %and3A, %sub3A_15, %div3A : i32
    %jit3A_16 = arith.constant 5 : i32
    %eq3A = arith.constant 0 : i32
    %eq3A_17 = arith.cmpi eq, %jit3A_16, %eq3A : i32
    %jit3A_18 = arith.constant 1 : i32
    %select_n3A_19 = arith.select %eq3A_17, %jit3A_18, %jit3A_16 : i32
    %rem3A_20 = arith.remsi %arg0, %select_n3A_19 : i32
    %ne3A_21 = arith.constant 0 : i32
    %ne3A_22 = arith.cmpi ne, %rem3A_20, %ne3A_21 : i32
    %lt3A = arith.constant 0 : i32
    %lt3A_23 = arith.cmpi slt, %rem3A_20, %lt3A : i32
    %lt3A_24 = arith.constant 0 : i32
    %lt3A_25 = arith.cmpi slt, %select_n3A_19, %lt3A_24 : i32
    %ne3A_26 = arith.xori %lt3A_23, %lt3A_25 : i1
    %and3A_27 = arith.andi %ne3A_26, %ne3A_22 : i1
    %add3A = arith.addi %rem3A_20, %select_n3A_19 : i32
    %select_n3A_28 = arith.select %and3A_27, %add3A, %rem3A_20 : i32
    %c0_i32 = arith.constant 0 : i32
    %c0_i32_29 = arith.constant 0 : i32
    return %select_n3A, %select_n3A_28, %c0_i32 : i32, i32, i32
  }
  func.func @transform_1(%arg0: i32) -> (i32, i32) {
    %c0_i32 = arith.constant 0 : i32
    %c0_i32_0 = arith.constant 0 : i32
    %c0_i32_1 = arith.constant 0 : i32
    return %c0_i32, %c0_i32_0 : i32, i32
  }
  func.func @transform_2(%arg0: i32) -> (i32, i32, i32) {
    %c0_i32 = arith.constant 0 : i32
    %c0_i32_0 = arith.constant 0 : i32
    %c0_i32_1 = arith.constant 0 : i32
    return %c0_i32, %arg0, %c0_i32_0 : i32, i32, i32
  }
  func.func @transform_3(%arg0: i32) -> (i32, i32) {
    %c0_i32 = arith.constant 0 : i32
    %c0_i32_0 = arith.constant 0 : i32
    return %arg0, %c0_i32 : i32, i32
  }
  func.func @transform_4(%arg0: i32) -> (i32, i32) {
    %c0_i32 = arith.constant 0 : i32
    %c0_i32_0 = arith.constant 0 : i32
    %c0_i32_1 = arith.constant 0 : i32
    return %c0_i32, %c0_i32_0 : i32, i32
  }
}

module attributes {stable_mosaic.version = 14 : i64} {
  func.func @_mm_scale_body(%arg0: i32, %arg1: memref<1024x128xf32, #tpu.memory_space<vmem>>, %arg2: memref<128x128xf32, #tpu.memory_space<vmem>>, %arg3: memref<2x1024x128xf32, #tpu.memory_space<vmem>>, %arg4: memref<1024x128xf32, #tpu.memory_space<vmem>>) attributes {dimension_semantics = [#tpu.dimension_semantics<arbitrary>], iteration_bounds = array<i64: 10>, scalar_prefetch = 0 : i64, scratch_operands = 0 : i64, tpu.core_type = #tpu.core_type<tc>, window_params = [{transform_indices = @transform_0, window_bounds = array<i64: 1024, 128>}, {pipeline_mode = #tpu.pipeline_mode<synchronous>, transform_indices = @transform_1, window_bounds = array<i64: 128, 128>}, {transform_indices = @transform_2, window_bounds = array<i64: 2, 1024, 128>}, {transform_indices = @transform_3, window_bounds = array<i64: 1024, 128>}]} {
    %get3A = arith.constant 0 : index
    %get3A_0 = arith.constant 0 : index
    %get3A_1 = arith.constant 0 : index
    %get3A_2 = vector.load %arg3[%get3A, %get3A_0, %get3A_1] : memref<2x1024x128xf32, #tpu.memory_space<vmem>>, vector<1x1024x1xf32>
    %get3A_3 = vector.shape_cast %get3A_2 : vector<1x1024x1xf32> to vector<1024xf32>
    %get3A_4 = arith.constant 1 : index
    %get3A_5 = arith.constant 0 : index
    %get3A_6 = arith.constant 0 : index
    %get3A_7 = vector.load %arg3[%get3A_4, %get3A_5, %get3A_6] : memref<2x1024x128xf32, #tpu.memory_space<vmem>>, vector<1x1024x1xf32>
    %get3A_8 = vector.shape_cast %get3A_7 : vector<1x1024x1xf32> to vector<1024xf32>
    %add3A = arith.addf %get3A_3, %get3A_8 : vector<1024xf32>
    %add3A_9 = arith.constant 1.000000e+00 : f32
    %add3A_10 = vector.broadcast %add3A_9 : f32 to vector<1024xf32>
    %add3A_11 = arith.addf %add3A, %add3A_10 : vector<1024xf32>
    %rsqrt3A = math.rsqrt %add3A_11 : vector<1024xf32>
    %get3A_12 = arith.constant 0 : index
    %get3A_13 = arith.constant 0 : index
    %get3A_14 = vector.load %arg1[%get3A_12, %get3A_13] : memref<1024x128xf32, #tpu.memory_space<vmem>>, vector<1024x128xf32>
    %get3A_15 = arith.constant 0 : index
    %get3A_16 = arith.constant 0 : index
    %get3A_17 = vector.load %arg2[%get3A_15, %get3A_16] : memref<128x128xf32, #tpu.memory_space<vmem>>, vector<128x128xf32>
    %dot_general3A = arith.constant dense<0.000000e+00> : vector<1024x128xf32>
    %dot_general3A_18 = tpu.matmul %get3A_14, %get3A_17, %dot_general3A {dimension_numbers = #tpu.dot_dimension_numbers<[1], [0], [0], [1], [0, 0, 1, 1], [], []>, transpose_lhs_hint = false} : vector<1024x128xf32>, vector<128x128xf32>, vector<1024x128xf32> -> vector<1024x128xf32>
    %broadcast_in_dim3A = vector.shape_cast %rsqrt3A : vector<1024xf32> to vector<1024x1xf32>
    %mul3A = vector.broadcast %broadcast_in_dim3A : vector<1024x1xf32> to vector<1024x128xf32>
    %mul3A_19 = arith.mulf %dot_general3A_18, %mul3A : vector<1024x128xf32>
    %swap3A = arith.constant 0 : index
    %swap3A_20 = arith.constant 0 : index
    %swap3A_21 = vector.load %arg4[%swap3A, %swap3A_20] : memref<1024x128xf32, #tpu.memory_space<vmem>>, vector<1024x128xf32>
    tpu.vector_store %arg4[%swap3A, %swap3A_20], %mul3A_19 {strides = array<i32>} : memref<1024x128xf32, #tpu.memory_space<vmem>>, vector<1024x128xf32>,
    return
  }
  func.func @transform_0(%arg0: i32) -> (i32, i32) {
    %c0_i32 = arith.constant 0 : i32
    %c0_i32_0 = arith.constant 0 : i32
    return %arg0, %c0_i32 : i32, i32
  }
  func.func @transform_1(%arg0: i32) -> (i32, i32) {
    %c0_i32 = arith.constant 0 : i32
    %c0_i32_0 = arith.constant 0 : i32
    %c0_i32_1 = arith.constant 0 : i32
    return %c0_i32, %c0_i32_0 : i32, i32
  }
  func.func @transform_2(%arg0: i32) -> (i32, i32, i32) {
    %c0_i32 = arith.constant 0 : i32
    %c0_i32_0 = arith.constant 0 : i32
    %c0_i32_1 = arith.constant 0 : i32
    return %c0_i32, %arg0, %c0_i32_0 : i32, i32, i32
  }
  func.func @transform_3(%arg0: i32) -> (i32, i32) {
    %c0_i32 = arith.constant 0 : i32
    %c0_i32_0 = arith.constant 0 : i32
    return %arg0, %c0_i32 : i32, i32
  }
}

module attributes {stable_mosaic.version = 14 : i64} {
  func.func @_norm_mm_body(%arg0: i32, %arg1: memref<1024x128xf32, #tpu.memory_space<vmem>>, %arg2: memref<2x128xf32, #tpu.memory_space<vmem>>, %arg3: memref<128x128xf32, #tpu.memory_space<vmem>>, %arg4: memref<2x1024x128xf32, #tpu.memory_space<vmem>>, %arg5: memref<1024x128xf32, #tpu.memory_space<vmem>>) attributes {dimension_semantics = [#tpu.dimension_semantics<arbitrary>], iteration_bounds = array<i64: 10>, scalar_prefetch = 0 : i64, scratch_operands = 0 : i64, tpu.core_type = #tpu.core_type<tc>, window_params = [{transform_indices = @transform_0, window_bounds = array<i64: 1024, 128>}, {pipeline_mode = #tpu.pipeline_mode<synchronous>, transform_indices = @transform_1, window_bounds = array<i64: 2, 128>}, {pipeline_mode = #tpu.pipeline_mode<synchronous>, transform_indices = @transform_2, window_bounds = array<i64: 128, 128>}, {transform_indices = @transform_3, window_bounds = array<i64: 2, 1024, 128>}, {transform_indices = @transform_4, window_bounds = array<i64: 1024, 128>}]} {
    %get3A = arith.constant 0 : index
    %get3A_0 = arith.constant 0 : index
    %get3A_1 = vector.load %arg2[%get3A, %get3A_0] : memref<2x128xf32, #tpu.memory_space<vmem>>, vector<1x128xf32>
    %get3A_2 = vector.shape_cast %get3A_1 : vector<1x128xf32> to vector<128xf32>
    %div3A = arith.constant 1.000000e+04 : f32
    %div3A_3 = vector.broadcast %div3A : f32 to vector<128xf32>
    %div3A_4 = arith.divf %get3A_2, %div3A_3 : vector<128xf32>
    %get3A_5 = arith.constant 1 : index
    %get3A_6 = arith.constant 0 : index
    %get3A_7 = vector.load %arg2[%get3A_5, %get3A_6] : memref<2x128xf32, #tpu.memory_space<vmem>>, vector<1x128xf32>
    %get3A_8 = vector.shape_cast %get3A_7 : vector<1x128xf32> to vector<128xf32>
    %div3A_9 = arith.constant 1.000000e+04 : f32
    %div3A_10 = vector.broadcast %div3A_9 : f32 to vector<128xf32>
    %div3A_11 = arith.divf %get3A_8, %div3A_10 : vector<128xf32>
    %mul3A = arith.mulf %div3A_4, %div3A_4 : vector<128xf32>
    %sub3A = arith.subf %div3A_11, %mul3A : vector<128xf32>
    %add3A = arith.constant 9.99999974E-6 : f32
    %add3A_12 = vector.broadcast %add3A : f32 to vector<128xf32>
    %add3A_13 = arith.addf %sub3A, %add3A_12 : vector<128xf32>
    %rsqrt3A = math.rsqrt %add3A_13 : vector<128xf32>
    %get3A_14 = arith.constant 0 : index
    %get3A_15 = arith.constant 0 : index
    %get3A_16 = vector.load %arg1[%get3A_14, %get3A_15] : memref<1024x128xf32, #tpu.memory_space<vmem>>, vector<1024x128xf32>
    %broadcast_in_dim3A = vector.shape_cast %div3A_4 : vector<128xf32> to vector<1x128xf32>
    %sub3A_17 = vector.broadcast %broadcast_in_dim3A : vector<1x128xf32> to vector<1024x128xf32>
    %sub3A_18 = arith.subf %get3A_16, %sub3A_17 : vector<1024x128xf32>
    %broadcast_in_dim3A_19 = vector.shape_cast %rsqrt3A : vector<128xf32> to vector<1x128xf32>
    %mul3A_20 = vector.broadcast %broadcast_in_dim3A_19 : vector<1x128xf32> to vector<1024x128xf32>
    %mul3A_21 = arith.mulf %sub3A_18, %mul3A_20 : vector<1024x128xf32>
    %max3A = arith.constant 0.000000e+00 : f32
    %max3A_22 = vector.broadcast %max3A : f32 to vector<1024x128xf32>
    %max3A_23 = arith.maximumf %mul3A_21, %max3A_22 : vector<1024x128xf32>
    %get3A_24 = arith.constant 0 : index
    %get3A_25 = arith.constant 0 : index
    %get3A_26 = vector.load %arg3[%get3A_24, %get3A_25] : memref<128x128xf32, #tpu.memory_space<vmem>>, vector<128x128xf32>
    %dot_general3A = arith.constant dense<0.000000e+00> : vector<1024x128xf32>
    %dot_general3A_27 = tpu.matmul %max3A_23, %get3A_26, %dot_general3A {dimension_numbers = #tpu.dot_dimension_numbers<[1], [0], [0], [1], [0, 0, 1, 1], [], []>, transpose_lhs_hint = false} : vector<1024x128xf32>, vector<128x128xf32>, vector<1024x128xf32> -> vector<1024x128xf32>
    %get3A_28 = arith.constant 0 : index
    %get3A_29 = arith.constant 0 : index
    %get3A_30 = arith.constant 0 : index
    %get3A_31 = vector.load %arg4[%get3A_28, %get3A_29, %get3A_30] : memref<2x1024x128xf32, #tpu.memory_space<vmem>>, vector<1x1024x1xf32>
    %get3A_32 = vector.shape_cast %get3A_31 : vector<1x1024x1xf32> to vector<1024xf32>
    %get3A_33 = arith.constant 1 : index
    %get3A_34 = arith.constant 0 : index
    %get3A_35 = arith.constant 0 : index
    %get3A_36 = vector.load %arg4[%get3A_33, %get3A_34, %get3A_35] : memref<2x1024x128xf32, #tpu.memory_space<vmem>>, vector<1x1024x1xf32>
    %get3A_37 = vector.shape_cast %get3A_36 : vector<1x1024x1xf32> to vector<1024xf32>
    %add3A_38 = arith.addf %get3A_32, %get3A_37 : vector<1024xf32>
    %add3A_39 = arith.constant 1.000000e+00 : f32
    %add3A_40 = vector.broadcast %add3A_39 : f32 to vector<1024xf32>
    %add3A_41 = arith.addf %add3A_38, %add3A_40 : vector<1024xf32>
    %rsqrt3A_42 = math.rsqrt %add3A_41 : vector<1024xf32>
    %broadcast_in_dim3A_43 = vector.shape_cast %rsqrt3A_42 : vector<1024xf32> to vector<1024x1xf32>
    %mul3A_44 = vector.broadcast %broadcast_in_dim3A_43 : vector<1024x1xf32> to vector<1024x128xf32>
    %mul3A_45 = arith.mulf %dot_general3A_27, %mul3A_44 : vector<1024x128xf32>
    %swap3A = arith.constant 0 : index
    %swap3A_46 = arith.constant 0 : index
    %swap3A_47 = vector.load %arg5[%swap3A, %swap3A_46] : memref<1024x128xf32, #tpu.memory_space<vmem>>, vector<1024x128xf32>
    tpu.vector_store %arg5[%swap3A, %swap3A_46], %mul3A_45 {strides = array<i32>} : memref<1024x128xf32, #tpu.memory_space<vmem>>, vector<1024x128xf32>,
    return
  }
  func.func @transform_0(%arg0: i32) -> (i32, i32) {
    %c0_i32 = arith.constant 0 : i32
    %c0_i32_0 = arith.constant 0 : i32
    return %arg0, %c0_i32 : i32, i32
  }
  func.func @transform_1(%arg0: i32) -> (i32, i32) {
    %c0_i32 = arith.constant 0 : i32
    %c0_i32_0 = arith.constant 0 : i32
    %c0_i32_1 = arith.constant 0 : i32
    return %c0_i32, %c0_i32_0 : i32, i32
  }
  func.func @transform_2(%arg0: i32) -> (i32, i32) {
    %c0_i32 = arith.constant 0 : i32
    %c0_i32_0 = arith.constant 0 : i32
    %c0_i32_1 = arith.constant 0 : i32
    return %c0_i32, %c0_i32_0 : i32, i32
  }
  func.func @transform_3(%arg0: i32) -> (i32, i32, i32) {
    %c0_i32 = arith.constant 0 : i32
    %c0_i32_0 = arith.constant 0 : i32
    %c0_i32_1 = arith.constant 0 : i32
    return %c0_i32, %arg0, %c0_i32_0 : i32, i32, i32
  }
  func.func @transform_4(%arg0: i32) -> (i32, i32) {
    %c0_i32 = arith.constant 0 : i32
    %c0_i32_0 = arith.constant 0 : i32
    return %arg0, %c0_i32 : i32, i32
  }
}

module attributes {stable_mosaic.version = 14 : i64} {
  func.func @_final_body(%arg0: i32, %arg1: memref<1xi32, #tpu.memory_space<smem>>, %arg2: memref<1024x128xf32, #tpu.memory_space<vmem>>, %arg3: memref<8x128xf32, #tpu.memory_space<vmem>>, %arg4: memref<2x128xf32, #tpu.memory_space<vmem>>, %arg5: memref<1024x128xf32, #tpu.memory_space<vmem>>, %arg6: memref<1024x128xf32, #tpu.memory_space<vmem>>, %arg7: memref<1x128xf32, #tpu.memory_space<vmem>>, %arg8: memref<1x128xf32, #tpu.memory_space<vmem>>) attributes {dimension_semantics = [#tpu.dimension_semantics<arbitrary>], iteration_bounds = array<i64: 10>, scalar_prefetch = 1 : i64, scratch_operands = 1 : i64, tpu.core_type = #tpu.core_type<tc>, window_params = [{transform_indices = @transform_0, window_bounds = array<i64: 1024, 128>}, {transform_indices = @transform_1, window_bounds = array<i64: 8, 128>}, {pipeline_mode = #tpu.pipeline_mode<synchronous>, transform_indices = @transform_2, window_bounds = array<i64: 2, 128>}, {transform_indices = @transform_3, window_bounds = array<i64: 1024, 128>}, {transform_indices = @transform_4, window_bounds = array<i64: 1024, 128>}, {pipeline_mode = #tpu.pipeline_mode<synchronous>, transform_indices = @transform_5, window_bounds = array<i64: 1, 128>}]} {
    %get3A = arith.constant 0 : index
    %get3A_0 = arith.constant 0 : index
    %get3A_1 = vector.load %arg4[%get3A, %get3A_0] : memref<2x128xf32, #tpu.memory_space<vmem>>, vector<1x128xf32>
    %get3A_2 = vector.shape_cast %get3A_1 : vector<1x128xf32> to vector<128xf32>
    %div3A = arith.constant 1.000000e+04 : f32
    %div3A_3 = vector.broadcast %div3A : f32 to vector<128xf32>
    %div3A_4 = arith.divf %get3A_2, %div3A_3 : vector<128xf32>
    %get3A_5 = arith.constant 1 : index
    %get3A_6 = arith.constant 0 : index
    %get3A_7 = vector.load %arg4[%get3A_5, %get3A_6] : memref<2x128xf32, #tpu.memory_space<vmem>>, vector<1x128xf32>
    %get3A_8 = vector.shape_cast %get3A_7 : vector<1x128xf32> to vector<128xf32>
    %div3A_9 = arith.constant 1.000000e+04 : f32
    %div3A_10 = vector.broadcast %div3A_9 : f32 to vector<128xf32>
    %div3A_11 = arith.divf %get3A_8, %div3A_10 : vector<128xf32>
    %mul3A = arith.mulf %div3A_4, %div3A_4 : vector<128xf32>
    %sub3A = arith.subf %div3A_11, %mul3A : vector<128xf32>
    %add3A = arith.constant 9.99999974E-6 : f32
    %add3A_12 = vector.broadcast %add3A : f32 to vector<128xf32>
    %add3A_13 = arith.addf %sub3A, %add3A_12 : vector<128xf32>
    %rsqrt3A = math.rsqrt %add3A_13 : vector<128xf32>
    %get3A_14 = arith.constant 0 : index
    %get3A_15 = arith.constant 0 : index
    %get3A_16 = vector.load %arg2[%get3A_14, %get3A_15] : memref<1024x128xf32, #tpu.memory_space<vmem>>, vector<1024x128xf32>
    %broadcast_in_dim3A = vector.shape_cast %div3A_4 : vector<128xf32> to vector<1x128xf32>
    %sub3A_17 = vector.broadcast %broadcast_in_dim3A : vector<1x128xf32> to vector<1024x128xf32>
    %sub3A_18 = arith.subf %get3A_16, %sub3A_17 : vector<1024x128xf32>
    %broadcast_in_dim3A_19 = vector.shape_cast %rsqrt3A : vector<128xf32> to vector<1x128xf32>
    %mul3A_20 = vector.broadcast %broadcast_in_dim3A_19 : vector<1x128xf32> to vector<1024x128xf32>
    %mul3A_21 = arith.mulf %sub3A_18, %mul3A_20 : vector<1024x128xf32>
    %max3A = arith.constant 0.000000e+00 : f32
    %max3A_22 = vector.broadcast %max3A : f32 to vector<1024x128xf32>
    %max3A_23 = arith.maximumf %mul3A_21, %max3A_22 : vector<1024x128xf32>
    %swap3A = arith.constant 0 : index
    %swap3A_24 = arith.constant 0 : index
    %swap3A_25 = vector.load %arg6[%swap3A, %swap3A_24] : memref<1024x128xf32, #tpu.memory_space<vmem>>, vector<1024x128xf32>
    tpu.vector_store %arg6[%swap3A, %swap3A_24], %max3A_23 {strides = array<i32>} : memref<1024x128xf32, #tpu.memory_space<vmem>>, vector<1024x128xf32>,
    %get3A_26 = arith.constant 0 : index
    %get3A_27 = memref.load %arg1[%get3A_26] : memref<1xi32, #tpu.memory_space<smem>>
    %jit3A = arith.constant 8 : i32
    %eq3A = arith.constant 0 : i32
    %eq3A_28 = arith.cmpi eq, %jit3A, %eq3A : i32
    %jit3A_29 = arith.constant 1 : i32
    %select_n3A = arith.select %eq3A_28, %jit3A_29, %jit3A : i32
    %rem3A = arith.remsi %get3A_27, %select_n3A : i32
    %ne3A = arith.constant 0 : i32
    %ne3A_30 = arith.cmpi ne, %rem3A, %ne3A : i32
    %lt3A = arith.constant 0 : i32
    %lt3A_31 = arith.cmpi slt, %rem3A, %lt3A : i32
    %lt3A_32 = arith.constant 0 : i32
    %lt3A_33 = arith.cmpi slt, %select_n3A, %lt3A_32 : i32
    %ne3A_34 = arith.xori %lt3A_31, %lt3A_33 : i1
    %and3A = arith.andi %ne3A_34, %ne3A_30 : i1
    %add3A_35 = arith.addi %rem3A, %select_n3A : i32
    %select_n3A_36 = arith.select %and3A, %add3A_35, %rem3A : i32
    %iota3A = tpu.iota {dimensions = array<i32: 0>} : vector<8x1xi32>
    %eq3A_37 = vector.broadcast %select_n3A_36 : i32 to vector<8x1xi32>
    %eq3A_38 = arith.cmpi eq, %iota3A, %eq3A_37 : vector<8x1xi32>
    %get3A_39 = arith.constant 0 : index
    %get3A_40 = arith.constant 0 : index
    %get3A_41 = vector.load %arg3[%get3A_39, %get3A_40] : memref<8x128xf32, #tpu.memory_space<vmem>>, vector<8x128xf32>
    %jit3A_42 = arith.constant 0.000000e+00 : f32
    %broadcast_in_dim3A_43 = vector.shape_cast %eq3A_38 : vector<8x1xi1> to vector<8x1xi1>
    %broadcast_in_dim3A_44 = vector.broadcast %broadcast_in_dim3A_43 : vector<8x1xi1> to vector<8x128xi1>
    %broadcast_in_dim3A_45 = vector.broadcast %jit3A_42 : f32 to vector<8x128xf32>
    %select_n3A_46 = arith.select %broadcast_in_dim3A_44, %get3A_41, %broadcast_in_dim3A_45 : vector<8x128xi1>, vector<8x128xf32>
    %reduce_sum3A = arith.constant dense<0.000000e+00> : vector<128xf32>
    %reduce_sum3A_47 = vector.multi_reduction <add>, %select_n3A_46, %reduce_sum3A [0] : vector<8x128xf32> to vector<128xf32>
    %broadcast_in_dim3A_48 = vector.shape_cast %reduce_sum3A_47 : vector<128xf32> to vector<1x128xf32>
    %broadcast_in_dim3A_49 = vector.shape_cast %div3A_4 : vector<128xf32> to vector<1x128xf32>
    %sub3A_50 = arith.subf %broadcast_in_dim3A_48, %broadcast_in_dim3A_49 : vector<1x128xf32>
    %broadcast_in_dim3A_51 = vector.shape_cast %rsqrt3A : vector<128xf32> to vector<1x128xf32>
    %mul3A_52 = arith.mulf %sub3A_50, %broadcast_in_dim3A_51 : vector<1x128xf32>
    %max3A_53 = arith.constant 0.000000e+00 : f32
    %max3A_54 = vector.broadcast %max3A_53 : f32 to vector<1x128xf32>
    %max3A_55 = arith.maximumf %mul3A_52, %max3A_54 : vector<1x128xf32>
    %mul3A_56 = vector.broadcast %max3A_55 : vector<1x128xf32> to vector<1024x128xf32>
    %mul3A_57 = arith.mulf %max3A_23, %mul3A_56 : vector<1024x128xf32>
    %reduce_sum3A_58 = arith.constant dense<0.000000e+00> : vector<1024xf32>
    %reduce_sum3A_59 = vector.multi_reduction <add>, %mul3A_57, %reduce_sum3A_58 [1] : vector<1024x128xf32> to vector<1024xf32>
    %broadcast_in_dim3A_60 = vector.shape_cast %reduce_sum3A_59 : vector<1024xf32> to vector<1024x1xf32>
    %mul3A_61 = arith.constant 1024 : i32
    %mul3A_62 = arith.muli %arg0, %mul3A_61 : i32
    %iota3A_63 = tpu.iota {dimensions = array<i32: 0>} : vector<1024x1xi32>
    %add3A_64 = vector.broadcast %mul3A_62 : i32 to vector<1024x1xi32>
    %add3A_65 = arith.addi %add3A_64, %iota3A_63 : vector<1024x1xi32>
    %lt3A_66 = arith.constant 10000 : i32
    %lt3A_67 = vector.broadcast %lt3A_66 : i32 to vector<1024x1xi32>
    %lt3A_68 = arith.cmpi slt, %add3A_65, %lt3A_67 : vector<1024x1xi32>
    %jit3A_69 = arith.constant 0.000000e+00 : f32
    %broadcast_in_dim3A_70 = vector.broadcast %jit3A_69 : f32 to vector<1024x1xf32>
    %select_n3A_71 = arith.select %lt3A_68, %broadcast_in_dim3A_60, %broadcast_in_dim3A_70 : vector<1024x1xi1>, vector<1024x1xf32>
    %get3A_72 = arith.constant 0 : index
    %get3A_73 = arith.constant 0 : index
    %get3A_74 = vector.load %arg5[%get3A_72, %get3A_73] : memref<1024x128xf32, #tpu.memory_space<vmem>>, vector<1024x128xf32>
    %mul3A_75 = vector.broadcast %select_n3A_71 : vector<1024x1xf32> to vector<1024x128xf32>
    %mul3A_76 = arith.mulf %get3A_74, %mul3A_75 : vector<1024x128xf32>
    %reduce_sum3A_77 = arith.constant dense<0.000000e+00> : vector<128xf32>
    %reduce_sum3A_78 = vector.multi_reduction <add>, %mul3A_76, %reduce_sum3A_77 [0] : vector<1024x128xf32> to vector<128xf32>
    %broadcast_in_dim3A_79 = vector.shape_cast %reduce_sum3A_78 : vector<128xf32> to vector<1x128xf32>
    %eq3A_80 = arith.constant 0 : i32
    %eq3A_81 = arith.cmpi eq, %arg0, %eq3A_80 : i32
    %convert_element_type3A = arith.extui %eq3A_81 : i1 to i32
    %cond3A = arith.constant 0 : i32
    %cond3A_82 = arith.cmpi ne, %convert_element_type3A, %cond3A : i32
    scf.if %cond3A_82 {
      %broadcast_in_dim3A_96 = arith.constant 0.000000e+00 : f32
      %broadcast_in_dim3A_97 = vector.broadcast %broadcast_in_dim3A_96 : f32 to vector<1x128xf32>
      %swap3A_98 = arith.constant 0 : index
      %swap3A_99 = arith.constant 0 : index
      %swap3A_100 = vector.load %arg8[%swap3A_98, %swap3A_99] : memref<1x128xf32, #tpu.memory_space<vmem>>, vector<1x128xf32>
      tpu.vector_store %arg8[%swap3A_98, %swap3A_99], %broadcast_in_dim3A_97 {strides = array<i32>} : memref<1x128xf32, #tpu.memory_space<vmem>>, vector<1x128xf32>,
    } else {
    }
    %get3A_83 = arith.constant 0 : index
    %get3A_84 = arith.constant 0 : index
    %get3A_85 = vector.load %arg8[%get3A_83, %get3A_84] : memref<1x128xf32, #tpu.memory_space<vmem>>, vector<1x128xf32>
    %add3A_86 = arith.addf %get3A_85, %broadcast_in_dim3A_79 : vector<1x128xf32>
    %swap3A_87 = arith.constant 0 : index
    %swap3A_88 = arith.constant 0 : index
    %swap3A_89 = vector.load %arg8[%swap3A_87, %swap3A_88] : memref<1x128xf32, #tpu.memory_space<vmem>>, vector<1x128xf32>
    tpu.vector_store %arg8[%swap3A_87, %swap3A_88], %add3A_86 {strides = array<i32>} : memref<1x128xf32, #tpu.memory_space<vmem>>, vector<1x128xf32>,
    %get3A_90 = arith.constant 0 : index
    %get3A_91 = arith.constant 0 : index
    %get3A_92 = vector.load %arg8[%get3A_90, %get3A_91] : memref<1x128xf32, #tpu.memory_space<vmem>>, vector<1x128xf32>
    %swap3A_93 = arith.constant 0 : index
    %swap3A_94 = arith.constant 0 : index
    %swap3A_95 = vector.load %arg7[%swap3A_93, %swap3A_94] : memref<1x128xf32, #tpu.memory_space<vmem>>, vector<1x128xf32>
    tpu.vector_store %arg7[%swap3A_93, %swap3A_94], %get3A_92 {strides = array<i32>} : memref<1x128xf32, #tpu.memory_space<vmem>>, vector<1x128xf32>,
    return
  }
  func.func @transform_0(%arg0: i32, %arg1: memref<1xi32, #tpu.memory_space<smem>>) -> (i32, i32) {
    %c0_i32 = arith.constant 0 : i32
    %c0_i32_0 = arith.constant 0 : i32
    return %arg0, %c0_i32 : i32, i32
  }
  func.func @transform_1(%arg0: i32, %arg1: memref<1xi32, #tpu.memory_space<smem>>) -> (i32, i32) {
    %get3A = arith.constant 0 : index
    %get3A_0 = memref.load %arg1[%get3A] : memref<1xi32, #tpu.memory_space<smem>>
    %jit3A = arith.constant 8 : i32
    %div3A = arith.divsi %get3A_0, %jit3A : i32
    %sign3A = arith.constant 0 : i32
    %sign3A_1 = arith.cmpi sgt, %get3A_0, %sign3A : i32
    %sign3A_2 = arith.extui %sign3A_1 : i1 to i32
    %sign3A_3 = arith.constant 0 : i32
    %sign3A_4 = arith.cmpi slt, %get3A_0, %sign3A_3 : i32
    %sign3A_5 = arith.extui %sign3A_4 : i1 to i32
    %sign3A_6 = arith.subi %sign3A_2, %sign3A_5 : i32
    %sign3A_7 = arith.constant 0 : i32
    %sign3A_8 = arith.cmpi sgt, %jit3A, %sign3A_7 : i32
    %sign3A_9 = arith.extui %sign3A_8 : i1 to i32
    %sign3A_10 = arith.constant 0 : i32
    %sign3A_11 = arith.cmpi slt, %jit3A, %sign3A_10 : i32
    %sign3A_12 = arith.extui %sign3A_11 : i1 to i32
    %sign3A_13 = arith.subi %sign3A_9, %sign3A_12 : i32
    %ne3A = arith.cmpi ne, %sign3A_6, %sign3A_13 : i32
    %rem3A = arith.remsi %get3A_0, %jit3A : i32
    %ne3A_14 = arith.constant 0 : i32
    %ne3A_15 = arith.cmpi ne, %rem3A, %ne3A_14 : i32
    %and3A = arith.andi %ne3A, %ne3A_15 : i1
    %sub3A = arith.constant 1 : i32
    %sub3A_16 = arith.subi %div3A, %sub3A : i32
    %select_n3A = arith.select %and3A, %sub3A_16, %div3A : i32
    %c0_i32 = arith.constant 0 : i32
    %c0_i32_17 = arith.constant 0 : i32
    return %select_n3A, %c0_i32 : i32, i32
  }
  func.func @transform_2(%arg0: i32, %arg1: memref<1xi32, #tpu.memory_space<smem>>) -> (i32, i32) {
    %c0_i32 = arith.constant 0 : i32
    %c0_i32_0 = arith.constant 0 : i32
    %c0_i32_1 = arith.constant 0 : i32
    return %c0_i32, %c0_i32_0 : i32, i32
  }
  func.func @transform_3(%arg0: i32, %arg1: memref<1xi32, #tpu.memory_space<smem>>) -> (i32, i32) {
    %c0_i32 = arith.constant 0 : i32
    %c0_i32_0 = arith.constant 0 : i32
    return %arg0, %c0_i32 : i32, i32
  }
  func.func @transform_4(%arg0: i32, %arg1: memref<1xi32, #tpu.memory_space<smem>>) -> (i32, i32) {
    %c0_i32 = arith.constant 0 : i32
    %c0_i32_0 = arith.constant 0 : i32
    return %arg0, %c0_i32 : i32, i32
  }
  func.func @transform_5(%arg0: i32, %arg1: memref<1xi32, #tpu.memory_space<smem>>) -> (i32, i32) {
    %c0_i32 = arith.constant 0 : i32
    %c0_i32_0 = arith.constant 0 : i32
    %c0_i32_1 = arith.constant 0 : i32
    return %c0_i32, %c0_i32_0 : i32, i32
  }
}

</mosaic_0001>

<sc_bundles>
// kernel: kernel.10.cloned.1.call-start
scs
__scs_entry_jumppad:
0x0: {  	(pc) =	sbr.rel $0x88, $3  }
0x1: {  	(tag) =	ssettag $0x0;
	lr =	simm.s32 $0x1  }
0x2: {  	[smem:$0x3F99] =	sst lr;
	_ =	strace $0xD0000000  }
0x3: {  	_ = 	snop  }
0x4: {  	_ = 	snop  }
0x5: {  	_ = 	snop  }
0x6: {  	_ = 	snop  }
0x7: {  	_ = 	snop  }
__scs_overlays_trampoline_lowered:
0x8: {  	[smem:$0x3FA8] =	sst s0  }
0x9: {  	[smem:$0x3FA9] =	sst s1  }
0xa: {  	[smem:$0x3FAA] =	sst s2  }
0xb: {  	[smem:$0x3FAB] =	sst s3  }
0xc: {  	[smem:$0x3FAC] =	sst s4  }
0xd: {  	[smem:$0x3FAD] =	sst s5  }
0xe: {  	[smem:$0x3FAE] =	sst s6  }
0xf: {  	[smem:$0x3FAF] =	sst s7  }
0x10: {  	[smem:$0x3FB0] =	sst s8  }
0x11: {  	[smem:$0x3FB1] =	sst s9;
	s0 =	simm.s32 @!p0 $0x0  }
0x12: {  	s1 =	sld [smem:$0x3F97];
	s0 =	simm.s32 @p0 $0x1  }
0x13: {  	[smem:$0x3FB2] =	sst s0;
	s0 =	simm.s32 @!p1 $0x0  }
0x14: {  	s2 =	sld [smem:$0x3F96];
	s0 =	simm.s32 @p1 $0x1  }
0x15: {  	[smem:$0x3FB3] =	sst s0;
	s0 =	simm.s32 @!p2 $0x0  }
0x16: {  	s3 =	sld [smem:$0x3FDB];
	s0 =	simm.s32 @p2 $0x1  }
0x17: {  	s4 =	simm.s32 $0x1BF5;
	[smem:$0x3FB5] =	sst s0  }
0x18: {  	s0 =	sld [smem:$0x3F98];
	_ =	swait.ge [sflag:s4], $0x0  }
0x19: {  	s7 =	sld [smem:$0x3F99]  }
0x1a: {  	s8 =	sadd.s32 $0xFFFFE003, lr  }
0x1b: {  	s9 =	sadd.s32 $0xFFFFFEF7, lr;
	s5 =	simm.s32 $0xFFFFFFFF;
	p2 =	slt.u32 s8, $0xFFFFF086  }
0x1c: {  	p1 =	slt.u32 s9, $0xF7A;
	s5 =	simm.s32 @!p2 $0x0  }
0x1d: {  	s5 =	simm.s32 @p1 $0x1;
	p0 =	seq.s32 s7, s2  }
0x1e: {  	s7 =	smul.u32 @!p0 $0xF7A, s2;
	p2 =	seq.s32 @!p0 s5, $0x0  }
0x1f: {  	s9 =	smul.u32 $0xF7A, s1;
	s8 =	simm.s32 @!p0 $0x1BF5;
	p2 =	por !p2, p0  }
0x20: {  	[sflag:s8] =	ssyncset.s32 @!p0 $0xFFFFF086;
	s6 =	sadd.s32 @!p0 s3, s7;
	s7 =	simm.s32 @!p0 $0x108  }
0x21: {  	s3 =	sadd.s32 s3, s9;
	s6 =	sadd.s32 @!p0 $0x88, s6;
	s7 =	simm.s32 @p2 $0x1082  }
0x22: {  	[simem:s7], [sflag:s8] =	dma.local @!p0 [hbm:s6], $0xF7A  }
0x23: {  	s9 =	sor.u32 $0xD0000000, s2;
	s6 =	simm.s32 $0x108;
	_ =	swait.ge @!p0 [sflag:s8], $0x0  }
0x24: {  	s3 =	sadd.s32 $0x88, s3;
	s6 =	simm.s32 @!p1 $0x1082;
	[sflag:s4] =	ssyncset.s32 $0xFFFFF086  }
0x25: {  	[simem:s6], [sflag:s4] =	dma.local [hbm:s3], $0xF7A  }
0x26: {  	[smem:$0x3F99] =	sst s1;
	(tag) =	ssettag s2;
	_ =	strace s9  }
0x27: {  	s1 =	sld [smem:$0x3FA9]  }
0x28: {  	s2 =	sld [smem:$0x3FAA]  }
0x29: {  	s4 =	sld [smem:$0x3FAC]  }
0x2a: {  	p0 =	seq.s32 s5, $0x0;
	s5 =	sld [smem:$0x3FAD]  }
0x2b: {  	s6 =	sld [smem:$0x3FAE]  }
0x2c: {  	s7 =	sld [smem:$0x3FAF]  }
0x2d: {  	s3 =	simm.s32 $0x108;
	s8 =	sld [smem:$0x3FB0]  }
0x2e: {  	s3 =	simm.s32 @!p0 $0x1082;
	s9 =	sld [smem:$0x3FB1]  }
0x2f: {  	lr =	sadd.s32 s0, s3;
	s0 =	sld [smem:$0x3FA8]  }
0x30: {  	s3 =	sld [smem:$0x3FAB]  }
0x31: {  	[smem:$0x3FB4] =	sst s10  }
0x32: {  	s10 =	sld [smem:$0x3FB2];
	_ =	sdelay $0x3  }
0x33: {  	p0 =	seq.s32 s10, $0x1;
	s10 =	sld [smem:$0x3FB4];
	_ =	sdelay $0x3  }
0x34: {  	[smem:$0x3FB4] =	sst s10  }
0x35: {  	s10 =	sld [smem:$0x3FB3];
	_ =	sdelay $0x3  }
0x36: {  	p1 =	seq.s32 s10, $0x1;
	s10 =	sld [smem:$0x3FB4];
	_ =	sdelay $0x3  }
0x37: {  	[smem:$0x3FB4] =	sst s10  }
0x38: {  	s10 =	sld [smem:$0x3FB5]  }
0x39: {  	_ = 	snop;
	(pc) =	sbr.ind lr, $3  }
0x3a: {  	_ = 	snop  }
0x3b: {  	_ = 	snop  }
0x3c: {  	p2 =	seq.s32 s10, $0x1;
	s10 =	sld [smem:$0x3FB4]  }
0x3d: {  	_ =	shalt  }
0x3e: {  	_ =	shalt  }
0x3f: {  	_ =	shalt  }
0x40: {  	_ =	shalt  }
0x41: {  	_ =	shalt  }
0x42: {  	_ =	shalt  }
0x43: {  	_ =	shalt  }
0x44: {  	_ =	shalt  }
0x45: {  	_ =	shalt  }
0x46: {  	_ =	shalt  }
0x47: {  	_ =	shalt  }
0x48: {  	_ =	shalt  }
0x49: {  	_ =	shalt  }
0x4a: {  	_ =	shalt  }
0x4b: {  	_ =	shalt  }
0x4c: {  	_ =	shalt  }
0x4d: {  	_ =	shalt  }
0x4e: {  	_ =	shalt  }
0x4f: {  	_ =	shalt  }
0x50: {  	_ =	shalt  }
0x51: {  	_ =	shalt  }
0x52: {  	_ =	shalt  }
0x53: {  	_ =	shalt  }
0x54: {  	_ =	shalt  }
0x55: {  	_ =	shalt  }
0x56: {  	_ =	shalt  }
0x57: {  	_ =	shalt  }
0x58: {  	_ =	shalt  }
0x59: {  	_ =	shalt  }
0x5a: {  	_ =	shalt  }
0x5b: {  	_ =	shalt  }
0x5c: {  	_ =	shalt  }
0x5d: {  	_ =	shalt  }
0x5e: {  	_ =	shalt  }
0x5f: {  	_ =	shalt  }
0x60: {  	_ =	shalt  }
0x61: {  	_ =	shalt  }
0x62: {  	_ =	shalt  }
0x63: {  	_ =	shalt  }
0x64: {  	_ =	shalt  }
0x65: {  	_ =	shalt  }
0x66: {  	_ =	shalt  }
0x67: {  	_ =	shalt  }
0x68: {  	_ =	shalt  }
0x69: {  	_ =	shalt  }
0x6a: {  	_ =	shalt  }
0x6b: {  	_ =	shalt  }
0x6c: {  	_ =	shalt  }
0x6d: {  	_ =	shalt  }
0x6e: {  	_ =	shalt  }
0x6f: {  	_ =	shalt  }
0x70: {  	_ =	shalt  }
0x71: {  	_ =	shalt  }
0x72: {  	_ =	shalt  }
0x73: {  	_ =	shalt  }
0x74: {  	_ =	shalt  }
0x75: {  	_ =	shalt  }
0x76: {  	_ =	shalt  }
0x77: {  	_ =	shalt  }
0x78: {  	_ =	shalt  }
0x79: {  	_ =	shalt  }
0x7a: {  	_ =	shalt  }
0x7b: {  	_ =	shalt  }
0x7c: {  	_ =	shalt  }
0x7d: {  	_ =	shalt  }
0x7e: {  	_ =	shalt  }
0x7f: {  	_ =	shalt  }
0x80: {  	_ =	shalt  }
0x81: {  	_ =	shalt  }
0x82: {  	_ =	shalt  }
0x83: {  	_ =	shalt  }
0x84: {  	_ =	shalt  }
0x85: {  	_ =	shalt  }
0x86: {  	_ =	shalt  }
0x87: {  	_ =	shalt  }
.Lfunc_end0:
.L_simem_size_0:
called_computation_lowered:
.L_overlay_start_0:
0x88: {  	s2 =	sld [smem:$0x3FD9]  }
0x89: {  	s3 =	sld [smem:$0x3FFE];
	_ =	sdelay $0x1  }
0x8a: {  	s1 =	srdreg.scid  }
0x8b: {  	s0 =	sand.u32 $0x1, s1  }
0x8c: {  	s16 =	sshll.u32 s0, $0xA;
	s2 =	sadd.s32 s3, s2  }
0x8d: {  	s2 =	sadd.s32 s2, s16  }
0x8e: {  	[smem:$0x3FC0] =	sst s2  }
0x8f: {  	_ = 	snop  }
0x90: {  	(tm) =	ssettm $0x1  }
0x91: {  	s17 =	sld [smem:$0x3FFB];
	_ =	sdelay $0x3  }
0x92: {  	_ =	strace s17  }
0x93: {  	s2 =	sld [smem:$0x3FFC];
	_ =	sdelay $0x3  }
0x94: {  	_ =	strace s2  }
0x95: {  	s2 =	sld [smem:$0x3FFD];
	_ =	sdelay $0x3  }
0x96: {  	_ =	strace s2  }
0x97: {  	_ =	strace $0x8FFFFFFF  }
0x98: {  	s18 =	sld [smem:$0x3FDB];
	_ =	sdelay $0x1  }
0x99: {  	s19 =	simm.s32 $_scs_section_size  }
0x9a: {  	s4 =	simm.s32 $_size__tile_overlayer_lowered;
	s5 =	simm.s32 $_tile_overlayer_lowered  }
0x9b: {  	s22 =	simm.s32 $0x1BFF;
	s21 =	sshll.u32 s5, $0x1;
	s2 =	sadd.s32 s19, s18  }
0x9c: {  	s6 =	simm.s32 $0x0;
	s20 =	sshll.u32 s4, $0x1;
	s4 =	sadd.s32 s21, s2  }
0x9d: {  	[timem:s6], [sflag:s22] =	dma.local [hbm:s4], s20  }
0x9e: {  	_ =	swait.ge [sflag:s22], s20  }
0x9f: {  	s3 =	ssub.s32 $0x0, s20;
	[sflag:s22] =	ssyncset.done $0x0  }
0xa0: {  	[sflag:s22] =	ssyncadd.s32 s3;
	_ =	sdelay $0x1  }
0xa1: {  	s23 =	simm.s32 $0x1B8B  }
0xa2: {  	_ =	swait.ge [sflag:s23], $0x1  }
0xa3: {  	[sflag:s23] =	ssyncset.done $0x0  }
0xa4: {  	s25 =	simm.s32 $0x1B8E;
	s24 =	sld [smem:$0x3FFE];
	[sflag:s23] =	ssyncadd.s32 $0xFFFFFFFF  }
0xa5: {  	s26 =	simm.s32 $execute0_lowered;
	[smem:$0x3FD2] =	sst s25  }
0xa6: {  	s4 =	sshll.u32 s26, $0x1;
	_ =	strace $0x80000046;
	[dreg:$0x1] =	wrdreg $0xFFFFFFFF  }
0xa7: {  	s28 =	simm.s32 $_size_execute0_lowered;
	s2 =	sadd.s32 s2, s4;
	[dreg:$0x0] =	wrdreg $0x0  }
0xa8: {  	s4 =	sshll.u32 s28, $0x1;
	[dreg:$0x2] =	wrdreg s2  }
0xa9: {  	[dreg:$0x3] =	wrdreg s4  }
0xaa: {  	[dreg:$0x4] =	wrdreg $0xC0  }
0xab: {  	_ =	task [dreg:s6], $0x5FFFF  }
0xac: {  	[dreg:$0x1] =	wrdreg $0xFFFFFFFF  }
0xad: {  	[dreg:$0x0] =	wrdreg $0x60  }
0xae: {  	[dreg:$0x2] =	wrdreg s24  }
0xaf: {  	[dreg:$0x3] =	wrdreg $0xB8000  }
0xb0: {  	[dreg:$0x4] =	wrdreg $0x9  }
0xb1: {  	_ =	task.clear_ibuf [dreg:s6], $0x5FFFF;
	_ =	strace $0x90000046  }
0xb2: {  	s29 =	simm.s32 $0x9;
	_ =	strace $0x80000048  }
0xb3: {  	_ =	swait.ge [sflag:s29], $0x1  }
0xb4: {  	[sflag:s29] =	ssyncadd.s32 $0xFFFFFFFF  }
0xb5: {  	_ =	strace $0x90000048  }
0xb6: {  	_ =	sfence  }
0xb7: {  	s30 =	sld [smem:$0x0];
	_ =	sdelay $0x2  }
0xb8: {  	s31 =	sshll.u32 s1, $0xD;
	s1 =	sshrl.u32 s1, $0x2  }
0xb9: {  	s3 =	sand.u32 $0x4000, s31;
	s1 =	sadd.s32 s1, s30  }
0xba: {  	s0 =	sor.u32 s3, s0;
	s1 =	sshll.u32 s1, $0x11  }
0xbb: {  	s0 =	sor.u32 s1, s0  }
0xbc: {  	s0 =	sadd.s32 $0x8F2B, s0  }
0xbd: {  	[sflag:s0] =	ssyncadd.remote.s32 $0x1  }
0xbe: {  	_ =	sfence.sel $0xFFFF  }
0xbf: {  	[dreg:$0x0] =	wrdreg $0xFFFFFFFF;
	(pc) =	sbr.abs _section_cstart, $3  }
0xc0: {  	[dreg:$0x1] =	wrdreg $0xFFFFFFFF  }
0xc1: {  	_ =	task.clear_ibuf [dreg:s6], $0x2FFFF;
	_ =	strace $0x9FFFFFFF  }
0xc2: {  	(tm) =	ssettm $0x7FFFFFFF  }
0xc3: {  	_ =	shalt  }
tec
execute0_lowered:
.L_overlay_start_1:
0x0: {  	(tag) =	ssettag $0x1  }
0x1: {  	s0 =	srdreg.scid;
	s4 =	rddreg [dreg:$0x0]  }
0x2: {  	s2 =	rddreg [dreg:$0x1];
	s1 =	stileid.u32;
	s3 =	simm.s32 $0x0  }
0x3: {  	s16 =	simm.s32 $0x80;
	s17 =	simm.s32 $0x2800;
	s18 =	simm.s32 $0x0  }
0x4: {  	s5 =	sand.u32 $0x1, s0;
	s0 =	rddreg [dreg:$0x2];
	s8 =	smul.u32 $0x50000, s1  }
0x5: {  	[smem:$0x7FF] =	sst s3;
	s10 =	smul.u32 $0x14000, s1;
	s13 =	sadd.s32 $0x16E00, s4  }
0x6: {  	s6 =	sshll.u32 s5, $0x4;
	_ =	strace $0x80000047;
	s7 =	ssub.s32 $0x2, s5  }
0x7: {  	s11 =	smul.u32 $0x140000, s5;
	s6 =	sor.u32 s1, s6;
	s9 =	sshrl.u32 s7, $0x1  }
0x8: {  	s30 =	sshrl.u32 s8, $0x2;
	s12 =	sadd.s32 $0x5000, s10;
	s14 =	sadd.s32 $0xA000, s10  }
0x9: {  	s15 =	sadd.s32 $0xF000, s10;
	s6 =	smul.u32 $0x500, s6;
	s7 =	ssub.s32 s7, s9  }
0xa: {  	s5 =	sadd.s32 s30, s2;
	s10 =	sadd.s32 s11, s10;
	s8 =	sadd.s32 s14, s2  }
0xb: {  	s9 =	sadd.s32 s15, s2;
	s14 =	sadd.s32 s11, s14;
	s6 =	sadd.s32 s6, s4  }
0xc: {  	s15 =	sadd.s32 s11, s15;
	s10 =	sshrl.u32 s10, $0x3;
	s4 =	sadd.s32 $0x2E00, s6  }
0xd: {  	s6 =	smax.u32 s7, $0x1;
	s7 =	sadd.s32 s12, s2;
	s12 =	sadd.s32 s11, s12  }
0xe: {  	s14 =	sshrl.u32 s14, $0x3;
	s31 =	sshrl.u32 s15, $0x3;
	s12 =	sshrl.u32 s12, $0x3  }
0xf: {  	s15 =	simm.s32 $0x1;
	s10 =	sadd.s32 s13, s10;
	s11 =	sadd.s32 s13, s12  }
0x10: {  	v0 =	vimm.f32 $0.0e+00;
	v1 =	vimm.f32 $1.000000000e+00;
	s12 =	sadd.s32 s13, s14;
	s13 =	sadd.s32 s13, s31;
	s14 =	simm.s32 $0x6800  }
.LBB2_1:
0x11: {  	s19 =	simm.s32 $0x0;
	s20 =	simm.s32 $0x0  }
.LBB2_2:
0x12: {  	p0 =	sne.s32 s20, $0x13FC0  }
.Ltmp0:
0x13: {  	_ = 	snop;
	(pc) =	sbr.rel @p0 .LBB2_2-.Ltmp0, $4  }
0x14: {  	s21 =	sand.u32 $0x1FE00, s20  }
0x15: {  	s22 =	sand.u32 $0x70, s19;
	s21 =	sshrl.u32 s21, $0x2  }
0x16: {  	s21 =	sor.u32 s22, s21  }
0x17: {  	s19 =	sadd.s32 $0x10, s19;
	s20 =	sadd.s32 $0x40, s20;
	[tilespmem:s21+$0x6800] =	vst v0  }
0x18: {  	s19 =	simm.s32 $0x0  }
0x19: {  	s20 =	sand.u32 $0xFE00, s19  }
0x1a: {  	s21 =	sand.u32 $0x70, s19;
	s22 =	sshrl.u32 s20, $0x2  }
0x1b: {  	s20 =	simm.s32 $0x40;
	s21 =	sor.u32 s21, s22  }
.LBB2_4:
0x1c: {  	p0 =	sne.s32 s20, $0xFFC0  }
0x1d: {  	[tilespmem:s21+$0x2800] =	vst v1;
	s19 =	sadd.s32 $0x10, s19;
	s21 =	smov.u32 s20;
	s20 =	sadd.s32 $0x40, s20  }
.Ltmp1:
0x1e: {  	(pc) =	sbr.rel @p0 .LBB2_4-.Ltmp1, $4  }
0x1f: {  	_ = 	snop  }
0x20: {  	s21 =	sand.u32 $0xFE00, s21  }
0x21: {  	s22 =	sand.u32 $0x70, s19;
	s21 =	sshrl.u32 s21, $0x2  }
0x22: {  	s21 =	sor.u32 s22, s21  }
0x23: {  	[tilespmem:s21+$0x2800] =	vst v1  }
0x24: {  	[spmem:s5] =	stream.linear.scatter [tilespmem:s14], [sflag:$0x1], $0x5000, $0x38;
	[tilespmem:$0x1F800] =	vst v63  }
0x25: {  	_ =	swait.ge [sflag:s15], $0x5000  }
0x26: {  	[sflag:s15] =	ssyncset.done $0x0  }
0x27: {  	[sflag:s15] =	ssyncadd.s32 $0xFFFFB000  }
0x28: {  	[spmem:s7] =	stream.linear.scatter [tilespmem:s14], [sflag:$0x1], $0x5000, $0x38;
	[tilespmem:$0x1F800] =	vst v63  }
0x29: {  	_ =	swait.ge [sflag:s15], $0x5000  }
0x2a: {  	[sflag:s15] =	ssyncset.done $0x0  }
0x2b: {  	[sflag:s15] =	ssyncadd.s32 $0xFFFFB000  }
0x2c: {  	[spmem:s8] =	stream.linear.scatter [tilespmem:s14], [sflag:$0x1], $0x5000, $0x38;
	[tilespmem:$0x1F800] =	vst v63  }
0x2d: {  	_ =	swait.ge [sflag:s15], $0x5000  }
0x2e: {  	[sflag:s15] =	ssyncset.done $0x0  }
0x2f: {  	[sflag:s15] =	ssyncadd.s32 $0xFFFFB000  }
0x30: {  	[spmem:s9] =	stream.linear.scatter [tilespmem:s14], [sflag:$0x1], $0x5000, $0x38;
	[tilespmem:$0x1F800] =	vst v63  }
0x31: {  	_ =	swait.ge [sflag:s15], $0x5000  }
0x32: {  	[sflag:s15] =	ssyncset.done $0x0  }
0x33: {  	s19 =	simm.s32 $0x0;
	[sflag:s15] =	ssyncadd.s32 $0xFFFFB000  }
0x34: {  	[tilespmem:s19], [sflag:$0x1] =	stream.linear.gather [hbm4b:s4+s19], $0x2800, $0x38;
	[tilespmem:$0x1F800] =	vst v63  }
0x35: {  	_ =	swait.ge [sflag:s15], $0x2800  }
0x36: {  	[sflag:s15] =	ssyncset.done $0x0  }
0x37: {  	[sflag:s15] =	ssyncadd.s32 $0xFFFFD800  }
0x38: {  	s31 =	simm.s32 $0x0;
	[bflag:$0x0] =	sbarrier.arrive $0xFFFF  }
0x39: {  	[spmem:s2] =	stream.indirect.scatter.add.f32 [tilespmem:s17], [sflag:$0x1], $0x80, s31, s16, $0xb8;
	[tilespmem:$0x1F800] =	vst v63  }
0x3a: {  	_ =	swait.ge [sflag:s15], $0x4000  }
0x3b: {  	s19 =	simm.s32 $0x200;
	[sflag:s15] =	ssyncset.done $0x0  }
.LBB2_6:
0x3c: {  	s20 =	sshra.s32 s19, $0x2;
	[sflag:s15] =	ssyncadd.s32 $0xFFFFC000;
	p0 =	sne.s32 s19, $0x9E00  }
0x3d: {  	[spmem:s2] =	stream.indirect.scatter.add.f32 [tilespmem:s17], [sflag:$0x1], $0x80, s20, s16, $0xb8;
	[tilespmem:$0x1F800] =	vst v63  }
.Ltmp2:
0x3e: {  	_ = 	snop;
	(pc) =	sbr.rel @p0 .LBB2_6-.Ltmp2, $4  }
0x3f: {  	_ = 	snop  }
0x40: {  	s19 =	sadd.s32 $0x200, s19  }
0x41: {  	_ =	swait.ge [sflag:s15], $0x4000  }
0x42: {  	[sflag:s15] =	ssyncset.done $0x0  }
0x43: {  	[sflag:s15] =	ssyncadd.s32 $0xFFFFC000  }
0x44: {  	[bflag:$0x0] =	sbarrier.arrive $0xFFFF  }
0x45: {  	[tilespmem:s14], [sflag:$0x1] =	stream.linear.gather [spmem:s5], $0x5000, $0x38;
	[tilespmem:$0x1F800] =	vst v63  }
0x46: {  	_ =	swait.ge [sflag:s15], $0x5000  }
0x47: {  	[sflag:s15] =	ssyncset.done $0x0  }
0x48: {  	[sflag:s15] =	ssyncadd.s32 $0xFFFFB000  }
0x49: {  	[hbm4b:s10+s3] =	stream.linear.scatter [tilespmem:s14], [sflag:$0x1], $0x5000, $0x38;
	[tilespmem:$0x1F800] =	vst v63  }
0x4a: {  	_ =	swait.ge [sflag:s15], $0x5000  }
0x4b: {  	[sflag:s15] =	ssyncset.done $0x0  }
0x4c: {  	[sflag:s15] =	ssyncadd.s32 $0xFFFFB000  }
0x4d: {  	[tilespmem:s14], [sflag:$0x1] =	stream.linear.gather [spmem:s7], $0x5000, $0x38;
	[tilespmem:$0x1F800] =	vst v63  }
0x4e: {  	_ =	swait.ge [sflag:s15], $0x5000  }
0x4f: {  	[sflag:s15] =	ssyncset.done $0x0  }
0x50: {  	[sflag:s15] =	ssyncadd.s32 $0xFFFFB000  }
0x51: {  	[hbm4b:s11+s3] =	stream.linear.scatter [tilespmem:s14], [sflag:$0x1], $0x5000, $0x38;
	[tilespmem:$0x1F800] =	vst v63  }
0x52: {  	_ =	swait.ge [sflag:s15], $0x5000  }
0x53: {  	[sflag:s15] =	ssyncset.done $0x0  }
0x54: {  	[sflag:s15] =	ssyncadd.s32 $0xFFFFB000  }
0x55: {  	[tilespmem:s14], [sflag:$0x1] =	stream.linear.gather [spmem:s8], $0x5000, $0x38;
	[tilespmem:$0x1F800] =	vst v63  }
0x56: {  	_ =	swait.ge [sflag:s15], $0x5000  }
0x57: {  	[sflag:s15] =	ssyncset.done $0x0  }
0x58: {  	[sflag:s15] =	ssyncadd.s32 $0xFFFFB000  }
0x59: {  	[hbm4b:s12+s3] =	stream.linear.scatter [tilespmem:s14], [sflag:$0x1], $0x5000, $0x38;
	[tilespmem:$0x1F800] =	vst v63  }
0x5a: {  	_ =	swait.ge [sflag:s15], $0x5000  }
0x5b: {  	[sflag:s15] =	ssyncset.done $0x0  }
0x5c: {  	[sflag:s15] =	ssyncadd.s32 $0xFFFFB000  }
0x5d: {  	[tilespmem:s14], [sflag:$0x1] =	stream.linear.gather [spmem:s9], $0x5000, $0x38;
	[tilespmem:$0x1F800] =	vst v63  }
0x5e: {  	s18 =	sadd.s32 $0x1, s18;
	_ =	swait.ge [sflag:s15], $0x5000  }
0x5f: {  	p0 =	sne.s32 s18, s6;
	[sflag:s15] =	ssyncset.done $0x0  }
.Ltmp3:
0x60: {  	[sflag:s15] =	ssyncadd.s32 $0xFFFFB000;
	(pc) =	sbr.rel @p0 .LBB2_1-.Ltmp3, $4  }
0x61: {  	[hbm4b:s13+s3] =	stream.linear.scatter [tilespmem:s14], [sflag:$0x1], $0x5000, $0x38;
	[tilespmem:$0x1F800] =	vst v63  }
0x62: {  	_ =	swait.ge [sflag:s15], $0x5000  }
0x63: {  	[sflag:s15] =	ssyncset.done $0x0  }
0x64: {  	[sflag:s15] =	ssyncadd.s32 $0xFFFFB000  }
0x65: {  	_ =	sfence.sel $0x180000  }
0x66: {  	[bflag:$0x0] =	sbarrier.arrive $0xFFFF  }
0x67: {  	p0 =	sne.s32 s1, $0x0;
	_ =	strace $0x90000047  }
0x68: {  	s0 =	sadd.s32 @!p0 $0x100000, s0;
	[bflag:$0x2] =	sbarrier.arrive $0xFFFF  }
0x69: {  	[sflag:s0] =	ssyncadd.tile.s32 @!p0 $0x1;
	_ =	shalt  }
.Lfunc_end2:
_tile_overlayer_lowered:
.L_overlay_start_2:
0x6a: {  	(tag) =	ssettag $0x2  }
0x6b: {  	s0 =	rddreg [dreg:$0x0];
	s2 =	stileid.u32  }
0x6c: {  	s1 =	rddreg [dreg:$0x1];
	p0 =	sne.s32 s2, $0x0  }
0x6d: {  	s3 =	rddreg [dreg:$0x2];
	[bflag:$0x3] =	sbarrier.arrive $0xFFFF;
	s2 =	simm.s32 @!p0 $0x1C01  }
0x6e: {  	[timem:s3], [sflag:s2] =	dma.local @!p0 [hbm:s0], s1  }
0x6f: {  	s0 =	simm.s32 @!p0 $0x1  }
0x70: {  	_ =	swait.ge @!p0 [sflag:s0], s1  }
0x71: {  	s1 =	ssub.s32 @!p0 $0x0, s1;
	[sflag:s0] =	ssyncset.done @!p0 $0x0  }
0x72: {  	[sflag:s0] =	ssyncadd.s32 @!p0 s1  }
0x73: {  	[bflag:$0x3] =	sbarrier.arrive $0xFFFF  }
0x74: {  	_ =	shalt  }

// kernel: kernel.13.cloned.1.call-start
scs
__scs_entry_jumppad:
0x0: {  	(pc) =	sbr.rel $0x88, $3  }
0x1: {  	(tag) =	ssettag $0x0;
	lr =	simm.s32 $0x1  }
0x2: {  	[smem:$0x3F99] =	sst lr;
	_ =	strace $0xD0000000  }
0x3: {  	_ = 	snop  }
0x4: {  	_ = 	snop  }
0x5: {  	_ = 	snop  }
0x6: {  	_ = 	snop  }
0x7: {  	_ = 	snop  }
__scs_overlays_trampoline_lowered:
0x8: {  	[smem:$0x3FA8] =	sst s0  }
0x9: {  	[smem:$0x3FA9] =	sst s1  }
0xa: {  	[smem:$0x3FAA] =	sst s2  }
0xb: {  	[smem:$0x3FAB] =	sst s3  }
0xc: {  	[smem:$0x3FAC] =	sst s4  }
0xd: {  	[smem:$0x3FAD] =	sst s5  }
0xe: {  	[smem:$0x3FAE] =	sst s6  }
0xf: {  	[smem:$0x3FAF] =	sst s7  }
0x10: {  	[smem:$0x3FB0] =	sst s8  }
0x11: {  	[smem:$0x3FB1] =	sst s9;
	s0 =	simm.s32 @!p0 $0x0  }
0x12: {  	s1 =	sld [smem:$0x3F97];
	s0 =	simm.s32 @p0 $0x1  }
0x13: {  	[smem:$0x3FB2] =	sst s0;
	s0 =	simm.s32 @!p1 $0x0  }
0x14: {  	s2 =	sld [smem:$0x3F96];
	s0 =	simm.s32 @p1 $0x1  }
0x15: {  	[smem:$0x3FB3] =	sst s0;
	s0 =	simm.s32 @!p2 $0x0  }
0x16: {  	s3 =	sld [smem:$0x3FDB];
	s0 =	simm.s32 @p2 $0x1  }
0x17: {  	s4 =	simm.s32 $0x1BF5;
	[smem:$0x3FB5] =	sst s0  }
0x18: {  	s0 =	sld [smem:$0x3F98];
	_ =	swait.ge [sflag:s4], $0x0  }
0x19: {  	s7 =	sld [smem:$0x3F99]  }
0x1a: {  	s8 =	sadd.s32 $0xFFFFE003, lr  }
0x1b: {  	s9 =	sadd.s32 $0xFFFFFEF7, lr;
	s5 =	simm.s32 $0xFFFFFFFF;
	p2 =	slt.u32 s8, $0xFFFFF086  }
0x1c: {  	p1 =	slt.u32 s9, $0xF7A;
	s5 =	simm.s32 @!p2 $0x0  }
0x1d: {  	s5 =	simm.s32 @p1 $0x1;
	p0 =	seq.s32 s7, s2  }
0x1e: {  	s7 =	smul.u32 @!p0 $0xF7A, s2;
	p2 =	seq.s32 @!p0 s5, $0x0  }
0x1f: {  	s9 =	smul.u32 $0xF7A, s1;
	s8 =	simm.s32 @!p0 $0x1BF5;
	p2 =	por !p2, p0  }
0x20: {  	[sflag:s8] =	ssyncset.s32 @!p0 $0xFFFFF086;
	s6 =	sadd.s32 @!p0 s3, s7;
	s7 =	simm.s32 @!p0 $0x108  }
0x21: {  	s3 =	sadd.s32 s3, s9;
	s6 =	sadd.s32 @!p0 $0x88, s6;
	s7 =	simm.s32 @p2 $0x1082  }
0x22: {  	[simem:s7], [sflag:s8] =	dma.local @!p0 [hbm:s6], $0xF7A  }
0x23: {  	s9 =	sor.u32 $0xD0000000, s2;
	s6 =	simm.s32 $0x108;
	_ =	swait.ge @!p0 [sflag:s8], $0x0  }
0x24: {  	s3 =	sadd.s32 $0x88, s3;
	s6 =	simm.s32 @!p1 $0x1082;
	[sflag:s4] =	ssyncset.s32 $0xFFFFF086  }
0x25: {  	[simem:s6], [sflag:s4] =	dma.local [hbm:s3], $0xF7A  }
0x26: {  	[smem:$0x3F99] =	sst s1;
	(tag) =	ssettag s2;
	_ =	strace s9  }
0x27: {  	s1 =	sld [smem:$0x3FA9]  }
0x28: {  	s2 =	sld [smem:$0x3FAA]  }
0x29: {  	s4 =	sld [smem:$0x3FAC]  }
0x2a: {  	p0 =	seq.s32 s5, $0x0;
	s5 =	sld [smem:$0x3FAD]  }
0x2b: {  	s6 =	sld [smem:$0x3FAE]  }
0x2c: {  	s7 =	sld [smem:$0x3FAF]  }
0x2d: {  	s3 =	simm.s32 $0x108;
	s8 =	sld [smem:$0x3FB0]  }
0x2e: {  	s3 =	simm.s32 @!p0 $0x1082;
	s9 =	sld [smem:$0x3FB1]  }
0x2f: {  	lr =	sadd.s32 s0, s3;
	s0 =	sld [smem:$0x3FA8]  }
0x30: {  	s3 =	sld [smem:$0x3FAB]  }
0x31: {  	[smem:$0x3FB4] =	sst s10  }
0x32: {  	s10 =	sld [smem:$0x3FB2];
	_ =	sdelay $0x3  }
0x33: {  	p0 =	seq.s32 s10, $0x1;
	s10 =	sld [smem:$0x3FB4];
	_ =	sdelay $0x3  }
0x34: {  	[smem:$0x3FB4] =	sst s10  }
0x35: {  	s10 =	sld [smem:$0x3FB3];
	_ =	sdelay $0x3  }
0x36: {  	p1 =	seq.s32 s10, $0x1;
	s10 =	sld [smem:$0x3FB4];
	_ =	sdelay $0x3  }
0x37: {  	[smem:$0x3FB4] =	sst s10  }
0x38: {  	s10 =	sld [smem:$0x3FB5]  }
0x39: {  	_ = 	snop;
	(pc) =	sbr.ind lr, $3  }
0x3a: {  	_ = 	snop  }
0x3b: {  	_ = 	snop  }
0x3c: {  	p2 =	seq.s32 s10, $0x1;
	s10 =	sld [smem:$0x3FB4]  }
0x3d: {  	_ =	shalt  }
0x3e: {  	_ =	shalt  }
0x3f: {  	_ =	shalt  }
0x40: {  	_ =	shalt  }
0x41: {  	_ =	shalt  }
0x42: {  	_ =	shalt  }
0x43: {  	_ =	shalt  }
0x44: {  	_ =	shalt  }
0x45: {  	_ =	shalt  }
0x46: {  	_ =	shalt  }
0x47: {  	_ =	shalt  }
0x48: {  	_ =	shalt  }
0x49: {  	_ =	shalt  }
0x4a: {  	_ =	shalt  }
0x4b: {  	_ =	shalt  }
0x4c: {  	_ =	shalt  }
0x4d: {  	_ =	shalt  }
0x4e: {  	_ =	shalt  }
0x4f: {  	_ =	shalt  }
0x50: {  	_ =	shalt  }
0x51: {  	_ =	shalt  }
0x52: {  	_ =	shalt  }
0x53: {  	_ =	shalt  }
0x54: {  	_ =	shalt  }
0x55: {  	_ =	shalt  }
0x56: {  	_ =	shalt  }
0x57: {  	_ =	shalt  }
0x58: {  	_ =	shalt  }
0x59: {  	_ =	shalt  }
0x5a: {  	_ =	shalt  }
0x5b: {  	_ =	shalt  }
0x5c: {  	_ =	shalt  }
0x5d: {  	_ =	shalt  }
0x5e: {  	_ =	shalt  }
0x5f: {  	_ =	shalt  }
0x60: {  	_ =	shalt  }
0x61: {  	_ =	shalt  }
0x62: {  	_ =	shalt  }
0x63: {  	_ =	shalt  }
0x64: {  	_ =	shalt  }
0x65: {  	_ =	shalt  }
0x66: {  	_ =	shalt  }
0x67: {  	_ =	shalt  }
0x68: {  	_ =	shalt  }
0x69: {  	_ =	shalt  }
0x6a: {  	_ =	shalt  }
0x6b: {  	_ =	shalt  }
0x6c: {  	_ =	shalt  }
0x6d: {  	_ =	shalt  }
0x6e: {  	_ =	shalt  }
0x6f: {  	_ =	shalt  }
0x70: {  	_ =	shalt  }
0x71: {  	_ =	shalt  }
0x72: {  	_ =	shalt  }
0x73: {  	_ =	shalt  }
0x74: {  	_ =	shalt  }
0x75: {  	_ =	shalt  }
0x76: {  	_ =	shalt  }
0x77: {  	_ =	shalt  }
0x78: {  	_ =	shalt  }
0x79: {  	_ =	shalt  }
0x7a: {  	_ =	shalt  }
0x7b: {  	_ =	shalt  }
0x7c: {  	_ =	shalt  }
0x7d: {  	_ =	shalt  }
0x7e: {  	_ =	shalt  }
0x7f: {  	_ =	shalt  }
0x80: {  	_ =	shalt  }
0x81: {  	_ =	shalt  }
0x82: {  	_ =	shalt  }
0x83: {  	_ =	shalt  }
0x84: {  	_ =	shalt  }
0x85: {  	_ =	shalt  }
0x86: {  	_ =	shalt  }
0x87: {  	_ =	shalt  }
.Lfunc_end0:
.L_simem_size_0:
called_computation.1_lowered:
.L_overlay_start_0:
0x88: {  	s2 =	sld [smem:$0x3FD9]  }
0x89: {  	s3 =	sld [smem:$0x3FFE];
	_ =	sdelay $0x1  }
0x8a: {  	s1 =	srdreg.scid  }
0x8b: {  	s0 =	sand.u32 $0x1, s1  }
0x8c: {  	s14 =	sshll.u32 s0, $0xA;
	s2 =	sadd.s32 s3, s2  }
0x8d: {  	s2 =	sadd.s32 s2, s14  }
0x8e: {  	[smem:$0x3FC0] =	sst s2  }
0x8f: {  	_ = 	snop  }
0x90: {  	s2 =	sld [smem:$0x3FD0];
	_ =	sdelay $0x2  }
0x91: {  	s15 =	simm.s32 $0xA;
	s4 =	simm.s32 $0x10  }
0x92: {  	[smem:s4], [sflag:s15] =	dma.local [hbm:s2], $0x1  }
0x93: {  	_ =	swait.eq [sflag:s15], $0x1  }
0x94: {  	[sflag:s15] =	ssyncset.done $0x0  }
0x95: {  	[sflag:s15] =	ssyncadd.s32 $0xFFFFFFFF  }
0x96: {  	s16 =	sld [smem:$0x11];
	(tm) =	ssettm $0x1  }
0x97: {  	s17 =	sld [smem:$0x3FFB];
	_ =	sdelay $0x3  }
0x98: {  	_ =	strace s17  }
0x99: {  	s3 =	sld [smem:$0x3FFC];
	_ =	sdelay $0x3  }
0x9a: {  	_ =	strace s3  }
0x9b: {  	s3 =	sld [smem:$0x3FFD];
	_ =	sdelay $0x3  }
0x9c: {  	_ =	strace s3  }
0x9d: {  	_ =	strace $0x8FFFFFFF  }
0x9e: {  	s18 =	sld [smem:$0x3FDB];
	_ =	sdelay $0x1  }
0x9f: {  	s19 =	simm.s32 $_scs_section_size  }
0xa0: {  	s5 =	simm.s32 $_size__tile_overlayer_lowered;
	s6 =	simm.s32 $_tile_overlayer_lowered  }
0xa1: {  	s22 =	simm.s32 $0x1BFF;
	s21 =	sshll.u32 s6, $0x1;
	s3 =	sadd.s32 s19, s18  }
0xa2: {  	s7 =	simm.s32 $0x0;
	s20 =	sshll.u32 s5, $0x1;
	s5 =	sadd.s32 s21, s3  }
0xa3: {  	[timem:s7], [sflag:s22] =	dma.local [hbm:s5], s20  }
0xa4: {  	_ =	swait.ge [sflag:s22], s20  }
0xa5: {  	s4 =	ssub.s32 $0x0, s20;
	[sflag:s22] =	ssyncset.done $0x0  }
0xa6: {  	[sflag:s22] =	ssyncadd.s32 s4;
	_ =	sdelay $0x1  }
0xa7: {  	s23 =	simm.s32 $0x1B8B  }
0xa8: {  	_ =	swait.ge [sflag:s23], $0x1  }
0xa9: {  	[sflag:s23] =	ssyncset.done $0x0  }
0xaa: {  	s25 =	simm.s32 $0x1B8E;
	s24 =	sld [smem:$0x3FFE];
	[sflag:s23] =	ssyncadd.s32 $0xFFFFFFFF  }
0xab: {  	s26 =	simm.s32 $execute0_lowered;
	[smem:$0x3FD2] =	sst s25  }
0xac: {  	s5 =	sshll.u32 s26, $0x1;
	_ =	strace $0x80000049;
	[dreg:$0x1] =	wrdreg $0xFFFFFFFF  }
0xad: {  	s28 =	simm.s32 $_size_execute0_lowered;
	s3 =	sadd.s32 s3, s5;
	[dreg:$0x0] =	wrdreg $0x0  }
0xae: {  	s5 =	sshll.u32 s28, $0x1;
	[dreg:$0x2] =	wrdreg s3  }
0xaf: {  	[dreg:$0x3] =	wrdreg s5  }
0xb0: {  	[dreg:$0x4] =	wrdreg $0xC0  }
0xb1: {  	_ =	task [dreg:s7], $0x5FFFF  }
0xb2: {  	[dreg:$0x1] =	wrdreg $0xFFFFFFFF  }
0xb3: {  	[dreg:$0x0] =	wrdreg $0x60  }
0xb4: {  	[dreg:$0x2] =	wrdreg s24  }
0xb5: {  	[dreg:$0x3] =	wrdreg s16  }
0xb6: {  	[dreg:$0x4] =	wrdreg $0x128000  }
0xb7: {  	[dreg:$0x5] =	wrdreg $0x9  }
0xb8: {  	_ =	task.clear_ibuf [dreg:s7], $0x6FFFF;
	_ =	strace $0x90000049  }
0xb9: {  	s29 =	simm.s32 $0x9;
	_ =	strace $0x8000004B  }
0xba: {  	_ =	swait.ge [sflag:s29], $0x1  }
0xbb: {  	[sflag:s29] =	ssyncadd.s32 $0xFFFFFFFF  }
0xbc: {  	_ =	strace $0x9000004B  }
0xbd: {  	_ =	sfence  }
0xbe: {  	s30 =	sld [smem:$0x0];
	_ =	sdelay $0x2  }
0xbf: {  	s31 =	sshll.u32 s1, $0xD;
	s1 =	sshrl.u32 s1, $0x2  }
0xc0: {  	s3 =	sand.u32 $0x4000, s31;
	s1 =	sadd.s32 s1, s30  }
0xc1: {  	s0 =	sor.u32 s3, s0;
	s1 =	sshll.u32 s1, $0x11  }
0xc2: {  	s0 =	sor.u32 s1, s0  }
0xc3: {  	s0 =	sadd.s32 $0x8F2B, s0  }
0xc4: {  	[sflag:s0] =	ssyncadd.remote.s32 $0x1  }
0xc5: {  	_ =	sfence.sel $0xFFFF  }
0xc6: {  	[dreg:$0x0] =	wrdreg $0xFFFFFFFF;
	(pc) =	sbr.abs _section_cstart, $3  }
0xc7: {  	[dreg:$0x1] =	wrdreg $0xFFFFFFFF  }
0xc8: {  	_ =	task.clear_ibuf [dreg:s7], $0x2FFFF;
	_ =	strace $0x9FFFFFFF  }
0xc9: {  	(tm) =	ssettm $0x7FFFFFFF  }
tec
execute0_lowered:
.L_overlay_start_1:
0x0: {  	(tag) =	ssettag $0x1  }
0x1: {  	s0 =	rddreg [dreg:$0x0]  }
0x2: {  	s2 =	rddreg [dreg:$0x2]  }
0x3: {  	s4 =	simm.s32 $0x0;
	s3 =	srdreg.scid;
	s1 =	stileid.u32  }
0x4: {  	s29 =	simm.s32 $0x80;
	s30 =	simm.s32 $0x6800;
	s9 =	smul.u32 $0x140, s1  }
0x5: {  	s31 =	simm.s32 $0x100;
	[smem:$0x7FF] =	sst s4;
	s7 =	smul.u32 $0xA0, s1  }
0x6: {  	s5 =	sadd.s32 $0xCE00, s0;
	s3 =	sand.u32 $0x1, s3;
	s13 =	smul.u32 $0x28000, s1  }
0x7: {  	s6 =	sadd.s32 $0x16E00, s0;
	s0 =	sadd.s32 $0x3EE00, s0;
	s26 =	smul.u32 $0xA000, s1  }
0x8: {  	_ =	strace $0x8000004A;
	s8 =	smul.u32 $0x1400, s3;
	s10 =	ssub.s32 $0x2, s3  }
0x9: {  	s11 =	sshll.u32 s3, $0x4;
	s3 =	smul.u32 $0xA0000, s3;
	s12 =	sshrl.u32 s10, $0x1  }
0xa: {  	s11 =	sor.u32 s1, s11;
	s20 =	sshrl.u32 s13, $0x2;
	s1 =	simm.s32 $0x0  }
0xb: {  	s10 =	ssub.s32 s10, s12;
	s19 =	sadd.s32 s8, s9;
	s8 =	smul.u32 $0xA0, s11  }
0xc: {  	s11 =	sadd.s32 s20, s2;
	s9 =	sshll.u32 s9, $0x7;
	[dreg:$0x14] =	wrdreg s1  }
0xd: {  	s13 =	sadd.s32 s3, s26;
	s12 =	sshll.u32 s19, $0x4;
	[dreg:$0x4] =	wrdreg s11  }
0xe: {  	s10 =	smax.u32 s10, $0x1;
	s22 =	sadd.s32 $0x2000, s9;
	s24 =	sadd.s32 $0x4000, s9  }
0xf: {  	s25 =	sadd.s32 $0x6000, s9;
	s9 =	sadd.s32 $0x8000, s9;
	s20 =	sshrl.u32 s13, $0x3  }
0x10: {  	s13 =	simm.s32 $0x2780;
	s14 =	sadd.s32 s6, s12;
	[dreg:$0x6] =	wrdreg s10  }
0x11: {  	s17 =	sadd.s32 s22, s2;
	s19 =	sadd.s32 s24, s2;
	[dreg:$0x5] =	wrdreg s14  }
0x12: {  	s15 =	sadd.s32 s25, s2;
	s10 =	sadd.s32 s3, s22;
	[dreg:$0x8] =	wrdreg s17  }
0x13: {  	s11 =	sadd.s32 s3, s24;
	s12 =	sadd.s32 s3, s25;
	[dreg:$0xa] =	wrdreg s19  }
0x14: {  	s3 =	sadd.s32 s3, s9;
	s28 =	sadd.s32 s9, s2;
	[dreg:$0xc] =	wrdreg s15  }
0x15: {  	s9 =	simm.s32 $0x2700;
	s21 =	sadd.s32 $0x400, s14;
	[dreg:$0xe] =	wrdreg s28  }
0x16: {  	s23 =	sadd.s32 $0x800, s14;
	s16 =	sadd.s32 $0xC00, s14;
	[dreg:$0x7] =	wrdreg s21  }
0x17: {  	s18 =	sadd.s32 $0x1000, s14;
	s10 =	sshrl.u32 s10, $0x3;
	[dreg:$0x9] =	wrdreg s23  }
0x18: {  	s25 =	sshrl.u32 s12, $0x3;
	s3 =	sshrl.u32 s3, $0x3;
	[dreg:$0xb] =	wrdreg s16  }
0x19: {  	s12 =	simm.s32 $0x1;
	s14 =	simm.s32 $0x5;
	[dreg:$0xd] =	wrdreg s18  }
0x1a: {  	s21 =	sadd.s32 s0, s20;
	s22 =	sadd.s32 s0, s10;
	s23 =	sshrl.u32 s11, $0x3  }
0x1b: {  	s26 =	sadd.s32 s0, s25;
	s25 =	simm.s32 $0x2800;
	s11 =	simm.s32 $0xE800  }
0x1c: {  	s16 =	simm.s32 $0x2;
	s18 =	simm.s32 $0x6;
	[dreg:$0xf] =	wrdreg s21  }
0x1d: {  	s20 =	simm.s32 $0x3;
	s10 =	simm.s32 $0x2680;
	[dreg:$0x10] =	wrdreg s22  }
0x1e: {  	s24 =	sadd.s32 s0, s23;
	[dreg:$0x12] =	wrdreg s26;
	s0 =	sadd.s32 s0, s3  }
0x1f: {  	s26 =	simm.s32 $0x9;
	s3 =	simm.s32 $0x180;
	s21 =	simm.s32 $0x7  }
0x20: {  	s22 =	simm.s32 $0x4;
	s23 =	simm.s32 $0x8;
	[dreg:$0x11] =	wrdreg s24  }
0x21: {  	[dreg:$0x13] =	wrdreg s0;
	s0 =	simm.s32 $0xA800;
	s24 =	simm.s32 $0x2600  }
.LBB2_1:
0x22: {  	s1 =	rddreg [dreg:$0x5]  }
0x23: {  	[tilespmem:s25], [sflag:$0x9] =	stream.linear.gather [hbm4b:s1+s4], $0x2000, $0x38;
	[tilespmem:$0x1CC00] =	vst v63  }
0x24: {  	_ =	swait.ge [sflag:s26], $0x2000  }
0x25: {  	[sflag:s26] =	ssyncset.done $0x0  }
0x26: {  	s1 =	rddreg [dreg:$0x4];
	[sflag:s26] =	ssyncadd.s32 $0xFFFFE000  }
0x27: {  	[spmem:s1] =	stream.linear.scatter [tilespmem:s25], [sflag:$0x9], $0x2000, $0x38;
	[tilespmem:$0x1CC00] =	vst v63  }
0x28: {  	_ =	swait.ge [sflag:s26], $0x2000  }
0x29: {  	[sflag:s26] =	ssyncset.done $0x0  }
0x2a: {  	s1 =	rddreg [dreg:$0x7];
	[sflag:s26] =	ssyncadd.s32 $0xFFFFE000  }
0x2b: {  	[tilespmem:s25], [sflag:$0x9] =	stream.linear.gather [hbm4b:s1+s4], $0x2000, $0x38;
	[tilespmem:$0x1CC00] =	vst v63  }
0x2c: {  	_ =	swait.ge [sflag:s26], $0x2000  }
0x2d: {  	[sflag:s26] =	ssyncset.done $0x0  }
0x2e: {  	[sflag:s26] =	ssyncadd.s32 $0xFFFFE000  }
0x2f: {  	[spmem:s17] =	stream.linear.scatter [tilespmem:s25], [sflag:$0x9], $0x2000, $0x38;
	[tilespmem:$0x1CC00] =	vst v63  }
0x30: {  	_ =	swait.ge [sflag:s26], $0x2000  }
0x31: {  	[sflag:s26] =	ssyncset.done $0x0  }
0x32: {  	s17 =	rddreg [dreg:$0x9];
	[sflag:s26] =	ssyncadd.s32 $0xFFFFE000  }
0x33: {  	[tilespmem:s25], [sflag:$0x9] =	stream.linear.gather [hbm4b:s17+s4], $0x2000, $0x38;
	[tilespmem:$0x1CC00] =	vst v63  }
0x34: {  	_ =	swait.ge [sflag:s26], $0x2000  }
0x35: {  	[sflag:s26] =	ssyncset.done $0x0  }
0x36: {  	[sflag:s26] =	ssyncadd.s32 $0xFFFFE000  }
0x37: {  	[spmem:s19] =	stream.linear.scatter [tilespmem:s25], [sflag:$0x9], $0x2000, $0x38;
	[tilespmem:$0x1CC00] =	vst v63  }
0x38: {  	_ =	swait.ge [sflag:s26], $0x2000  }
0x39: {  	[sflag:s26] =	ssyncset.done $0x0  }
0x3a: {  	s17 =	rddreg [dreg:$0xb];
	[sflag:s26] =	ssyncadd.s32 $0xFFFFE000  }
0x3b: {  	[tilespmem:s25], [sflag:$0x9] =	stream.linear.gather [hbm4b:s17+s4], $0x2000, $0x38;
	[tilespmem:$0x1CC00] =	vst v63  }
0x3c: {  	_ =	swait.ge [sflag:s26], $0x2000  }
0x3d: {  	[sflag:s26] =	ssyncset.done $0x0  }
0x3e: {  	[sflag:s26] =	ssyncadd.s32 $0xFFFFE000  }
0x3f: {  	[spmem:s15] =	stream.linear.scatter [tilespmem:s25], [sflag:$0x9], $0x2000, $0x38;
	[tilespmem:$0x1CC00] =	vst v63  }
0x40: {  	_ =	swait.ge [sflag:s26], $0x2000  }
0x41: {  	[sflag:s26] =	ssyncset.done $0x0  }
0x42: {  	s19 =	rddreg [dreg:$0xd];
	[sflag:s26] =	ssyncadd.s32 $0xFFFFE000  }
0x43: {  	[tilespmem:s25], [sflag:$0x9] =	stream.linear.gather [hbm4b:s19+s4], $0x2000, $0x38;
	[tilespmem:$0x1CC00] =	vst v63  }
0x44: {  	_ =	swait.ge [sflag:s26], $0x2000  }
0x45: {  	[sflag:s26] =	ssyncset.done $0x0  }
0x46: {  	[sflag:s26] =	ssyncadd.s32 $0xFFFFE000  }
0x47: {  	[spmem:s28] =	stream.linear.scatter [tilespmem:s25], [sflag:$0x9], $0x2000, $0x38;
	[tilespmem:$0x1CC00] =	vst v63  }
0x48: {  	_ =	swait.ge [sflag:s26], $0x2000  }
0x49: {  	[sflag:s26] =	ssyncset.done $0x0  }
0x4a: {  	[sflag:s26] =	ssyncadd.s32 $0xFFFFE000  }
0x4b: {  	s17 =	simm.s32 $0x0;
	s28 =	simm.s32 $0x1400;
	[bflag:$0x0] =	sbarrier.arrive $0xFFFF  }
.LBB2_2:
0x4c: {  	s15 =	smul.u32 $0x28, s17;
	_ =	sdelay $0x1  }
0x4d: {  	s19 =	sadd.s32 s7, s15  }
0x4e: {  	s19 =	sshll.u32 s19, $0x4  }
0x4f: {  	s19 =	sadd.s32 s5, s19  }
0x50: {  	[tilespmem:s4], [sflag:$0x9] =	stream.linear.gather [hbm4b:s19+s4], $0x1400, $0x38;
	[tilespmem:$0x1CC00] =	vst v63  }
0x51: {  	_ =	swait.ge [sflag:s26], $0x1400  }
0x52: {  	[sflag:s26] =	ssyncset.done $0x0  }
0x53: {  	s15 =	sadd.s32 s8, s15;
	[sflag:s26] =	ssyncadd.s32 $0xFFFFEC00  }
0x54: {  	s15 =	sshll.u32 s15, $0x4;
	s1 =	rddreg [dreg:$0x1]  }
0x55: {  	s15 =	sadd.s32 s1, s15  }
0x56: {  	[tilespmem:s28], [sflag:$0x9] =	stream.linear.gather [hbm4b:s15+s4], $0x1400, $0x38;
	[tilespmem:$0x1CC00] =	vst v63  }
0x57: {  	_ =	swait.ge [sflag:s26], $0x1400  }
0x58: {  	p0 =	seq.s32 s17, $0x0;
	[sflag:s26] =	ssyncset.done $0x0  }
0x59: {  	s15 =	simm.s32 @!p0 $0x5;
	[sflag:s26] =	ssyncadd.s32 $0xFFFFEC00  }
0x5a: {  	_ =	swait.ge @!p0 [sflag:s15], $0x4000  }
0x5b: {  	[sflag:s15] =	ssyncset.done @!p0 $0x0  }
0x5c: {  	[sflag:s15] =	ssyncadd.s32 @!p0 $0xFFFFC000;
	s15 =	simm.s32 @!p0 $0x6  }
0x5d: {  	_ =	swait.ge @!p0 [sflag:s15], $0x4000  }
0x5e: {  	[sflag:s15] =	ssyncset.done @!p0 $0x0  }
0x5f: {  	[sflag:s15] =	ssyncadd.s32 @!p0 $0xFFFFC000;
	s15 =	simm.s32 @!p0 $0x7  }
0x60: {  	_ =	swait.ge @!p0 [sflag:s15], $0x4000  }
0x61: {  	[sflag:s15] =	ssyncset.done @!p0 $0x0  }
0x62: {  	[sflag:s15] =	ssyncadd.s32 @!p0 $0xFFFFC000;
	s15 =	simm.s32 @!p0 $0x8  }
0x63: {  	_ =	swait.ge @!p0 [sflag:s15], $0x4000  }
0x64: {  	[sflag:s15] =	ssyncset.done @!p0 $0x0  }
0x65: {  	s1 =	simm.s32 $0x0;
	[sflag:s15] =	ssyncadd.s32 @!p0 $0xFFFFC000  }
0x66: {  	[tilespmem:s25], [sflag:$0x1] =	stream.indirect.gather [hbm4b:s6+s29], $0x80, s1, s29, $0xb8;
	[tilespmem:$0x1CC00] =	vst v63  }
0x67: {  	_ = 	snop  }
0x68: {  	[tilespmem:s30], [sflag:$0x2] =	stream.indirect.gather [hbm4b:s6+s29], $0x80, s29, s29, $0xb8;
	[tilespmem:$0x1CC00] =	vst v63  }
0x69: {  	_ = 	snop  }
0x6a: {  	[tilespmem:s0], [sflag:$0x3] =	stream.indirect.gather [hbm4b:s6+s29], $0x80, s31, s29, $0xb8;
	[tilespmem:$0x1CC00] =	vst v63  }
0x6b: {  	_ = 	snop  }
0x6c: {  	[tilespmem:s11], [sflag:$0x4] =	stream.indirect.gather [hbm4b:s6+s29], $0x80, s3, s29, $0xb8;
	[tilespmem:$0x1CC00] =	vst v63  }
0x6d: {  	_ =	swait.ge [sflag:s12], $0x4000  }
0x6e: {  	[sflag:s12] =	ssyncset.done $0x0  }
0x6f: {  	s19 =	simm.s32 $0x1400;
	[sflag:s12] =	ssyncadd.s32 $0xFFFFC000  }
0x70: {  	[spmem:s2] =	stream.indirect.scatter.add.f32 [tilespmem:s25], [sflag:$0x5], $0x80, s19, s29, $0xb8;
	[tilespmem:$0x1CC00] =	vst v63  }
0x71: {  	_ =	swait.ge [sflag:s14], $0x4000  }
0x72: {  	[sflag:s14] =	ssyncset.done $0x0  }
0x73: {  	s1 =	simm.s32 $0x200;
	[sflag:s14] =	ssyncadd.s32 $0xFFFFC000  }
0x74: {  	[tilespmem:s25], [sflag:$0x1] =	stream.indirect.gather [hbm4b:s6+s29], $0x80, s1, s29, $0xb8;
	[tilespmem:$0x1CC00] =	vst v63  }
0x75: {  	_ =	swait.ge [sflag:s16], $0x4000  }
0x76: {  	[sflag:s16] =	ssyncset.done $0x0  }
0x77: {  	s19 =	simm.s32 $0x1480;
	[sflag:s16] =	ssyncadd.s32 $0xFFFFC000  }
0x78: {  	[spmem:s2] =	stream.indirect.scatter.add.f32 [tilespmem:s30], [sflag:$0x6], $0x80, s19, s29, $0xb8;
	[tilespmem:$0x1CC00] =	vst v63  }
0x79: {  	_ =	swait.ge [sflag:s18], $0x4000  }
0x7a: {  	[sflag:s18] =	ssyncset.done $0x0  }
0x7b: {  	s1 =	simm.s32 $0x280;
	[sflag:s18] =	ssyncadd.s32 $0xFFFFC000  }
0x7c: {  	[tilespmem:s30], [sflag:$0x2] =	stream.indirect.gather [hbm4b:s6+s29], $0x80, s1, s29, $0xb8;
	[tilespmem:$0x1CC00] =	vst v63  }
0x7d: {  	_ =	swait.ge [sflag:s20], $0x4000  }
0x7e: {  	[sflag:s20] =	ssyncset.done $0x0  }
0x7f: {  	s19 =	simm.s32 $0x1500;
	[sflag:s20] =	ssyncadd.s32 $0xFFFFC000  }
0x80: {  	[spmem:s2] =	stream.indirect.scatter.add.f32 [tilespmem:s0], [sflag:$0x7], $0x80, s19, s29, $0xb8;
	[tilespmem:$0x1CC00] =	vst v63  }
0x81: {  	_ =	swait.ge [sflag:s21], $0x4000  }
0x82: {  	[sflag:s21] =	ssyncset.done $0x0  }
0x83: {  	s1 =	simm.s32 $0x300;
	[sflag:s21] =	ssyncadd.s32 $0xFFFFC000  }
0x84: {  	[tilespmem:s0], [sflag:$0x3] =	stream.indirect.gather [hbm4b:s6+s29], $0x80, s1, s29, $0xb8;
	[tilespmem:$0x1CC00] =	vst v63  }
0x85: {  	_ =	swait.ge [sflag:s22], $0x4000  }
0x86: {  	[sflag:s22] =	ssyncset.done $0x0  }
0x87: {  	s19 =	simm.s32 $0x1580;
	[sflag:s22] =	ssyncadd.s32 $0xFFFFC000  }
0x88: {  	[spmem:s2] =	stream.indirect.scatter.add.f32 [tilespmem:s11], [sflag:$0x8], $0x80, s19, s29, $0xb8;
	[tilespmem:$0x1CC00] =	vst v63  }
0x89: {  	_ =	swait.ge [sflag:s23], $0x4000  }
0x8a: {  	[sflag:s23] =	ssyncset.done $0x0  }
0x8b: {  	s15 =	simm.s32 $0x380;
	s19 =	simm.s32 $0x800;
	[sflag:s23] =	ssyncadd.s32 $0xFFFFC000  }
.LBB2_3:
0x8c: {  	[tilespmem:s11], [sflag:$0x4] =	stream.indirect.gather [hbm4b:s6+s29], $0x80, s15, s29, $0xb8;
	[tilespmem:$0x1CC00] =	vst v63  }
0x8d: {  	s15 =	smov.u32 s19  }
0x8e: {  	p0 =	sne.s32 s19, $0x4000;
	s19 =	sadd.s32 $0x800, s19;
	_ =	swait.ge [sflag:s12], $0x4000  }
0x8f: {  	s15 =	sshra.s32 s15, $0x2;
	[sflag:s12] =	ssyncset.done $0x0  }
0x90: {  	s1 =	sadd.s32 $0x1400, s15;
	[sflag:s12] =	ssyncadd.s32 $0xFFFFC000  }
0x91: {  	[spmem:s2] =	stream.indirect.scatter.add.f32 [tilespmem:s25], [sflag:$0x5], $0x80, s1, s29, $0xb8;
	[tilespmem:$0x1CC00] =	vst v63  }
0x92: {  	_ =	swait.ge [sflag:s14], $0x4000  }
0x93: {  	[sflag:s14] =	ssyncset.done $0x0  }
0x94: {  	s1 =	sadd.s32 $0x200, s15;
	[sflag:s14] =	ssyncadd.s32 $0xFFFFC000  }
0x95: {  	[tilespmem:s25], [sflag:$0x1] =	stream.indirect.gather [hbm4b:s6+s29], $0x80, s1, s29, $0xb8;
	[tilespmem:$0x1CC00] =	vst v63  }
0x96: {  	_ =	swait.ge [sflag:s16], $0x4000  }
0x97: {  	[sflag:s16] =	ssyncset.done $0x0  }
0x98: {  	s1 =	sadd.s32 $0x1480, s15;
	[sflag:s16] =	ssyncadd.s32 $0xFFFFC000  }
0x99: {  	[spmem:s2] =	stream.indirect.scatter.add.f32 [tilespmem:s30], [sflag:$0x6], $0x80, s1, s29, $0xb8;
	[tilespmem:$0x1CC00] =	vst v63  }
0x9a: {  	_ =	swait.ge [sflag:s18], $0x4000  }
0x9b: {  	[sflag:s18] =	ssyncset.done $0x0  }
0x9c: {  	s1 =	sadd.s32 $0x280, s15;
	[sflag:s18] =	ssyncadd.s32 $0xFFFFC000  }
0x9d: {  	[tilespmem:s30], [sflag:$0x2] =	stream.indirect.gather [hbm4b:s6+s29], $0x80, s1, s29, $0xb8;
	[tilespmem:$0x1CC00] =	vst v63  }
0x9e: {  	_ =	swait.ge [sflag:s20], $0x4000  }
0x9f: {  	[sflag:s20] =	ssyncset.done $0x0  }
0xa0: {  	s1 =	sadd.s32 $0x1500, s15;
	[sflag:s20] =	ssyncadd.s32 $0xFFFFC000  }
0xa1: {  	[spmem:s2] =	stream.indirect.scatter.add.f32 [tilespmem:s0], [sflag:$0x7], $0x80, s1, s29, $0xb8;
	[tilespmem:$0x1CC00] =	vst v63  }
0xa2: {  	_ =	swait.ge [sflag:s21], $0x4000  }
0xa3: {  	[sflag:s21] =	ssyncset.done $0x0  }
0xa4: {  	s1 =	sadd.s32 $0x300, s15;
	[sflag:s21] =	ssyncadd.s32 $0xFFFFC000  }
0xa5: {  	[tilespmem:s0], [sflag:$0x3] =	stream.indirect.gather [hbm4b:s6+s29], $0x80, s1, s29, $0xb8;
	[tilespmem:$0x1CC00] =	vst v63  }
0xa6: {  	_ =	swait.ge [sflag:s22], $0x4000  }
0xa7: {  	[sflag:s22] =	ssyncset.done $0x0  }
.Ltmp0:
0xa8: {  	s1 =	sadd.s32 $0x1580, s15;
	[sflag:s22] =	ssyncadd.s32 $0xFFFFC000;
	(pc) =	sbr.rel @p0 .LBB2_3-.Ltmp0, $4  }
0xa9: {  	[spmem:s2] =	stream.indirect.scatter.add.f32 [tilespmem:s11], [sflag:$0x8], $0x80, s1, s29, $0xb8;
	[tilespmem:$0x1CC00] =	vst v63  }
0xaa: {  	_ =	swait.ge [sflag:s23], $0x4000  }
0xab: {  	[sflag:s23] =	ssyncset.done $0x0  }
0xac: {  	s15 =	sadd.s32 $0x380, s15;
	[sflag:s23] =	ssyncadd.s32 $0xFFFFC000  }
0xad: {  	[tilespmem:s11], [sflag:$0x4] =	stream.indirect.gather [hbm4b:s6+s29], $0x80, s15, s29, $0xb8;
	[tilespmem:$0x1CC00] =	vst v63  }
0xae: {  	_ =	swait.ge [sflag:s12], $0x4000  }
0xaf: {  	[sflag:s12] =	ssyncset.done $0x0  }
0xb0: {  	[sflag:s12] =	ssyncadd.s32 $0xFFFFC000  }
0xb1: {  	[spmem:s2] =	stream.indirect.scatter.add.f32 [tilespmem:s25], [sflag:$0x5], $0x80, s24, s29, $0xb8;
	[tilespmem:$0x1CC00] =	vst v63  }
0xb2: {  	_ =	swait.ge [sflag:s16], $0x4000  }
0xb3: {  	[sflag:s16] =	ssyncset.done $0x0  }
0xb4: {  	[sflag:s16] =	ssyncadd.s32 $0xFFFFC000  }
0xb5: {  	[spmem:s2] =	stream.indirect.scatter.add.f32 [tilespmem:s30], [sflag:$0x6], $0x80, s10, s29, $0xb8;
	[tilespmem:$0x1CC00] =	vst v63  }
0xb6: {  	_ =	swait.ge [sflag:s20], $0x4000  }
0xb7: {  	s17 =	sadd.s32 $0x1, s17;
	[sflag:s20] =	ssyncset.done $0x0  }
0xb8: {  	p0 =	sne.s32 s17, $0x4;
	[sflag:s20] =	ssyncadd.s32 $0xFFFFC000  }
0xb9: {  	[spmem:s2] =	stream.indirect.scatter.add.f32 [tilespmem:s0], [sflag:$0x7], $0x80, s9, s29, $0xb8;
	[tilespmem:$0x1CC00] =	vst v63  }
.Ltmp1:
0xba: {  	_ = 	snop;
	(pc) =	sbr.rel @p0 .LBB2_2-.Ltmp1, $4  }
0xbb: {  	_ =	swait.ge [sflag:s22], $0x4000  }
0xbc: {  	[sflag:s22] =	ssyncset.done $0x0  }
0xbd: {  	[sflag:s22] =	ssyncadd.s32 $0xFFFFC000  }
0xbe: {  	[spmem:s2] =	stream.indirect.scatter.add.f32 [tilespmem:s11], [sflag:$0x8], $0x80, s13, s29, $0xb8;
	[tilespmem:$0x1CC00] =	vst v63  }
0xbf: {  	_ =	swait.ge [sflag:s14], $0x4000  }
0xc0: {  	[sflag:s14] =	ssyncset.done $0x0  }
0xc1: {  	[sflag:s14] =	ssyncadd.s32 $0xFFFFC000  }
0xc2: {  	_ =	swait.ge [sflag:s18], $0x4000  }
0xc3: {  	[sflag:s18] =	ssyncset.done $0x0  }
0xc4: {  	[sflag:s18] =	ssyncadd.s32 $0xFFFFC000  }
0xc5: {  	_ =	swait.ge [sflag:s21], $0x4000  }
0xc6: {  	[sflag:s21] =	ssyncset.done $0x0  }
0xc7: {  	[sflag:s21] =	ssyncadd.s32 $0xFFFFC000  }
0xc8: {  	_ =	swait.ge [sflag:s23], $0x4000  }
0xc9: {  	[sflag:s23] =	ssyncset.done $0x0  }
0xca: {  	[sflag:s23] =	ssyncadd.s32 $0xFFFFC000  }
0xcb: {  	[bflag:$0x0] =	sbarrier.arrive $0xFFFF  }
0xcc: {  	s1 =	rddreg [dreg:$0x4]  }
0xcd: {  	[tilespmem:s25], [sflag:$0x9] =	stream.linear.gather [spmem:s1], $0x2000, $0x38;
	[tilespmem:$0x1CC00] =	vst v63  }
0xce: {  	_ =	swait.ge [sflag:s26], $0x2000  }
0xcf: {  	[sflag:s26] =	ssyncset.done $0x0  }
0xd0: {  	s17 =	rddreg [dreg:$0xf];
	[sflag:s26] =	ssyncadd.s32 $0xFFFFE000  }
0xd1: {  	[hbm4b:s17+s4] =	stream.linear.scatter [tilespmem:s25], [sflag:$0x9], $0x2000, $0x38;
	[tilespmem:$0x1CC00] =	vst v63  }
0xd2: {  	_ =	swait.ge [sflag:s26], $0x2000  }
0xd3: {  	[sflag:s26] =	ssyncset.done $0x0  }
0xd4: {  	s17 =	rddreg [dreg:$0x8];
	[sflag:s26] =	ssyncadd.s32 $0xFFFFE000  }
0xd5: {  	[tilespmem:s25], [sflag:$0x9] =	stream.linear.gather [spmem:s17], $0x2000, $0x38;
	[tilespmem:$0x1CC00] =	vst v63  }
0xd6: {  	_ =	swait.ge [sflag:s26], $0x2000  }
0xd7: {  	[sflag:s26] =	ssyncset.done $0x0  }
0xd8: {  	s19 =	rddreg [dreg:$0x10];
	[sflag:s26] =	ssyncadd.s32 $0xFFFFE000  }
0xd9: {  	[hbm4b:s19+s4] =	stream.linear.scatter [tilespmem:s25], [sflag:$0x9], $0x2000, $0x38;
	[tilespmem:$0x1CC00] =	vst v63  }
0xda: {  	_ =	swait.ge [sflag:s26], $0x2000  }
0xdb: {  	[sflag:s26] =	ssyncset.done $0x0  }
0xdc: {  	s19 =	rddreg [dreg:$0xa];
	[sflag:s26] =	ssyncadd.s32 $0xFFFFE000  }
0xdd: {  	[tilespmem:s25], [sflag:$0x9] =	stream.linear.gather [spmem:s19], $0x2000, $0x38;
	[tilespmem:$0x1CC00] =	vst v63  }
0xde: {  	_ =	swait.ge [sflag:s26], $0x2000  }
0xdf: {  	[sflag:s26] =	ssyncset.done $0x0  }
0xe0: {  	s15 =	rddreg [dreg:$0x11];
	[sflag:s26] =	ssyncadd.s32 $0xFFFFE000  }
0xe1: {  	[hbm4b:s15+s4] =	stream.linear.scatter [tilespmem:s25], [sflag:$0x9], $0x2000, $0x38;
	[tilespmem:$0x1CC00] =	vst v63  }
0xe2: {  	_ =	swait.ge [sflag:s26], $0x2000  }
0xe3: {  	[sflag:s26] =	ssyncset.done $0x0  }
0xe4: {  	s15 =	rddreg [dreg:$0xc];
	[sflag:s26] =	ssyncadd.s32 $0xFFFFE000  }
0xe5: {  	[tilespmem:s25], [sflag:$0x9] =	stream.linear.gather [spmem:s15], $0x2000, $0x38;
	[tilespmem:$0x1CC00] =	vst v63  }
0xe6: {  	_ =	swait.ge [sflag:s26], $0x2000  }
0xe7: {  	[sflag:s26] =	ssyncset.done $0x0  }
0xe8: {  	s1 =	rddreg [dreg:$0x12];
	[sflag:s26] =	ssyncadd.s32 $0xFFFFE000  }
0xe9: {  	[hbm4b:s1+s4] =	stream.linear.scatter [tilespmem:s25], [sflag:$0x9], $0x2000, $0x38;
	[tilespmem:$0x1CC00] =	vst v63  }
0xea: {  	_ =	swait.ge [sflag:s26], $0x2000  }
0xeb: {  	[sflag:s26] =	ssyncset.done $0x0  }
0xec: {  	s28 =	rddreg [dreg:$0xe];
	[sflag:s26] =	ssyncadd.s32 $0xFFFFE000  }
0xed: {  	[tilespmem:s25], [sflag:$0x9] =	stream.linear.gather [spmem:s28], $0x2000, $0x38;
	[tilespmem:$0x1CC00] =	vst v63  }
0xee: {  	_ =	swait.ge [sflag:s26], $0x2000  }
0xef: {  	[sflag:s26] =	ssyncset.done $0x0  }
0xf0: {  	s1 =	rddreg [dreg:$0x13];
	[sflag:s26] =	ssyncadd.s32 $0xFFFFE000  }
0xf1: {  	[hbm4b:s1+s4] =	stream.linear.scatter [tilespmem:s25], [sflag:$0x9], $0x2000, $0x38;
	[tilespmem:$0x1CC00] =	vst v63  }
0xf2: {  	_ =	swait.ge [sflag:s26], $0x2000  }
0xf3: {  	s31 =	rddreg [dreg:$0x14]  }
0xf4: {  	s1 =	rddreg [dreg:$0x6];
	s31 =	sadd.s32 $0x1, s31  }
0xf5: {  	p0 =	sne.s32 s31, s1  }
.Ltmp2:
0xf6: {  	_ = 	snop;
	(pc) =	sbr.rel @p0 .LBB2_1-.Ltmp2, $3  }
0xf7: {  	_ =	sdelay $0x1  }
0xf8: {  	[sflag:s26] =	ssyncset.done $0x0  }
0xf9: {  	[sflag:s26] =	ssyncadd.s32 $0xFFFFE000;
	[dreg:$0x14] =	wrdreg s31;
	s31 =	simm.s32 $0x100  }
0xfa: {  	_ =	sfence.sel $0x180000  }
0xfb: {  	[bflag:$0x0] =	sbarrier.arrive $0xFFFF  }
0xfc: {  	_ =	strace $0x9000004A  }
0xfd: {  	s0 =	stileid.u32;
	[bflag:$0x2] =	sbarrier.arrive $0xFFFF  }
0xfe: {  	p0 =	sne.s32 s0, $0x0;
	s0 =	rddreg [dreg:$0x3]  }
0xff: {  	s0 =	sadd.s32 @!p0 $0x100000, s0  }
0x100: {  	[sflag:s0] =	ssyncadd.tile.s32 @!p0 $0x1;
	_ =	shalt  }
.Lfunc_end2:
_tile_overlayer_lowered:
.L_overlay_start_2:
0x101: {  	(tag) =	ssettag $0x2  }
0x102: {  	s0 =	rddreg [dreg:$0x0];
	s2 =	stileid.u32  }
0x103: {  	s1 =	rddreg [dreg:$0x1];
	p0 =	sne.s32 s2, $0x0  }
0x104: {  	s3 =	rddreg [dreg:$0x2];
	[bflag:$0x3] =	sbarrier.arrive $0xFFFF;
	s2 =	simm.s32 @!p0 $0x1C09  }
0x105: {  	[timem:s3], [sflag:s2] =	dma.local @!p0 [hbm:s0], s1  }
0x106: {  	s0 =	simm.s32 @!p0 $0x9  }
0x107: {  	_ =	swait.ge @!p0 [sflag:s0], s1  }
0x108: {  	s1 =	ssub.s32 @!p0 $0x0, s1;
	[sflag:s0] =	ssyncset.done @!p0 $0x0  }
0x109: {  	[sflag:s0] =	ssyncadd.s32 @!p0 s1  }
0x10a: {  	[bflag:$0x3] =	sbarrier.arrive $0xFFFF  }
0x10b: {  	_ =	shalt  }

// kernel: kernel.16.cloned.1.call-start
scs
__scs_entry_jumppad:
0x0: {  	(pc) =	sbr.rel $0x88, $3  }
0x1: {  	(tag) =	ssettag $0x0;
	lr =	simm.s32 $0x1  }
0x2: {  	[smem:$0x3F99] =	sst lr;
	_ =	strace $0xD0000000  }
0x3: {  	_ = 	snop  }
0x4: {  	_ = 	snop  }
0x5: {  	_ = 	snop  }
0x6: {  	_ = 	snop  }
0x7: {  	_ = 	snop  }
__scs_overlays_trampoline_lowered:
0x8: {  	[smem:$0x3FA8] =	sst s0  }
0x9: {  	[smem:$0x3FA9] =	sst s1  }
0xa: {  	[smem:$0x3FAA] =	sst s2  }
0xb: {  	[smem:$0x3FAB] =	sst s3  }
0xc: {  	[smem:$0x3FAC] =	sst s4  }
0xd: {  	[smem:$0x3FAD] =	sst s5  }
0xe: {  	[smem:$0x3FAE] =	sst s6  }
0xf: {  	[smem:$0x3FAF] =	sst s7  }
0x10: {  	[smem:$0x3FB0] =	sst s8  }
0x11: {  	[smem:$0x3FB1] =	sst s9;
	s0 =	simm.s32 @!p0 $0x0  }
0x12: {  	s1 =	sld [smem:$0x3F97];
	s0 =	simm.s32 @p0 $0x1  }
0x13: {  	[smem:$0x3FB2] =	sst s0;
	s0 =	simm.s32 @!p1 $0x0  }
0x14: {  	s2 =	sld [smem:$0x3F96];
	s0 =	simm.s32 @p1 $0x1  }
0x15: {  	[smem:$0x3FB3] =	sst s0;
	s0 =	simm.s32 @!p2 $0x0  }
0x16: {  	s3 =	sld [smem:$0x3FDB];
	s0 =	simm.s32 @p2 $0x1  }
0x17: {  	s4 =	simm.s32 $0x1BF5;
	[smem:$0x3FB5] =	sst s0  }
0x18: {  	s0 =	sld [smem:$0x3F98];
	_ =	swait.ge [sflag:s4], $0x0  }
0x19: {  	s7 =	sld [smem:$0x3F99]  }
0x1a: {  	s8 =	sadd.s32 $0xFFFFE003, lr  }
0x1b: {  	s9 =	sadd.s32 $0xFFFFFEF7, lr;
	s5 =	simm.s32 $0xFFFFFFFF;
	p2 =	slt.u32 s8, $0xFFFFF086  }
0x1c: {  	p1 =	slt.u32 s9, $0xF7A;
	s5 =	simm.s32 @!p2 $0x0  }
0x1d: {  	s5 =	simm.s32 @p1 $0x1;
	p0 =	seq.s32 s7, s2  }
0x1e: {  	s7 =	smul.u32 @!p0 $0xF7A, s2;
	p2 =	seq.s32 @!p0 s5, $0x0  }
0x1f: {  	s9 =	smul.u32 $0xF7A, s1;
	s8 =	simm.s32 @!p0 $0x1BF5;
	p2 =	por !p2, p0  }
0x20: {  	[sflag:s8] =	ssyncset.s32 @!p0 $0xFFFFF086;
	s6 =	sadd.s32 @!p0 s3, s7;
	s7 =	simm.s32 @!p0 $0x108  }
0x21: {  	s3 =	sadd.s32 s3, s9;
	s6 =	sadd.s32 @!p0 $0x88, s6;
	s7 =	simm.s32 @p2 $0x1082  }
0x22: {  	[simem:s7], [sflag:s8] =	dma.local @!p0 [hbm:s6], $0xF7A  }
0x23: {  	s9 =	sor.u32 $0xD0000000, s2;
	s6 =	simm.s32 $0x108;
	_ =	swait.ge @!p0 [sflag:s8], $0x0  }
0x24: {  	s3 =	sadd.s32 $0x88, s3;
	s6 =	simm.s32 @!p1 $0x1082;
	[sflag:s4] =	ssyncset.s32 $0xFFFFF086  }
0x25: {  	[simem:s6], [sflag:s4] =	dma.local [hbm:s3], $0xF7A  }
0x26: {  	[smem:$0x3F99] =	sst s1;
	(tag) =	ssettag s2;
	_ =	strace s9  }
0x27: {  	s1 =	sld [smem:$0x3FA9]  }
0x28: {  	s2 =	sld [smem:$0x3FAA]  }
0x29: {  	s4 =	sld [smem:$0x3FAC]  }
0x2a: {  	p0 =	seq.s32 s5, $0x0;
	s5 =	sld [smem:$0x3FAD]  }
0x2b: {  	s6 =	sld [smem:$0x3FAE]  }
0x2c: {  	s7 =	sld [smem:$0x3FAF]  }
0x2d: {  	s3 =	simm.s32 $0x108;
	s8 =	sld [smem:$0x3FB0]  }
0x2e: {  	s3 =	simm.s32 @!p0 $0x1082;
	s9 =	sld [smem:$0x3FB1]  }
0x2f: {  	lr =	sadd.s32 s0, s3;
	s0 =	sld [smem:$0x3FA8]  }
0x30: {  	s3 =	sld [smem:$0x3FAB]  }
0x31: {  	[smem:$0x3FB4] =	sst s10  }
0x32: {  	s10 =	sld [smem:$0x3FB2];
	_ =	sdelay $0x3  }
0x33: {  	p0 =	seq.s32 s10, $0x1;
	s10 =	sld [smem:$0x3FB4];
	_ =	sdelay $0x3  }
0x34: {  	[smem:$0x3FB4] =	sst s10  }
0x35: {  	s10 =	sld [smem:$0x3FB3];
	_ =	sdelay $0x3  }
0x36: {  	p1 =	seq.s32 s10, $0x1;
	s10 =	sld [smem:$0x3FB4];
	_ =	sdelay $0x3  }
0x37: {  	[smem:$0x3FB4] =	sst s10  }
0x38: {  	s10 =	sld [smem:$0x3FB5]  }
0x39: {  	_ = 	snop;
	(pc) =	sbr.ind lr, $3  }
0x3a: {  	_ = 	snop  }
0x3b: {  	_ = 	snop  }
0x3c: {  	p2 =	seq.s32 s10, $0x1;
	s10 =	sld [smem:$0x3FB4]  }
0x3d: {  	_ =	shalt  }
0x3e: {  	_ =	shalt  }
0x3f: {  	_ =	shalt  }
0x40: {  	_ =	shalt  }
0x41: {  	_ =	shalt  }
0x42: {  	_ =	shalt  }
0x43: {  	_ =	shalt  }
0x44: {  	_ =	shalt  }
0x45: {  	_ =	shalt  }
0x46: {  	_ =	shalt  }
0x47: {  	_ =	shalt  }
0x48: {  	_ =	shalt  }
0x49: {  	_ =	shalt  }
0x4a: {  	_ =	shalt  }
0x4b: {  	_ =	shalt  }
0x4c: {  	_ =	shalt  }
0x4d: {  	_ =	shalt  }
0x4e: {  	_ =	shalt  }
0x4f: {  	_ =	shalt  }
0x50: {  	_ =	shalt  }
0x51: {  	_ =	shalt  }
0x52: {  	_ =	shalt  }
0x53: {  	_ =	shalt  }
0x54: {  	_ =	shalt  }
0x55: {  	_ =	shalt  }
0x56: {  	_ =	shalt  }
0x57: {  	_ =	shalt  }
0x58: {  	_ =	shalt  }
0x59: {  	_ =	shalt  }
0x5a: {  	_ =	shalt  }
0x5b: {  	_ =	shalt  }
0x5c: {  	_ =	shalt  }
0x5d: {  	_ =	shalt  }
0x5e: {  	_ =	shalt  }
0x5f: {  	_ =	shalt  }
0x60: {  	_ =	shalt  }
0x61: {  	_ =	shalt  }
0x62: {  	_ =	shalt  }
0x63: {  	_ =	shalt  }
0x64: {  	_ =	shalt  }
0x65: {  	_ =	shalt  }
0x66: {  	_ =	shalt  }
0x67: {  	_ =	shalt  }
0x68: {  	_ =	shalt  }
0x69: {  	_ =	shalt  }
0x6a: {  	_ =	shalt  }
0x6b: {  	_ =	shalt  }
0x6c: {  	_ =	shalt  }
0x6d: {  	_ =	shalt  }
0x6e: {  	_ =	shalt  }
0x6f: {  	_ =	shalt  }
0x70: {  	_ =	shalt  }
0x71: {  	_ =	shalt  }
0x72: {  	_ =	shalt  }
0x73: {  	_ =	shalt  }
0x74: {  	_ =	shalt  }
0x75: {  	_ =	shalt  }
0x76: {  	_ =	shalt  }
0x77: {  	_ =	shalt  }
0x78: {  	_ =	shalt  }
0x79: {  	_ =	shalt  }
0x7a: {  	_ =	shalt  }
0x7b: {  	_ =	shalt  }
0x7c: {  	_ =	shalt  }
0x7d: {  	_ =	shalt  }
0x7e: {  	_ =	shalt  }
0x7f: {  	_ =	shalt  }
0x80: {  	_ =	shalt  }
0x81: {  	_ =	shalt  }
0x82: {  	_ =	shalt  }
0x83: {  	_ =	shalt  }
0x84: {  	_ =	shalt  }
0x85: {  	_ =	shalt  }
0x86: {  	_ =	shalt  }
0x87: {  	_ =	shalt  }
.Lfunc_end0:
.L_simem_size_0:
called_computation.2_lowered:
.L_overlay_start_0:
0x88: {  	s2 =	sld [smem:$0x3FD9]  }
0x89: {  	s3 =	sld [smem:$0x3FFE];
	_ =	sdelay $0x1  }
0x8a: {  	s1 =	srdreg.scid  }
0x8b: {  	s0 =	sand.u32 $0x1, s1  }
0x8c: {  	s14 =	sshll.u32 s0, $0xA;
	s2 =	sadd.s32 s3, s2  }
0x8d: {  	s2 =	sadd.s32 s2, s14  }
0x8e: {  	[smem:$0x3FC0] =	sst s2  }
0x8f: {  	_ = 	snop  }
0x90: {  	s2 =	sld [smem:$0x3FD0];
	_ =	sdelay $0x2  }
0x91: {  	s15 =	simm.s32 $0xA;
	s4 =	simm.s32 $0x10  }
0x92: {  	[smem:s4], [sflag:s15] =	dma.local [hbm:s2], $0x1  }
0x93: {  	_ =	swait.eq [sflag:s15], $0x1  }
0x94: {  	[sflag:s15] =	ssyncset.done $0x0  }
0x95: {  	[sflag:s15] =	ssyncadd.s32 $0xFFFFFFFF  }
0x96: {  	s16 =	sld [smem:$0x11];
	(tm) =	ssettm $0x1  }
0x97: {  	s17 =	sld [smem:$0x3FFB];
	_ =	sdelay $0x3  }
0x98: {  	_ =	strace s17  }
0x99: {  	s3 =	sld [smem:$0x3FFC];
	_ =	sdelay $0x3  }
0x9a: {  	_ =	strace s3  }
0x9b: {  	s3 =	sld [smem:$0x3FFD];
	_ =	sdelay $0x3  }
0x9c: {  	_ =	strace s3  }
0x9d: {  	_ =	strace $0x8FFFFFFF  }
0x9e: {  	s18 =	sld [smem:$0x3FDB];
	_ =	sdelay $0x1  }
0x9f: {  	s19 =	simm.s32 $_scs_section_size  }
0xa0: {  	s5 =	simm.s32 $_size__tile_overlayer_lowered;
	s6 =	simm.s32 $_tile_overlayer_lowered  }
0xa1: {  	s22 =	simm.s32 $0x1BFF;
	s21 =	sshll.u32 s6, $0x1;
	s3 =	sadd.s32 s19, s18  }
0xa2: {  	s7 =	simm.s32 $0x0;
	s20 =	sshll.u32 s5, $0x1;
	s5 =	sadd.s32 s21, s3  }
0xa3: {  	[timem:s7], [sflag:s22] =	dma.local [hbm:s5], s20  }
0xa4: {  	_ =	swait.ge [sflag:s22], s20  }
0xa5: {  	s4 =	ssub.s32 $0x0, s20;
	[sflag:s22] =	ssyncset.done $0x0  }
0xa6: {  	[sflag:s22] =	ssyncadd.s32 s4;
	_ =	sdelay $0x1  }
0xa7: {  	s23 =	simm.s32 $0x1B8B  }
0xa8: {  	_ =	swait.ge [sflag:s23], $0x1  }
0xa9: {  	[sflag:s23] =	ssyncset.done $0x0  }
0xaa: {  	s25 =	simm.s32 $0x1B8E;
	s24 =	sld [smem:$0x3FFE];
	[sflag:s23] =	ssyncadd.s32 $0xFFFFFFFF  }
0xab: {  	s26 =	simm.s32 $execute0_lowered;
	[smem:$0x3FD2] =	sst s25  }
0xac: {  	s5 =	sshll.u32 s26, $0x1;
	_ =	strace $0x8000004C;
	[dreg:$0x1] =	wrdreg $0xFFFFFFFF  }
0xad: {  	s28 =	simm.s32 $_size_execute0_lowered;
	s3 =	sadd.s32 s3, s5;
	[dreg:$0x0] =	wrdreg $0x0  }
0xae: {  	s5 =	sshll.u32 s28, $0x1;
	[dreg:$0x2] =	wrdreg s3  }
0xaf: {  	[dreg:$0x3] =	wrdreg s5  }
0xb0: {  	[dreg:$0x4] =	wrdreg $0xC0  }
0xb1: {  	_ =	task [dreg:s7], $0x5FFFF  }
0xb2: {  	[dreg:$0x1] =	wrdreg $0xFFFFFFFF  }
0xb3: {  	[dreg:$0x0] =	wrdreg $0x60  }
0xb4: {  	[dreg:$0x2] =	wrdreg s24  }
0xb5: {  	[dreg:$0x3] =	wrdreg s16  }
0xb6: {  	[dreg:$0x4] =	wrdreg $0x128000  }
0xb7: {  	[dreg:$0x5] =	wrdreg $0x9  }
0xb8: {  	_ =	task.clear_ibuf [dreg:s7], $0x6FFFF;
	_ =	strace $0x9000004C  }
0xb9: {  	s29 =	simm.s32 $0x9;
	_ =	strace $0x8000004E  }
0xba: {  	_ =	swait.ge [sflag:s29], $0x1  }
0xbb: {  	[sflag:s29] =	ssyncadd.s32 $0xFFFFFFFF  }
0xbc: {  	_ =	strace $0x9000004E  }
0xbd: {  	_ =	sfence  }
0xbe: {  	s30 =	sld [smem:$0x0];
	_ =	sdelay $0x2  }
0xbf: {  	s31 =	sshll.u32 s1, $0xD;
	s1 =	sshrl.u32 s1, $0x2  }
0xc0: {  	s3 =	sand.u32 $0x4000, s31;
	s1 =	sadd.s32 s1, s30  }
0xc1: {  	s0 =	sor.u32 s3, s0;
	s1 =	sshll.u32 s1, $0x11  }
0xc2: {  	s0 =	sor.u32 s1, s0  }
0xc3: {  	s0 =	sadd.s32 $0x8F2B, s0  }
0xc4: {  	[sflag:s0] =	ssyncadd.remote.s32 $0x1  }
0xc5: {  	_ =	sfence.sel $0xFFFF  }
0xc6: {  	[dreg:$0x0] =	wrdreg $0xFFFFFFFF;
	(pc) =	sbr.abs _section_cstart, $3  }
0xc7: {  	[dreg:$0x1] =	wrdreg $0xFFFFFFFF  }
0xc8: {  	_ =	task.clear_ibuf [dreg:s7], $0x2FFFF;
	_ =	strace $0x9FFFFFFF  }
0xc9: {  	(tm) =	ssettm $0x7FFFFFFF  }
tec
execute0_lowered:
.L_overlay_start_1:
0x0: {  	(tag) =	ssettag $0x1  }
0x1: {  	s0 =	rddreg [dreg:$0x0]  }
0x2: {  	s2 =	rddreg [dreg:$0x2]  }
0x3: {  	s4 =	simm.s32 $0x0;
	s3 =	srdreg.scid;
	s1 =	stileid.u32  }
0x4: {  	s29 =	simm.s32 $0x80;
	s30 =	simm.s32 $0x6800;
	s9 =	smul.u32 $0x140, s1  }
0x5: {  	s31 =	simm.s32 $0x100;
	[smem:$0x7FF] =	sst s4;
	s7 =	smul.u32 $0xA0, s1  }
0x6: {  	s5 =	sadd.s32 $0xCE00, s0;
	s3 =	sand.u32 $0x1, s3;
	s13 =	smul.u32 $0x28000, s1  }
0x7: {  	s6 =	sadd.s32 $0x16E00, s0;
	s0 =	sadd.s32 $0x3EE00, s0;
	s26 =	smul.u32 $0xA000, s1  }
0x8: {  	_ =	strace $0x8000004D;
	s8 =	smul.u32 $0x1400, s3;
	s10 =	ssub.s32 $0x2, s3  }
0x9: {  	s11 =	sshll.u32 s3, $0x4;
	s3 =	smul.u32 $0xA0000, s3;
	s12 =	sshrl.u32 s10, $0x1  }
0xa: {  	s11 =	sor.u32 s1, s11;
	s20 =	sshrl.u32 s13, $0x2;
	s1 =	simm.s32 $0x0  }
0xb: {  	s10 =	ssub.s32 s10, s12;
	s19 =	sadd.s32 s8, s9;
	s8 =	smul.u32 $0xA0, s11  }
0xc: {  	s11 =	sadd.s32 s20, s2;
	s9 =	sshll.u32 s9, $0x7;
	[dreg:$0x14] =	wrdreg s1  }
0xd: {  	s13 =	sadd.s32 s3, s26;
	s12 =	sshll.u32 s19, $0x4;
	[dreg:$0x4] =	wrdreg s11  }
0xe: {  	s10 =	smax.u32 s10, $0x1;
	s22 =	sadd.s32 $0x2000, s9;
	s24 =	sadd.s32 $0x4000, s9  }
0xf: {  	s25 =	sadd.s32 $0x6000, s9;
	s9 =	sadd.s32 $0x8000, s9;
	s20 =	sshrl.u32 s13, $0x3  }
0x10: {  	s13 =	simm.s32 $0x2780;
	s14 =	sadd.s32 s6, s12;
	[dreg:$0x6] =	wrdreg s10  }
0x11: {  	s17 =	sadd.s32 s22, s2;
	s19 =	sadd.s32 s24, s2;
	[dreg:$0x5] =	wrdreg s14  }
0x12: {  	s15 =	sadd.s32 s25, s2;
	s10 =	sadd.s32 s3, s22;
	[dreg:$0x8] =	wrdreg s17  }
0x13: {  	s11 =	sadd.s32 s3, s24;
	s12 =	sadd.s32 s3, s25;
	[dreg:$0xa] =	wrdreg s19  }
0x14: {  	s3 =	sadd.s32 s3, s9;
	s28 =	sadd.s32 s9, s2;
	[dreg:$0xc] =	wrdreg s15  }
0x15: {  	s9 =	simm.s32 $0x2700;
	s21 =	sadd.s32 $0x400, s14;
	[dreg:$0xe] =	wrdreg s28  }
0x16: {  	s23 =	sadd.s32 $0x800, s14;
	s16 =	sadd.s32 $0xC00, s14;
	[dreg:$0x7] =	wrdreg s21  }
0x17: {  	s18 =	sadd.s32 $0x1000, s14;
	s10 =	sshrl.u32 s10, $0x3;
	[dreg:$0x9] =	wrdreg s23  }
0x18: {  	s25 =	sshrl.u32 s12, $0x3;
	s3 =	sshrl.u32 s3, $0x3;
	[dreg:$0xb] =	wrdreg s16  }
0x19: {  	s12 =	simm.s32 $0x1;
	s14 =	simm.s32 $0x5;
	[dreg:$0xd] =	wrdreg s18  }
0x1a: {  	s21 =	sadd.s32 s0, s20;
	s22 =	sadd.s32 s0, s10;
	s23 =	sshrl.u32 s11, $0x3  }
0x1b: {  	s26 =	sadd.s32 s0, s25;
	s25 =	simm.s32 $0x2800;
	s11 =	simm.s32 $0xE800  }
0x1c: {  	s16 =	simm.s32 $0x2;
	s18 =	simm.s32 $0x6;
	[dreg:$0xf] =	wrdreg s21  }
0x1d: {  	s20 =	simm.s32 $0x3;
	s10 =	simm.s32 $0x2680;
	[dreg:$0x10] =	wrdreg s22  }
0x1e: {  	s24 =	sadd.s32 s0, s23;
	[dreg:$0x12] =	wrdreg s26;
	s0 =	sadd.s32 s0, s3  }
0x1f: {  	s26 =	simm.s32 $0x9;
	s3 =	simm.s32 $0x180;
	s21 =	simm.s32 $0x7  }
0x20: {  	s22 =	simm.s32 $0x4;
	s23 =	simm.s32 $0x8;
	[dreg:$0x11] =	wrdreg s24  }
0x21: {  	[dreg:$0x13] =	wrdreg s0;
	s0 =	simm.s32 $0xA800;
	s24 =	simm.s32 $0x2600  }
.LBB2_1:
0x22: {  	s1 =	rddreg [dreg:$0x5]  }
0x23: {  	[tilespmem:s25], [sflag:$0x9] =	stream.linear.gather [hbm4b:s1+s4], $0x2000, $0x38;
	[tilespmem:$0x1CC00] =	vst v63  }
0x24: {  	_ =	swait.ge [sflag:s26], $0x2000  }
0x25: {  	[sflag:s26] =	ssyncset.done $0x0  }
0x26: {  	s1 =	rddreg [dreg:$0x4];
	[sflag:s26] =	ssyncadd.s32 $0xFFFFE000  }
0x27: {  	[spmem:s1] =	stream.linear.scatter [tilespmem:s25], [sflag:$0x9], $0x2000, $0x38;
	[tilespmem:$0x1CC00] =	vst v63  }
0x28: {  	_ =	swait.ge [sflag:s26], $0x2000  }
0x29: {  	[sflag:s26] =	ssyncset.done $0x0  }
0x2a: {  	s1 =	rddreg [dreg:$0x7];
	[sflag:s26] =	ssyncadd.s32 $0xFFFFE000  }
0x2b: {  	[tilespmem:s25], [sflag:$0x9] =	stream.linear.gather [hbm4b:s1+s4], $0x2000, $0x38;
	[tilespmem:$0x1CC00] =	vst v63  }
0x2c: {  	_ =	swait.ge [sflag:s26], $0x2000  }
0x2d: {  	[sflag:s26] =	ssyncset.done $0x0  }
0x2e: {  	[sflag:s26] =	ssyncadd.s32 $0xFFFFE000  }
0x2f: {  	[spmem:s17] =	stream.linear.scatter [tilespmem:s25], [sflag:$0x9], $0x2000, $0x38;
	[tilespmem:$0x1CC00] =	vst v63  }
0x30: {  	_ =	swait.ge [sflag:s26], $0x2000  }
0x31: {  	[sflag:s26] =	ssyncset.done $0x0  }
0x32: {  	s17 =	rddreg [dreg:$0x9];
	[sflag:s26] =	ssyncadd.s32 $0xFFFFE000  }
0x33: {  	[tilespmem:s25], [sflag:$0x9] =	stream.linear.gather [hbm4b:s17+s4], $0x2000, $0x38;
	[tilespmem:$0x1CC00] =	vst v63  }
0x34: {  	_ =	swait.ge [sflag:s26], $0x2000  }
0x35: {  	[sflag:s26] =	ssyncset.done $0x0  }
0x36: {  	[sflag:s26] =	ssyncadd.s32 $0xFFFFE000  }
0x37: {  	[spmem:s19] =	stream.linear.scatter [tilespmem:s25], [sflag:$0x9], $0x2000, $0x38;
	[tilespmem:$0x1CC00] =	vst v63  }
0x38: {  	_ =	swait.ge [sflag:s26], $0x2000  }
0x39: {  	[sflag:s26] =	ssyncset.done $0x0  }
0x3a: {  	s17 =	rddreg [dreg:$0xb];
	[sflag:s26] =	ssyncadd.s32 $0xFFFFE000  }
0x3b: {  	[tilespmem:s25], [sflag:$0x9] =	stream.linear.gather [hbm4b:s17+s4], $0x2000, $0x38;
	[tilespmem:$0x1CC00] =	vst v63  }
0x3c: {  	_ =	swait.ge [sflag:s26], $0x2000  }
0x3d: {  	[sflag:s26] =	ssyncset.done $0x0  }
0x3e: {  	[sflag:s26] =	ssyncadd.s32 $0xFFFFE000  }
0x3f: {  	[spmem:s15] =	stream.linear.scatter [tilespmem:s25], [sflag:$0x9], $0x2000, $0x38;
	[tilespmem:$0x1CC00] =	vst v63  }
0x40: {  	_ =	swait.ge [sflag:s26], $0x2000  }
0x41: {  	[sflag:s26] =	ssyncset.done $0x0  }
0x42: {  	s19 =	rddreg [dreg:$0xd];
	[sflag:s26] =	ssyncadd.s32 $0xFFFFE000  }
0x43: {  	[tilespmem:s25], [sflag:$0x9] =	stream.linear.gather [hbm4b:s19+s4], $0x2000, $0x38;
	[tilespmem:$0x1CC00] =	vst v63  }
0x44: {  	_ =	swait.ge [sflag:s26], $0x2000  }
0x45: {  	[sflag:s26] =	ssyncset.done $0x0  }
0x46: {  	[sflag:s26] =	ssyncadd.s32 $0xFFFFE000  }
0x47: {  	[spmem:s28] =	stream.linear.scatter [tilespmem:s25], [sflag:$0x9], $0x2000, $0x38;
	[tilespmem:$0x1CC00] =	vst v63  }
0x48: {  	_ =	swait.ge [sflag:s26], $0x2000  }
0x49: {  	[sflag:s26] =	ssyncset.done $0x0  }
0x4a: {  	[sflag:s26] =	ssyncadd.s32 $0xFFFFE000  }
0x4b: {  	s17 =	simm.s32 $0x0;
	s28 =	simm.s32 $0x1400;
	[bflag:$0x0] =	sbarrier.arrive $0xFFFF  }
.LBB2_2:
0x4c: {  	s15 =	smul.u32 $0x28, s17;
	_ =	sdelay $0x1  }
0x4d: {  	s19 =	sadd.s32 s7, s15  }
0x4e: {  	s19 =	sshll.u32 s19, $0x4  }
0x4f: {  	s19 =	sadd.s32 s5, s19  }
0x50: {  	[tilespmem:s4], [sflag:$0x9] =	stream.linear.gather [hbm4b:s19+s4], $0x1400, $0x38;
	[tilespmem:$0x1CC00] =	vst v63  }
0x51: {  	_ =	swait.ge [sflag:s26], $0x1400  }
0x52: {  	[sflag:s26] =	ssyncset.done $0x0  }
0x53: {  	s15 =	sadd.s32 s8, s15;
	[sflag:s26] =	ssyncadd.s32 $0xFFFFEC00  }
0x54: {  	s15 =	sshll.u32 s15, $0x4;
	s1 =	rddreg [dreg:$0x1]  }
0x55: {  	s15 =	sadd.s32 s1, s15  }
0x56: {  	[tilespmem:s28], [sflag:$0x9] =	stream.linear.gather [hbm4b:s15+s4], $0x1400, $0x38;
	[tilespmem:$0x1CC00] =	vst v63  }
0x57: {  	_ =	swait.ge [sflag:s26], $0x1400  }
0x58: {  	p0 =	seq.s32 s17, $0x0;
	[sflag:s26] =	ssyncset.done $0x0  }
0x59: {  	s15 =	simm.s32 @!p0 $0x5;
	[sflag:s26] =	ssyncadd.s32 $0xFFFFEC00  }
0x5a: {  	_ =	swait.ge @!p0 [sflag:s15], $0x4000  }
0x5b: {  	[sflag:s15] =	ssyncset.done @!p0 $0x0  }
0x5c: {  	[sflag:s15] =	ssyncadd.s32 @!p0 $0xFFFFC000;
	s15 =	simm.s32 @!p0 $0x6  }
0x5d: {  	_ =	swait.ge @!p0 [sflag:s15], $0x4000  }
0x5e: {  	[sflag:s15] =	ssyncset.done @!p0 $0x0  }
0x5f: {  	[sflag:s15] =	ssyncadd.s32 @!p0 $0xFFFFC000;
	s15 =	simm.s32 @!p0 $0x7  }
0x60: {  	_ =	swait.ge @!p0 [sflag:s15], $0x4000  }
0x61: {  	[sflag:s15] =	ssyncset.done @!p0 $0x0  }
0x62: {  	[sflag:s15] =	ssyncadd.s32 @!p0 $0xFFFFC000;
	s15 =	simm.s32 @!p0 $0x8  }
0x63: {  	_ =	swait.ge @!p0 [sflag:s15], $0x4000  }
0x64: {  	[sflag:s15] =	ssyncset.done @!p0 $0x0  }
0x65: {  	s1 =	simm.s32 $0x0;
	[sflag:s15] =	ssyncadd.s32 @!p0 $0xFFFFC000  }
0x66: {  	[tilespmem:s25], [sflag:$0x1] =	stream.indirect.gather [hbm4b:s6+s29], $0x80, s1, s29, $0xb8;
	[tilespmem:$0x1CC00] =	vst v63  }
0x67: {  	_ = 	snop  }
0x68: {  	[tilespmem:s30], [sflag:$0x2] =	stream.indirect.gather [hbm4b:s6+s29], $0x80, s29, s29, $0xb8;
	[tilespmem:$0x1CC00] =	vst v63  }
0x69: {  	_ = 	snop  }
0x6a: {  	[tilespmem:s0], [sflag:$0x3] =	stream.indirect.gather [hbm4b:s6+s29], $0x80, s31, s29, $0xb8;
	[tilespmem:$0x1CC00] =	vst v63  }
0x6b: {  	_ = 	snop  }
0x6c: {  	[tilespmem:s11], [sflag:$0x4] =	stream.indirect.gather [hbm4b:s6+s29], $0x80, s3, s29, $0xb8;
	[tilespmem:$0x1CC00] =	vst v63  }
0x6d: {  	_ =	swait.ge [sflag:s12], $0x4000  }
0x6e: {  	[sflag:s12] =	ssyncset.done $0x0  }
0x6f: {  	s19 =	simm.s32 $0x1400;
	[sflag:s12] =	ssyncadd.s32 $0xFFFFC000  }
0x70: {  	[spmem:s2] =	stream.indirect.scatter.add.f32 [tilespmem:s25], [sflag:$0x5], $0x80, s19, s29, $0xb8;
	[tilespmem:$0x1CC00] =	vst v63  }
0x71: {  	_ =	swait.ge [sflag:s14], $0x4000  }
0x72: {  	[sflag:s14] =	ssyncset.done $0x0  }
0x73: {  	s1 =	simm.s32 $0x200;
	[sflag:s14] =	ssyncadd.s32 $0xFFFFC000  }
0x74: {  	[tilespmem:s25], [sflag:$0x1] =	stream.indirect.gather [hbm4b:s6+s29], $0x80, s1, s29, $0xb8;
	[tilespmem:$0x1CC00] =	vst v63  }
0x75: {  	_ =	swait.ge [sflag:s16], $0x4000  }
0x76: {  	[sflag:s16] =	ssyncset.done $0x0  }
0x77: {  	s19 =	simm.s32 $0x1480;
	[sflag:s16] =	ssyncadd.s32 $0xFFFFC000  }
0x78: {  	[spmem:s2] =	stream.indirect.scatter.add.f32 [tilespmem:s30], [sflag:$0x6], $0x80, s19, s29, $0xb8;
	[tilespmem:$0x1CC00] =	vst v63  }
0x79: {  	_ =	swait.ge [sflag:s18], $0x4000  }
0x7a: {  	[sflag:s18] =	ssyncset.done $0x0  }
0x7b: {  	s1 =	simm.s32 $0x280;
	[sflag:s18] =	ssyncadd.s32 $0xFFFFC000  }
0x7c: {  	[tilespmem:s30], [sflag:$0x2] =	stream.indirect.gather [hbm4b:s6+s29], $0x80, s1, s29, $0xb8;
	[tilespmem:$0x1CC00] =	vst v63  }
0x7d: {  	_ =	swait.ge [sflag:s20], $0x4000  }
0x7e: {  	[sflag:s20] =	ssyncset.done $0x0  }
0x7f: {  	s19 =	simm.s32 $0x1500;
	[sflag:s20] =	ssyncadd.s32 $0xFFFFC000  }
0x80: {  	[spmem:s2] =	stream.indirect.scatter.add.f32 [tilespmem:s0], [sflag:$0x7], $0x80, s19, s29, $0xb8;
	[tilespmem:$0x1CC00] =	vst v63  }
0x81: {  	_ =	swait.ge [sflag:s21], $0x4000  }
0x82: {  	[sflag:s21] =	ssyncset.done $0x0  }
0x83: {  	s1 =	simm.s32 $0x300;
	[sflag:s21] =	ssyncadd.s32 $0xFFFFC000  }
0x84: {  	[tilespmem:s0], [sflag:$0x3] =	stream.indirect.gather [hbm4b:s6+s29], $0x80, s1, s29, $0xb8;
	[tilespmem:$0x1CC00] =	vst v63  }
0x85: {  	_ =	swait.ge [sflag:s22], $0x4000  }
0x86: {  	[sflag:s22] =	ssyncset.done $0x0  }
0x87: {  	s19 =	simm.s32 $0x1580;
	[sflag:s22] =	ssyncadd.s32 $0xFFFFC000  }
0x88: {  	[spmem:s2] =	stream.indirect.scatter.add.f32 [tilespmem:s11], [sflag:$0x8], $0x80, s19, s29, $0xb8;
	[tilespmem:$0x1CC00] =	vst v63  }
0x89: {  	_ =	swait.ge [sflag:s23], $0x4000  }
0x8a: {  	[sflag:s23] =	ssyncset.done $0x0  }
0x8b: {  	s15 =	simm.s32 $0x380;
	s19 =	simm.s32 $0x800;
	[sflag:s23] =	ssyncadd.s32 $0xFFFFC000  }
.LBB2_3:
0x8c: {  	[tilespmem:s11], [sflag:$0x4] =	stream.indirect.gather [hbm4b:s6+s29], $0x80, s15, s29, $0xb8;
	[tilespmem:$0x1CC00] =	vst v63  }
0x8d: {  	s15 =	smov.u32 s19  }
0x8e: {  	p0 =	sne.s32 s19, $0x4000;
	s19 =	sadd.s32 $0x800, s19;
	_ =	swait.ge [sflag:s12], $0x4000  }
0x8f: {  	s15 =	sshra.s32 s15, $0x2;
	[sflag:s12] =	ssyncset.done $0x0  }
0x90: {  	s1 =	sadd.s32 $0x1400, s15;
	[sflag:s12] =	ssyncadd.s32 $0xFFFFC000  }
0x91: {  	[spmem:s2] =	stream.indirect.scatter.add.f32 [tilespmem:s25], [sflag:$0x5], $0x80, s1, s29, $0xb8;
	[tilespmem:$0x1CC00] =	vst v63  }
0x92: {  	_ =	swait.ge [sflag:s14], $0x4000  }
0x93: {  	[sflag:s14] =	ssyncset.done $0x0  }
0x94: {  	s1 =	sadd.s32 $0x200, s15;
	[sflag:s14] =	ssyncadd.s32 $0xFFFFC000  }
0x95: {  	[tilespmem:s25], [sflag:$0x1] =	stream.indirect.gather [hbm4b:s6+s29], $0x80, s1, s29, $0xb8;
	[tilespmem:$0x1CC00] =	vst v63  }
0x96: {  	_ =	swait.ge [sflag:s16], $0x4000  }
0x97: {  	[sflag:s16] =	ssyncset.done $0x0  }
0x98: {  	s1 =	sadd.s32 $0x1480, s15;
	[sflag:s16] =	ssyncadd.s32 $0xFFFFC000  }
0x99: {  	[spmem:s2] =	stream.indirect.scatter.add.f32 [tilespmem:s30], [sflag:$0x6], $0x80, s1, s29, $0xb8;
	[tilespmem:$0x1CC00] =	vst v63  }
0x9a: {  	_ =	swait.ge [sflag:s18], $0x4000  }
0x9b: {  	[sflag:s18] =	ssyncset.done $0x0  }
0x9c: {  	s1 =	sadd.s32 $0x280, s15;
	[sflag:s18] =	ssyncadd.s32 $0xFFFFC000  }
0x9d: {  	[tilespmem:s30], [sflag:$0x2] =	stream.indirect.gather [hbm4b:s6+s29], $0x80, s1, s29, $0xb8;
	[tilespmem:$0x1CC00] =	vst v63  }
0x9e: {  	_ =	swait.ge [sflag:s20], $0x4000  }
0x9f: {  	[sflag:s20] =	ssyncset.done $0x0  }
0xa0: {  	s1 =	sadd.s32 $0x1500, s15;
	[sflag:s20] =	ssyncadd.s32 $0xFFFFC000  }
0xa1: {  	[spmem:s2] =	stream.indirect.scatter.add.f32 [tilespmem:s0], [sflag:$0x7], $0x80, s1, s29, $0xb8;
	[tilespmem:$0x1CC00] =	vst v63  }
0xa2: {  	_ =	swait.ge [sflag:s21], $0x4000  }
0xa3: {  	[sflag:s21] =	ssyncset.done $0x0  }
0xa4: {  	s1 =	sadd.s32 $0x300, s15;
	[sflag:s21] =	ssyncadd.s32 $0xFFFFC000  }
0xa5: {  	[tilespmem:s0], [sflag:$0x3] =	stream.indirect.gather [hbm4b:s6+s29], $0x80, s1, s29, $0xb8;
	[tilespmem:$0x1CC00] =	vst v63  }
0xa6: {  	_ =	swait.ge [sflag:s22], $0x4000  }
0xa7: {  	[sflag:s22] =	ssyncset.done $0x0  }
.Ltmp0:
0xa8: {  	s1 =	sadd.s32 $0x1580, s15;
	[sflag:s22] =	ssyncadd.s32 $0xFFFFC000;
	(pc) =	sbr.rel @p0 .LBB2_3-.Ltmp0, $4  }
0xa9: {  	[spmem:s2] =	stream.indirect.scatter.add.f32 [tilespmem:s11], [sflag:$0x8], $0x80, s1, s29, $0xb8;
	[tilespmem:$0x1CC00] =	vst v63  }
0xaa: {  	_ =	swait.ge [sflag:s23], $0x4000  }
0xab: {  	[sflag:s23] =	ssyncset.done $0x0  }
0xac: {  	s15 =	sadd.s32 $0x380, s15;
	[sflag:s23] =	ssyncadd.s32 $0xFFFFC000  }
0xad: {  	[tilespmem:s11], [sflag:$0x4] =	stream.indirect.gather [hbm4b:s6+s29], $0x80, s15, s29, $0xb8;
	[tilespmem:$0x1CC00] =	vst v63  }
0xae: {  	_ =	swait.ge [sflag:s12], $0x4000  }
0xaf: {  	[sflag:s12] =	ssyncset.done $0x0  }
0xb0: {  	[sflag:s12] =	ssyncadd.s32 $0xFFFFC000  }
0xb1: {  	[spmem:s2] =	stream.indirect.scatter.add.f32 [tilespmem:s25], [sflag:$0x5], $0x80, s24, s29, $0xb8;
	[tilespmem:$0x1CC00] =	vst v63  }
0xb2: {  	_ =	swait.ge [sflag:s16], $0x4000  }
0xb3: {  	[sflag:s16] =	ssyncset.done $0x0  }
0xb4: {  	[sflag:s16] =	ssyncadd.s32 $0xFFFFC000  }
0xb5: {  	[spmem:s2] =	stream.indirect.scatter.add.f32 [tilespmem:s30], [sflag:$0x6], $0x80, s10, s29, $0xb8;
	[tilespmem:$0x1CC00] =	vst v63  }
0xb6: {  	_ =	swait.ge [sflag:s20], $0x4000  }
0xb7: {  	s17 =	sadd.s32 $0x1, s17;
	[sflag:s20] =	ssyncset.done $0x0  }
0xb8: {  	p0 =	sne.s32 s17, $0x4;
	[sflag:s20] =	ssyncadd.s32 $0xFFFFC000  }
0xb9: {  	[spmem:s2] =	stream.indirect.scatter.add.f32 [tilespmem:s0], [sflag:$0x7], $0x80, s9, s29, $0xb8;
	[tilespmem:$0x1CC00] =	vst v63  }
.Ltmp1:
0xba: {  	_ = 	snop;
	(pc) =	sbr.rel @p0 .LBB2_2-.Ltmp1, $4  }
0xbb: {  	_ =	swait.ge [sflag:s22], $0x4000  }
0xbc: {  	[sflag:s22] =	ssyncset.done $0x0  }
0xbd: {  	[sflag:s22] =	ssyncadd.s32 $0xFFFFC000  }
0xbe: {  	[spmem:s2] =	stream.indirect.scatter.add.f32 [tilespmem:s11], [sflag:$0x8], $0x80, s13, s29, $0xb8;
	[tilespmem:$0x1CC00] =	vst v63  }
0xbf: {  	_ =	swait.ge [sflag:s14], $0x4000  }
0xc0: {  	[sflag:s14] =	ssyncset.done $0x0  }
0xc1: {  	[sflag:s14] =	ssyncadd.s32 $0xFFFFC000  }
0xc2: {  	_ =	swait.ge [sflag:s18], $0x4000  }
0xc3: {  	[sflag:s18] =	ssyncset.done $0x0  }
0xc4: {  	[sflag:s18] =	ssyncadd.s32 $0xFFFFC000  }
0xc5: {  	_ =	swait.ge [sflag:s21], $0x4000  }
0xc6: {  	[sflag:s21] =	ssyncset.done $0x0  }
0xc7: {  	[sflag:s21] =	ssyncadd.s32 $0xFFFFC000  }
0xc8: {  	_ =	swait.ge [sflag:s23], $0x4000  }
0xc9: {  	[sflag:s23] =	ssyncset.done $0x0  }
0xca: {  	[sflag:s23] =	ssyncadd.s32 $0xFFFFC000  }
0xcb: {  	[bflag:$0x0] =	sbarrier.arrive $0xFFFF  }
0xcc: {  	s1 =	rddreg [dreg:$0x4]  }
0xcd: {  	[tilespmem:s25], [sflag:$0x9] =	stream.linear.gather [spmem:s1], $0x2000, $0x38;
	[tilespmem:$0x1CC00] =	vst v63  }
0xce: {  	_ =	swait.ge [sflag:s26], $0x2000  }
0xcf: {  	[sflag:s26] =	ssyncset.done $0x0  }
0xd0: {  	s17 =	rddreg [dreg:$0xf];
	[sflag:s26] =	ssyncadd.s32 $0xFFFFE000  }
0xd1: {  	[hbm4b:s17+s4] =	stream.linear.scatter [tilespmem:s25], [sflag:$0x9], $0x2000, $0x38;
	[tilespmem:$0x1CC00] =	vst v63  }
0xd2: {  	_ =	swait.ge [sflag:s26], $0x2000  }
0xd3: {  	[sflag:s26] =	ssyncset.done $0x0  }
0xd4: {  	s17 =	rddreg [dreg:$0x8];
	[sflag:s26] =	ssyncadd.s32 $0xFFFFE000  }
0xd5: {  	[tilespmem:s25], [sflag:$0x9] =	stream.linear.gather [spmem:s17], $0x2000, $0x38;
	[tilespmem:$0x1CC00] =	vst v63  }
0xd6: {  	_ =	swait.ge [sflag:s26], $0x2000  }
0xd7: {  	[sflag:s26] =	ssyncset.done $0x0  }
0xd8: {  	s19 =	rddreg [dreg:$0x10];
	[sflag:s26] =	ssyncadd.s32 $0xFFFFE000  }
0xd9: {  	[hbm4b:s19+s4] =	stream.linear.scatter [tilespmem:s25], [sflag:$0x9], $0x2000, $0x38;
	[tilespmem:$0x1CC00] =	vst v63  }
0xda: {  	_ =	swait.ge [sflag:s26], $0x2000  }
0xdb: {  	[sflag:s26] =	ssyncset.done $0x0  }
0xdc: {  	s19 =	rddreg [dreg:$0xa];
	[sflag:s26] =	ssyncadd.s32 $0xFFFFE000  }
0xdd: {  	[tilespmem:s25], [sflag:$0x9] =	stream.linear.gather [spmem:s19], $0x2000, $0x38;
	[tilespmem:$0x1CC00] =	vst v63  }
0xde: {  	_ =	swait.ge [sflag:s26], $0x2000  }
0xdf: {  	[sflag:s26] =	ssyncset.done $0x0  }
0xe0: {  	s15 =	rddreg [dreg:$0x11];
	[sflag:s26] =	ssyncadd.s32 $0xFFFFE000  }
0xe1: {  	[hbm4b:s15+s4] =	stream.linear.scatter [tilespmem:s25], [sflag:$0x9], $0x2000, $0x38;
	[tilespmem:$0x1CC00] =	vst v63  }
0xe2: {  	_ =	swait.ge [sflag:s26], $0x2000  }
0xe3: {  	[sflag:s26] =	ssyncset.done $0x0  }
0xe4: {  	s15 =	rddreg [dreg:$0xc];
	[sflag:s26] =	ssyncadd.s32 $0xFFFFE000  }
0xe5: {  	[tilespmem:s25], [sflag:$0x9] =	stream.linear.gather [spmem:s15], $0x2000, $0x38;
	[tilespmem:$0x1CC00] =	vst v63  }
0xe6: {  	_ =	swait.ge [sflag:s26], $0x2000  }
0xe7: {  	[sflag:s26] =	ssyncset.done $0x0  }
0xe8: {  	s1 =	rddreg [dreg:$0x12];
	[sflag:s26] =	ssyncadd.s32 $0xFFFFE000  }
0xe9: {  	[hbm4b:s1+s4] =	stream.linear.scatter [tilespmem:s25], [sflag:$0x9], $0x2000, $0x38;
	[tilespmem:$0x1CC00] =	vst v63  }
0xea: {  	_ =	swait.ge [sflag:s26], $0x2000  }
0xeb: {  	[sflag:s26] =	ssyncset.done $0x0  }
0xec: {  	s28 =	rddreg [dreg:$0xe];
	[sflag:s26] =	ssyncadd.s32 $0xFFFFE000  }
0xed: {  	[tilespmem:s25], [sflag:$0x9] =	stream.linear.gather [spmem:s28], $0x2000, $0x38;
	[tilespmem:$0x1CC00] =	vst v63  }
0xee: {  	_ =	swait.ge [sflag:s26], $0x2000  }
0xef: {  	[sflag:s26] =	ssyncset.done $0x0  }
0xf0: {  	s1 =	rddreg [dreg:$0x13];
	[sflag:s26] =	ssyncadd.s32 $0xFFFFE000  }
0xf1: {  	[hbm4b:s1+s4] =	stream.linear.scatter [tilespmem:s25], [sflag:$0x9], $0x2000, $0x38;
	[tilespmem:$0x1CC00] =	vst v63  }
0xf2: {  	_ =	swait.ge [sflag:s26], $0x2000  }
0xf3: {  	s31 =	rddreg [dreg:$0x14]  }
0xf4: {  	s1 =	rddreg [dreg:$0x6];
	s31 =	sadd.s32 $0x1, s31  }
0xf5: {  	p0 =	sne.s32 s31, s1  }
.Ltmp2:
0xf6: {  	_ = 	snop;
	(pc) =	sbr.rel @p0 .LBB2_1-.Ltmp2, $3  }
0xf7: {  	_ =	sdelay $0x1  }
0xf8: {  	[sflag:s26] =	ssyncset.done $0x0  }
0xf9: {  	[sflag:s26] =	ssyncadd.s32 $0xFFFFE000;
	[dreg:$0x14] =	wrdreg s31;
	s31 =	simm.s32 $0x100  }
0xfa: {  	_ =	sfence.sel $0x180000  }
0xfb: {  	[bflag:$0x0] =	sbarrier.arrive $0xFFFF  }
0xfc: {  	_ =	strace $0x9000004D  }
0xfd: {  	s0 =	stileid.u32;
	[bflag:$0x2] =	sbarrier.arrive $0xFFFF  }
0xfe: {  	p0 =	sne.s32 s0, $0x0;
	s0 =	rddreg [dreg:$0x3]  }
0xff: {  	s0 =	sadd.s32 @!p0 $0x100000, s0  }
0x100: {  	[sflag:s0] =	ssyncadd.tile.s32 @!p0 $0x1;
	_ =	shalt  }
.Lfunc_end2:
_tile_overlayer_lowered:
.L_overlay_start_2:
0x101: {  	(tag) =	ssettag $0x2  }
0x102: {  	s0 =	rddreg [dreg:$0x0];
	s2 =	stileid.u32  }
0x103: {  	s1 =	rddreg [dreg:$0x1];
	p0 =	sne.s32 s2, $0x0  }
0x104: {  	s3 =	rddreg [dreg:$0x2];
	[bflag:$0x3] =	sbarrier.arrive $0xFFFF;
	s2 =	simm.s32 @!p0 $0x1C09  }
0x105: {  	[timem:s3], [sflag:s2] =	dma.local @!p0 [hbm:s0], s1  }
0x106: {  	s0 =	simm.s32 @!p0 $0x9  }
0x107: {  	_ =	swait.ge @!p0 [sflag:s0], s1  }
0x108: {  	s1 =	ssub.s32 @!p0 $0x0, s1;
	[sflag:s0] =	ssyncset.done @!p0 $0x0  }
0x109: {  	[sflag:s0] =	ssyncadd.s32 @!p0 s1  }
0x10a: {  	[bflag:$0x3] =	sbarrier.arrive $0xFFFF  }
0x10b: {  	_ =	shalt  }

</sc_bundles>
